<compile_context>
chip_gen: v7x
topology: tpu7x:2x2x1
jax: 0.10.2.dev20260603
libtpu: 0.0.44.dev20260713+nightly
codegen_flags: <defaults>
</compile_context>

<pallas_src>
import functools

import jax
import jax.numpy as jnp
from jax import lax
from jax.experimental import pallas as pl
from jax.experimental.pallas import tpu as pltpu
from jax.experimental.pallas import tpu_sc as plsc

BATCH = 16384
DIM = 64
PACKED_DIM = 2 * DIM
LANES = 16
NUM_CORES = 2
NUM_SUBCORES = 16
NUM_WORKERS = NUM_CORES * NUM_SUBCORES
ROWS_PER_WORKER = BATCH // NUM_WORKERS
CHUNK = 128
NCHUNKS = ROWS_PER_WORKER // CHUNK
GROUPS = CHUNK // LANES

_mesh = plsc.VectorSubcoreMesh(core_axis_name="c", subcore_axis_name="s")

_cp = pltpu.CompilerParams(needs_layout_passes=False,
                           use_tc_tiling_on_sc=True)


@functools.partial(
    pl.kernel,
    out_type=jax.ShapeDtypeStruct((BATCH,), jnp.float32),
    mesh=_mesh,
    compiler_params=_cp,
    scratch_types=(
        [pltpu.VMEM((8, CHUNK), jnp.int32)] * 2 +
        [pltpu.VMEM((CHUNK,), jnp.int32)] * 6 +
        [pltpu.VMEM((CHUNK, PACKED_DIM), jnp.int32)] * 6 +
        [pltpu.VMEM((CHUNK,), jnp.float32)] * 2 +
        [pltpu.SemaphoreType.DMA] * 6
    ),
)
def _transe_sc(idx_hbm, ent_hbm, rel_hbm, out_hbm,
               idx_v0, idx_v1, hg_v0, hg_v1, rg_v0, rg_v1, tg_v0, tg_v1,
               h_v0, h_v1, r_v0, r_v1, t_v0, t_v1, o_v0, o_v1,
               sem_h0, sem_h1, sem_r0, sem_r1, sem_t0, sem_t1):
    wid = lax.axis_index("s") * NUM_CORES + lax.axis_index("c")
    bufs = [
        (idx_v0, hg_v0, rg_v0, tg_v0, h_v0, r_v0, t_v0, o_v0,
         sem_h0, sem_r0, sem_t0),
        (idx_v1, hg_v1, rg_v1, tg_v1, h_v1, r_v1, t_v1, o_v1,
         sem_h1, sem_r1, sem_t1),
    ]

    def issue(c):
        idx_v, hg_v, rg_v, tg_v, h_v, r_v, t_v, _, sh, sr, st = bufs[c & 1]
        base = wid * ROWS_PER_WORKER + c * CHUNK
        pltpu.sync_copy(idx_hbm.at[:, pl.ds(base, CHUNK)], idx_v)

        @pl.loop(0, CHUNK // LANES)
        def _stage(i):
            sl = pl.ds(i * LANES, LANES)
            hg_v[sl] = idx_v[0, sl]
            rg_v[sl] = idx_v[1, sl]
            tg_v[sl] = idx_v[2, sl]

        return (pltpu.async_copy(ent_hbm.at[hg_v], h_v, sh),
                pltpu.async_copy(rel_hbm.at[rg_v], r_v, sr),
                pltpu.async_copy(ent_hbm.at[tg_v], t_v, st))

    def compute(c, handles):
        idx_v, _, _, _, h_v, r_v, t_v, o_v, _, _, _ = bufs[c & 1]
        base = wid * ROWS_PER_WORKER + c * CHUNK
        for hnd in handles:
            hnd.wait()

        @pl.loop(0, GROUPS)
        def _group(g):
            rows = g * LANES + lax.iota(jnp.int32, LANES)
            hp = idx_v[3, pl.ds(g * LANES, LANES)]
            rp = idx_v[4, pl.ds(g * LANES, LANES)]
            tp = idx_v[5, pl.ds(g * LANES, LANES)]
            himask = jnp.full((LANES,), -0x10000, jnp.int32)

            def unpack(v):
                lo = lax.bitcast_convert_type(lax.shift_left(v, 16),
                                              jnp.float32)
                hi = lax.bitcast_convert_type(v & himask, jnp.float32)
                return lo, hi

            def body(d, accs):
                acc_lo, acc_hi = accs
                hl, hh = unpack(plsc.load_gather(h_v, [rows, hp + d]))
                rl, rh = unpack(plsc.load_gather(r_v, [rows, rp + d]))
                tl, th = unpack(plsc.load_gather(t_v, [rows, tp + d]))
                return (acc_lo + jnp.abs(hl + rl - tl),
                        acc_hi + jnp.abs(hh + rh - th))

            zero = jnp.zeros((LANES,), jnp.float32)
            acc_lo, acc_hi = lax.fori_loop(0, DIM // 2, body, (zero, zero),
                                           unroll=8)
            o_v[pl.ds(g * LANES, LANES)] = acc_lo + acc_hi

        pltpu.sync_copy(o_v, out_hbm.at[pl.ds(base, CHUNK)])

    handles = issue(0)
    for c in range(NCHUNKS):
        nxt = issue(c + 1) if c + 1 < NCHUNKS else None
        compute(c, handles)
        handles = nxt


_CONV_ENTS = 32768
_CONV_Q = _CONV_ENTS // 4
_CONV_GRID = -(-1000000 // _CONV_ENTS)


def _conv_body(et_ref, out_ref):
    x = et_ref[...].astype(jnp.bfloat16)
    xp = jnp.concatenate([x[:, 0 * _CONV_Q:1 * _CONV_Q],
                          x[:, 1 * _CONV_Q:2 * _CONV_Q],
                          x[:, 2 * _CONV_Q:3 * _CONV_Q],
                          x[:, 3 * _CONV_Q:4 * _CONV_Q]], axis=0)
    kk = lax.broadcasted_iota(jnp.int32, (4 * DIM, 4 * DIM), 0)
    cc = lax.broadcasted_iota(jnp.int32, (4 * DIM, 4 * DIM), 1)
    cm = cc & 127
    ktgt = ((cm >> 5) << 6) + ((cm & 31) << 1) + (cc >> 7)
    eye_p = (kk == ktgt).astype(jnp.bfloat16)
    z = jax.lax.dot_general(xp, eye_p, (((0,), (0,)), ((), ())),
                            preferred_element_type=jnp.float32)
    zi = jax.lax.bitcast_convert_type(z, jnp.int32)
    lo = jax.lax.shift_right_logical(zi[:, 0:PACKED_DIM], 16)
    out_ref[...] = zi[:, PACKED_DIM:2 * PACKED_DIM] | lo


_convert = pl.pallas_call(
    _conv_body,
    grid=(_CONV_GRID,),
    in_specs=[pl.BlockSpec((DIM, _CONV_ENTS), lambda j: (0, j))],
    out_specs=pl.BlockSpec((_CONV_Q, PACKED_DIM), lambda j: (j, 0)),
    out_shape=jax.ShapeDtypeStruct((_CONV_GRID * _CONV_Q, PACKED_DIM),
                                   jnp.int32),
)


def kernel(sample, entity_embedding, relation_embedding):
    idx = sample.astype(jnp.int32)
    packed = ((idx >> 15) << 13) | (idx & (_CONV_Q - 1))
    half = ((idx >> 13) & 3) << 5
    idx8 = jnp.stack([packed[:, 0], packed[:, 1], packed[:, 2],
                      half[:, 0], half[:, 1], half[:, 2],
                      half[:, 0], half[:, 0]])
    ent2 = _convert(entity_embedding.T)
    rel2 = _convert(relation_embedding.T)
    scores = _transe_sc(idx8, ent2, rel2)
    return scores.reshape(BATCH, 1)

# --- scband reference (transcript-rebuilt; emitter-appended) ---
"""Pipeline reference for scband-kgemodel-59691455479946 (READ-ONLY COPY).

The authoritative reference and input builder live on the scoring server;
editing this copy changes nothing except your own understanding.
"""

import jax, jax.numpy as jnp
import numpy as np

NENTITY = 1000000
NRELATION = 1000000
HIDDEN_DIM = 64
BATCH = 16384
GAMMA = 12.0
EPSILON = 2.0
EMB_RANGE = (GAMMA + EPSILON) / HIDDEN_DIM


def setup_inputs(seed: int = 0) -> dict:
    key = jax.random.key(seed)
    k1, k2, k3 = jax.random.split(key, 3)
    sample = jax.random.randint(k1, (BATCH, 3), 0, NENTITY, dtype=jnp.int32)
    entity_embedding = jax.random.uniform(k2, (NENTITY, HIDDEN_DIM), minval=-EMB_RANGE, maxval=EMB_RANGE, dtype=jnp.float32)
    relation_embedding = jax.random.uniform(k3, (NRELATION, HIDDEN_DIM), minval=-EMB_RANGE, maxval=EMB_RANGE, dtype=jnp.float32)
    return {"sample": sample, "entity_embedding": entity_embedding, "relation_embedding": relation_embedding}


def reference(sample, entity_embedding, relation_embedding):
    # mode == 'single': batch of (head, relation, tail) triples
    head = jnp.take(entity_embedding, sample[:, 0], axis=0)[:, None, :]
    relation = jnp.take(relation_embedding, sample[:, 1], axis=0)[:, None, :]
    tail = jnp.take(entity_embedding, sample[:, 2], axis=0)[:, None, :]
    # TransE score: ||h + r - t||_1 over embedding dim
    score = head + relation - tail
    score = jnp.sum(jnp.abs(score), axis=2)
    return score

if __name__ == "__main__":
    import jax
    _d = setup_inputs()
    print(jax.jit(kernel)(*tuple(_d.values())))

</pallas_src>

<mosaic_0001>
#map = affine_map<(d0, d1) -> (0, 0)>
#map1 = affine_map<(d0, d1) -> (0)>
module attributes {stable_mosaic.version = 14 : i64} {
  func.func @_transe_sc(%arg0: i32, %arg1: i32, %arg2: memref<8x16384xi32, #tpu.memory_space<hbm>>, %arg3: memref<253952x128xi32, #tpu.memory_space<hbm>>, %arg4: memref<253952x128xi32, #tpu.memory_space<hbm>>, %arg5: memref<16384xf32, #tpu.memory_space<hbm>>, %arg6: memref<8x128xi32, #tpu.memory_space<vmem>>, %arg7: memref<8x128xi32, #tpu.memory_space<vmem>>, %arg8: memref<128xi32, #tpu.memory_space<vmem>>, %arg9: memref<128xi32, #tpu.memory_space<vmem>>, %arg10: memref<128xi32, #tpu.memory_space<vmem>>, %arg11: memref<128xi32, #tpu.memory_space<vmem>>, %arg12: memref<128xi32, #tpu.memory_space<vmem>>, %arg13: memref<128xi32, #tpu.memory_space<vmem>>, %arg14: memref<128x128xi32, #tpu.memory_space<vmem>>, %arg15: memref<128x128xi32, #tpu.memory_space<vmem>>, %arg16: memref<128x128xi32, #tpu.memory_space<vmem>>, %arg17: memref<128x128xi32, #tpu.memory_space<vmem>>, %arg18: memref<128x128xi32, #tpu.memory_space<vmem>>, %arg19: memref<128x128xi32, #tpu.memory_space<vmem>>, %arg20: memref<128xf32, #tpu.memory_space<vmem>>, %arg21: memref<128xf32, #tpu.memory_space<vmem>>, %arg22: memref<!tpu.dma_semaphore, #tpu.memory_space<semaphore_mem>>, %arg23: memref<!tpu.dma_semaphore, #tpu.memory_space<semaphore_mem>>, %arg24: memref<!tpu.dma_semaphore, #tpu.memory_space<semaphore_mem>>, %arg25: memref<!tpu.dma_semaphore, #tpu.memory_space<semaphore_mem>>, %arg26: memref<!tpu.dma_semaphore, #tpu.memory_space<semaphore_mem>>, %arg27: memref<!tpu.dma_semaphore, #tpu.memory_space<semaphore_mem>>) attributes {dimension_semantics = [#tpu.dimension_semantics<core_parallel>, #tpu.dimension_semantics<subcore_parallel>], iteration_bounds = array<i64: 2, 16>, scalar_prefetch = 0 : i64, scratch_operands = 22 : i64, tpu.core_type = #tpu.core_type<sc_vector_subcore>, window_params = [{transform_indices = #map}, {transform_indices = #map}, {transform_indices = #map}, {transform_indices = #map1}]} {
    %mul3A = arith.constant 2 : i32
    %mul3A_0 = arith.muli %arg1, %mul3A : i32
    %add3A = arith.addi %mul3A_0, %arg0 : i32
    %mul3A_1 = arith.constant 512 : i32
    %mul3A_2 = arith.muli %add3A, %mul3A_1 : i32
    %add3A_3 = arith.constant 0 : i32
    %add3A_4 = arith.addi %mul3A_2, %add3A_3 : i32
    "tpu.region"() ({
      %run_scoped3A = tpu.sem_alloc : memref<!tpu.dma_semaphore, #tpu.memory_space<semaphore_mem>>
      %dma_start3A_142 = arith.constant 0 : i32
      %dma_start3A_143 = tpu.memref_slice %arg2[%dma_start3A_142, %add3A_4] : memref<8x16384xi32, #tpu.memory_space<hbm>> -> memref<8x128xi32, #tpu.memory_space<hbm>>
      %dma_start3A_144 = arith.constant 0 : i32
      %dma_start3A_145 = tpu.memref_slice %arg2[%dma_start3A_144, %add3A_4] : memref<8x16384xi32, #tpu.memory_space<hbm>> -> memref<8x128xi32, #tpu.memory_space<hbm>>
      tpu.enqueue_dma source(%dma_start3A_145 : memref<8x128xi32, #tpu.memory_space<hbm>>) target(%arg6 : memref<8x128xi32, #tpu.memory_space<vmem>>) target_semaphore(%run_scoped3A : memref<!tpu.dma_semaphore, #tpu.memory_space<semaphore_mem>>)
      %dma_wait3A_146 = arith.constant 0 : i32
      %dma_wait3A_147 = tpu.memref_slice %arg2[%dma_wait3A_146, %add3A_4] : memref<8x16384xi32, #tpu.memory_space<hbm>> -> memref<8x128xi32, #tpu.memory_space<hbm>>
      %dma_wait3A_148 = arith.constant 0 : i32
      %dma_wait3A_149 = tpu.memref_slice %arg2[%dma_wait3A_148, %add3A_4] : memref<8x16384xi32, #tpu.memory_space<hbm>> -> memref<8x128xi32, #tpu.memory_space<hbm>>
      tpu.wait_dma2 semaphore(%run_scoped3A : memref<!tpu.dma_semaphore, #tpu.memory_space<semaphore_mem>>) src(%dma_wait3A_149 : memref<8x128xi32, #tpu.memory_space<hbm>>) dst(%arg6 : memref<8x128xi32, #tpu.memory_space<vmem>>)
      tpu.yield
    }) : () -> ()
    %scan3A = arith.constant 0 : i32
    %scan3A_5 = arith.constant 8 : i32
    %scan3A_6 = arith.addi %scan3A, %scan3A_5 : i32
    %scan3A_7 = arith.constant 1 : i32
    scf.for %scan3A_142 = %scan3A to %scan3A_6 step %scan3A_7  : i32 {
      %mul3A_143 = arith.constant 1 : i32
      %mul3A_144 = arith.muli %scan3A_142, %mul3A_143 : i32
      %add3A_145 = arith.constant 0 : i32
      %add3A_146 = arith.addi %add3A_145, %mul3A_144 : i32
      %mul3A_147 = arith.constant 16 : i32
      %mul3A_148 = arith.muli %add3A_146, %mul3A_147 : i32
      %get3A = arith.constant 0 : i32
      %get3A_149 = arith.index_cast %get3A : i32 to index
      %get3A_150 = arith.index_cast %mul3A_148 : i32 to index
      %get3A_151 = tpu.vector_load %arg6[%get3A_149, %get3A_150] {strides = array<i32>} : memref<8x128xi32, #tpu.memory_space<vmem>>, vector<16xi32>,
      %swap3A = arith.index_cast %mul3A_148 : i32 to index
      %swap3A_152 = tpu.vector_load %arg8[%swap3A] {strides = array<i32>} : memref<128xi32, #tpu.memory_space<vmem>>, vector<16xi32>,
      tpu.vector_store %arg8[%swap3A], %get3A_151 {strides = array<i32>} : memref<128xi32, #tpu.memory_space<vmem>>, vector<16xi32>,
      %get3A_153 = arith.constant 1 : i32
      %get3A_154 = arith.index_cast %get3A_153 : i32 to index
      %get3A_155 = arith.index_cast %mul3A_148 : i32 to index
      %get3A_156 = tpu.vector_load %arg6[%get3A_154, %get3A_155] {strides = array<i32>} : memref<8x128xi32, #tpu.memory_space<vmem>>, vector<16xi32>,
      %swap3A_157 = arith.index_cast %mul3A_148 : i32 to index
      %swap3A_158 = tpu.vector_load %arg10[%swap3A_157] {strides = array<i32>} : memref<128xi32, #tpu.memory_space<vmem>>, vector<16xi32>,
      tpu.vector_store %arg10[%swap3A_157], %get3A_156 {strides = array<i32>} : memref<128xi32, #tpu.memory_space<vmem>>, vector<16xi32>,
      %get3A_159 = arith.constant 2 : i32
      %get3A_160 = arith.index_cast %get3A_159 : i32 to index
      %get3A_161 = arith.index_cast %mul3A_148 : i32 to index
      %get3A_162 = tpu.vector_load %arg6[%get3A_160, %get3A_161] {strides = array<i32>} : memref<8x128xi32, #tpu.memory_space<vmem>>, vector<16xi32>,
      %swap3A_163 = arith.index_cast %mul3A_148 : i32 to index
      %swap3A_164 = tpu.vector_load %arg12[%swap3A_163] {strides = array<i32>} : memref<128xi32, #tpu.memory_space<vmem>>, vector<16xi32>,
      tpu.vector_store %arg12[%swap3A_163], %get3A_162 {strides = array<i32>} : memref<128xi32, #tpu.memory_space<vmem>>, vector<16xi32>,
    }
    %scan3A_8 = arith.constant 8 : i32
    %dma_start3A = arith.constant 0 : i32
    %dma_start3A_9 = arith.constant 0 : i32
    %dma_start3A_10 = tpu.memref_slice %arg3[%dma_start3A, %dma_start3A_9] : memref<253952x128xi32, #tpu.memory_space<hbm>> -> memref<253952x128xi32, #tpu.memory_space<hbm>>
    tpu.enqueue_indirect_dma source(%dma_start3A_10 : memref<253952x128xi32, #tpu.memory_space<hbm>>) target(%arg14 : memref<128x128xi32, #tpu.memory_space<vmem>>) offsets(%arg8 : memref<128xi32, #tpu.memory_space<vmem>>) semaphore(%arg22 : memref<!tpu.dma_semaphore, #tpu.memory_space<semaphore_mem>>)
    %dma_start3A_11 = arith.constant 0 : i32
    %dma_start3A_12 = arith.constant 0 : i32
    %dma_start3A_13 = tpu.memref_slice %arg4[%dma_start3A_11, %dma_start3A_12] : memref<253952x128xi32, #tpu.memory_space<hbm>> -> memref<253952x128xi32, #tpu.memory_space<hbm>>
    tpu.enqueue_indirect_dma source(%dma_start3A_13 : memref<253952x128xi32, #tpu.memory_space<hbm>>) target(%arg16 : memref<128x128xi32, #tpu.memory_space<vmem>>) offsets(%arg10 : memref<128xi32, #tpu.memory_space<vmem>>) semaphore(%arg24 : memref<!tpu.dma_semaphore, #tpu.memory_space<semaphore_mem>>)
    %dma_start3A_14 = arith.constant 0 : i32
    %dma_start3A_15 = arith.constant 0 : i32
    %dma_start3A_16 = tpu.memref_slice %arg3[%dma_start3A_14, %dma_start3A_15] : memref<253952x128xi32, #tpu.memory_space<hbm>> -> memref<253952x128xi32, #tpu.memory_space<hbm>>
    tpu.enqueue_indirect_dma source(%dma_start3A_16 : memref<253952x128xi32, #tpu.memory_space<hbm>>) target(%arg18 : memref<128x128xi32, #tpu.memory_space<vmem>>) offsets(%arg12 : memref<128xi32, #tpu.memory_space<vmem>>) semaphore(%arg26 : memref<!tpu.dma_semaphore, #tpu.memory_space<semaphore_mem>>)
    %mul3A_17 = arith.constant 512 : i32
    %mul3A_18 = arith.muli %add3A, %mul3A_17 : i32
    %add3A_19 = arith.constant 128 : i32
    %add3A_20 = arith.addi %mul3A_18, %add3A_19 : i32
    "tpu.region"() ({
      %run_scoped3A = tpu.sem_alloc : memref<!tpu.dma_semaphore, #tpu.memory_space<semaphore_mem>>
      %dma_start3A_142 = arith.constant 0 : i32
      %dma_start3A_143 = tpu.memref_slice %arg2[%dma_start3A_142, %add3A_20] : memref<8x16384xi32, #tpu.memory_space<hbm>> -> memref<8x128xi32, #tpu.memory_space<hbm>>
      %dma_start3A_144 = arith.constant 0 : i32
      %dma_start3A_145 = tpu.memref_slice %arg2[%dma_start3A_144, %add3A_20] : memref<8x16384xi32, #tpu.memory_space<hbm>> -> memref<8x128xi32, #tpu.memory_space<hbm>>
      tpu.enqueue_dma source(%dma_start3A_145 : memref<8x128xi32, #tpu.memory_space<hbm>>) target(%arg7 : memref<8x128xi32, #tpu.memory_space<vmem>>) target_semaphore(%run_scoped3A : memref<!tpu.dma_semaphore, #tpu.memory_space<semaphore_mem>>)
      %dma_wait3A_146 = arith.constant 0 : i32
      %dma_wait3A_147 = tpu.memref_slice %arg2[%dma_wait3A_146, %add3A_20] : memref<8x16384xi32, #tpu.memory_space<hbm>> -> memref<8x128xi32, #tpu.memory_space<hbm>>
      %dma_wait3A_148 = arith.constant 0 : i32
      %dma_wait3A_149 = tpu.memref_slice %arg2[%dma_wait3A_148, %add3A_20] : memref<8x16384xi32, #tpu.memory_space<hbm>> -> memref<8x128xi32, #tpu.memory_space<hbm>>
      tpu.wait_dma2 semaphore(%run_scoped3A : memref<!tpu.dma_semaphore, #tpu.memory_space<semaphore_mem>>) src(%dma_wait3A_149 : memref<8x128xi32, #tpu.memory_space<hbm>>) dst(%arg7 : memref<8x128xi32, #tpu.memory_space<vmem>>)
      tpu.yield
    }) : () -> ()
    %scan3A_21 = arith.constant 0 : i32
    %scan3A_22 = arith.constant 8 : i32
    %scan3A_23 = arith.addi %scan3A_21, %scan3A_22 : i32
    %scan3A_24 = arith.constant 1 : i32
    scf.for %scan3A_142 = %scan3A_21 to %scan3A_23 step %scan3A_24  : i32 {
      %mul3A_143 = arith.constant 1 : i32
      %mul3A_144 = arith.muli %scan3A_142, %mul3A_143 : i32
      %add3A_145 = arith.constant 0 : i32
      %add3A_146 = arith.addi %add3A_145, %mul3A_144 : i32
      %mul3A_147 = arith.constant 16 : i32
      %mul3A_148 = arith.muli %add3A_146, %mul3A_147 : i32
      %get3A = arith.constant 0 : i32
      %get3A_149 = arith.index_cast %get3A : i32 to index
      %get3A_150 = arith.index_cast %mul3A_148 : i32 to index
      %get3A_151 = tpu.vector_load %arg7[%get3A_149, %get3A_150] {strides = array<i32>} : memref<8x128xi32, #tpu.memory_space<vmem>>, vector<16xi32>,
      %swap3A = arith.index_cast %mul3A_148 : i32 to index
      %swap3A_152 = tpu.vector_load %arg9[%swap3A] {strides = array<i32>} : memref<128xi32, #tpu.memory_space<vmem>>, vector<16xi32>,
      tpu.vector_store %arg9[%swap3A], %get3A_151 {strides = array<i32>} : memref<128xi32, #tpu.memory_space<vmem>>, vector<16xi32>,
      %get3A_153 = arith.constant 1 : i32
      %get3A_154 = arith.index_cast %get3A_153 : i32 to index
      %get3A_155 = arith.index_cast %mul3A_148 : i32 to index
      %get3A_156 = tpu.vector_load %arg7[%get3A_154, %get3A_155] {strides = array<i32>} : memref<8x128xi32, #tpu.memory_space<vmem>>, vector<16xi32>,
      %swap3A_157 = arith.index_cast %mul3A_148 : i32 to index
      %swap3A_158 = tpu.vector_load %arg11[%swap3A_157] {strides = array<i32>} : memref<128xi32, #tpu.memory_space<vmem>>, vector<16xi32>,
      tpu.vector_store %arg11[%swap3A_157], %get3A_156 {strides = array<i32>} : memref<128xi32, #tpu.memory_space<vmem>>, vector<16xi32>,
      %get3A_159 = arith.constant 2 : i32
      %get3A_160 = arith.index_cast %get3A_159 : i32 to index
      %get3A_161 = arith.index_cast %mul3A_148 : i32 to index
      %get3A_162 = tpu.vector_load %arg7[%get3A_160, %get3A_161] {strides = array<i32>} : memref<8x128xi32, #tpu.memory_space<vmem>>, vector<16xi32>,
      %swap3A_163 = arith.index_cast %mul3A_148 : i32 to index
      %swap3A_164 = tpu.vector_load %arg13[%swap3A_163] {strides = array<i32>} : memref<128xi32, #tpu.memory_space<vmem>>, vector<16xi32>,
      tpu.vector_store %arg13[%swap3A_163], %get3A_162 {strides = array<i32>} : memref<128xi32, #tpu.memory_space<vmem>>, vector<16xi32>,
    }
    %scan3A_25 = arith.constant 8 : i32
    %dma_start3A_26 = arith.constant 0 : i32
    %dma_start3A_27 = arith.constant 0 : i32
    %dma_start3A_28 = tpu.memref_slice %arg3[%dma_start3A_26, %dma_start3A_27] : memref<253952x128xi32, #tpu.memory_space<hbm>> -> memref<253952x128xi32, #tpu.memory_space<hbm>>
    tpu.enqueue_indirect_dma source(%dma_start3A_28 : memref<253952x128xi32, #tpu.memory_space<hbm>>) target(%arg15 : memref<128x128xi32, #tpu.memory_space<vmem>>) offsets(%arg9 : memref<128xi32, #tpu.memory_space<vmem>>) semaphore(%arg23 : memref<!tpu.dma_semaphore, #tpu.memory_space<semaphore_mem>>)
    %dma_start3A_29 = arith.constant 0 : i32
    %dma_start3A_30 = arith.constant 0 : i32
    %dma_start3A_31 = tpu.memref_slice %arg4[%dma_start3A_29, %dma_start3A_30] : memref<253952x128xi32, #tpu.memory_space<hbm>> -> memref<253952x128xi32, #tpu.memory_space<hbm>>
    tpu.enqueue_indirect_dma source(%dma_start3A_31 : memref<253952x128xi32, #tpu.memory_space<hbm>>) target(%arg17 : memref<128x128xi32, #tpu.memory_space<vmem>>) offsets(%arg11 : memref<128xi32, #tpu.memory_space<vmem>>) semaphore(%arg25 : memref<!tpu.dma_semaphore, #tpu.memory_space<semaphore_mem>>)
    %dma_start3A_32 = arith.constant 0 : i32
    %dma_start3A_33 = arith.constant 0 : i32
    %dma_start3A_34 = tpu.memref_slice %arg3[%dma_start3A_32, %dma_start3A_33] : memref<253952x128xi32, #tpu.memory_space<hbm>> -> memref<253952x128xi32, #tpu.memory_space<hbm>>
    tpu.enqueue_indirect_dma source(%dma_start3A_34 : memref<253952x128xi32, #tpu.memory_space<hbm>>) target(%arg19 : memref<128x128xi32, #tpu.memory_space<vmem>>) offsets(%arg13 : memref<128xi32, #tpu.memory_space<vmem>>) semaphore(%arg27 : memref<!tpu.dma_semaphore, #tpu.memory_space<semaphore_mem>>)
    %mul3A_35 = arith.constant 512 : i32
    %mul3A_36 = arith.muli %add3A, %mul3A_35 : i32
    %add3A_37 = arith.constant 0 : i32
    %add3A_38 = arith.addi %mul3A_36, %add3A_37 : i32
    %dma_wait3A = arith.constant 0 : i32
    %dma_wait3A_39 = arith.constant 0 : i32
    %dma_wait3A_40 = tpu.memref_slice %arg3[%dma_wait3A, %dma_wait3A_39] : memref<253952x128xi32, #tpu.memory_space<hbm>> -> memref<253952x128xi32, #tpu.memory_space<hbm>>
    tpu.wait_indirect_dma semaphore(%arg22 : memref<!tpu.dma_semaphore, #tpu.memory_space<semaphore_mem>>) src(%dma_wait3A_40 : memref<253952x128xi32, #tpu.memory_space<hbm>>) dst(%arg14 : memref<128x128xi32, #tpu.memory_space<vmem>>)
    %dma_wait3A_41 = arith.constant 0 : i32
    %dma_wait3A_42 = arith.constant 0 : i32
    %dma_wait3A_43 = tpu.memref_slice %arg4[%dma_wait3A_41, %dma_wait3A_42] : memref<253952x128xi32, #tpu.memory_space<hbm>> -> memref<253952x128xi32, #tpu.memory_space<hbm>>
    tpu.wait_indirect_dma semaphore(%arg24 : memref<!tpu.dma_semaphore, #tpu.memory_space<semaphore_mem>>) src(%dma_wait3A_43 : memref<253952x128xi32, #tpu.memory_space<hbm>>) dst(%arg16 : memref<128x128xi32, #tpu.memory_space<vmem>>)
    %dma_wait3A_44 = arith.constant 0 : i32
    %dma_wait3A_45 = arith.constant 0 : i32
    %dma_wait3A_46 = tpu.memref_slice %arg3[%dma_wait3A_44, %dma_wait3A_45] : memref<253952x128xi32, #tpu.memory_space<hbm>> -> memref<253952x128xi32, #tpu.memory_space<hbm>>
    tpu.wait_indirect_dma semaphore(%arg26 : memref<!tpu.dma_semaphore, #tpu.memory_space<semaphore_mem>>) src(%dma_wait3A_46 : memref<253952x128xi32, #tpu.memory_space<hbm>>) dst(%arg18 : memref<128x128xi32, #tpu.memory_space<vmem>>)
    %scan3A_47 = arith.constant 0 : i32
    %scan3A_48 = arith.constant 8 : i32
    %scan3A_49 = arith.addi %scan3A_47, %scan3A_48 : i32
    %scan3A_50 = arith.constant 1 : i32
    scf.for %scan3A_142 = %scan3A_47 to %scan3A_49 step %scan3A_50  : i32 {
      %mul3A_143 = arith.constant 1 : i32
      %mul3A_144 = arith.muli %scan3A_142, %mul3A_143 : i32
      %add3A_145 = arith.constant 0 : i32
      %add3A_146 = arith.addi %add3A_145, %mul3A_144 : i32
      %mul3A_147 = arith.constant 16 : i32
      %mul3A_148 = arith.muli %add3A_146, %mul3A_147 : i32
      %iota3A = tpu.iota {dimensions = array<i32: 0>} : vector<16xi32>
      %add3A_149 = vector.broadcast %mul3A_148 : i32 to vector<16xi32>
      %add3A_150 = arith.addi %add3A_149, %iota3A : vector<16xi32>
      %mul3A_151 = arith.constant 16 : i32
      %mul3A_152 = arith.muli %add3A_146, %mul3A_151 : i32
      %get3A = arith.constant 3 : i32
      %get3A_153 = arith.index_cast %get3A : i32 to index
      %get3A_154 = arith.index_cast %mul3A_152 : i32 to index
      %get3A_155 = tpu.vector_load %arg6[%get3A_153, %get3A_154] {strides = array<i32>} : memref<8x128xi32, #tpu.memory_space<vmem>>, vector<16xi32>,
      %mul3A_156 = arith.constant 16 : i32
      %mul3A_157 = arith.muli %add3A_146, %mul3A_156 : i32
      %get3A_158 = arith.constant 4 : i32
      %get3A_159 = arith.index_cast %get3A_158 : i32 to index
      %get3A_160 = arith.index_cast %mul3A_157 : i32 to index
      %get3A_161 = tpu.vector_load %arg6[%get3A_159, %get3A_160] {strides = array<i32>} : memref<8x128xi32, #tpu.memory_space<vmem>>, vector<16xi32>,
      %mul3A_162 = arith.constant 16 : i32
      %mul3A_163 = arith.muli %add3A_146, %mul3A_162 : i32
      %get3A_164 = arith.constant 5 : i32
      %get3A_165 = arith.index_cast %get3A_164 : i32 to index
      %get3A_166 = arith.index_cast %mul3A_163 : i32 to index
      %get3A_167 = tpu.vector_load %arg6[%get3A_165, %get3A_166] {strides = array<i32>} : memref<8x128xi32, #tpu.memory_space<vmem>>, vector<16xi32>,
      %broadcast_in_dim3A = arith.constant -65536 : i32
      %broadcast_in_dim3A_168 = vector.broadcast %broadcast_in_dim3A : i32 to vector<16xi32>
      %broadcast_in_dim3A_169 = arith.constant 0.000000e+00 : f32
      %broadcast_in_dim3A_170 = vector.broadcast %broadcast_in_dim3A_169 : f32 to vector<16xf32>
      %scan3A_171 = arith.constant 0 : i32
      %scan3A_172 = arith.constant 32 : i32
      %scan3A_173 = arith.addi %scan3A_171, %scan3A_172 : i32
      %scan3A_174 = arith.constant 8 : i32
      %scan3A_175:2 = scf.for %scan3A_181 = %scan3A_171 to %scan3A_173 step %scan3A_174 iter_args(%scan3A_182 = %broadcast_in_dim3A_170, %scan3A_183 = %broadcast_in_dim3A_170) -> (vector<16xf32>, vector<16xf32>)  : i32 {
        %add3A_184 = vector.broadcast %scan3A_181 : i32 to vector<16xi32>
        %add3A_185 = arith.addi %get3A_155, %add3A_184 : vector<16xi32>
        %gather3A = tpu.vector_load_idx %arg14[%add3A_150, %add3A_185] : memref<128x128xi32, #tpu.memory_space<vmem>>[vector<16xi32>, vector<16xi32>], vector<16xi32>,
        %shift_left3A = arith.constant 16 : i32
        %shift_left3A_186 = vector.broadcast %shift_left3A : i32 to vector<16xi32>
        %shift_left3A_187 = arith.shli %gather3A, %shift_left3A_186 : vector<16xi32>
        %bitcast_convert_type3A = tpu.bitcast %shift_left3A_187 : vector<16xi32> -> vector<16xf32>
        %and3A = arith.andi %gather3A, %broadcast_in_dim3A_168 : vector<16xi32>
        %bitcast_convert_type3A_188 = tpu.bitcast %and3A : vector<16xi32> -> vector<16xf32>
        %add3A_189 = vector.broadcast %scan3A_181 : i32 to vector<16xi32>
        %add3A_190 = arith.addi %get3A_161, %add3A_189 : vector<16xi32>
        %gather3A_191 = tpu.vector_load_idx %arg16[%add3A_150, %add3A_190] : memref<128x128xi32, #tpu.memory_space<vmem>>[vector<16xi32>, vector<16xi32>], vector<16xi32>,
        %shift_left3A_192 = arith.constant 16 : i32
        %shift_left3A_193 = vector.broadcast %shift_left3A_192 : i32 to vector<16xi32>
        %shift_left3A_194 = arith.shli %gather3A_191, %shift_left3A_193 : vector<16xi32>
        %bitcast_convert_type3A_195 = tpu.bitcast %shift_left3A_194 : vector<16xi32> -> vector<16xf32>
        %and3A_196 = arith.andi %gather3A_191, %broadcast_in_dim3A_168 : vector<16xi32>
        %bitcast_convert_type3A_197 = tpu.bitcast %and3A_196 : vector<16xi32> -> vector<16xf32>
        %add3A_198 = vector.broadcast %scan3A_181 : i32 to vector<16xi32>
        %add3A_199 = arith.addi %get3A_167, %add3A_198 : vector<16xi32>
        %gather3A_200 = tpu.vector_load_idx %arg18[%add3A_150, %add3A_199] : memref<128x128xi32, #tpu.memory_space<vmem>>[vector<16xi32>, vector<16xi32>], vector<16xi32>,
        %shift_left3A_201 = arith.constant 16 : i32
        %shift_left3A_202 = vector.broadcast %shift_left3A_201 : i32 to vector<16xi32>
        %shift_left3A_203 = arith.shli %gather3A_200, %shift_left3A_202 : vector<16xi32>
        %bitcast_convert_type3A_204 = tpu.bitcast %shift_left3A_203 : vector<16xi32> -> vector<16xf32>
        %and3A_205 = arith.andi %gather3A_200, %broadcast_in_dim3A_168 : vector<16xi32>
        %bitcast_convert_type3A_206 = tpu.bitcast %and3A_205 : vector<16xi32> -> vector<16xf32>
        %add3A_207 = arith.addf %bitcast_convert_type3A, %bitcast_convert_type3A_195 : vector<16xf32>
        %sub3A = arith.subf %add3A_207, %bitcast_convert_type3A_204 : vector<16xf32>
        %abs3A = math.absf %sub3A : vector<16xf32>
        %add3A_208 = arith.addf %scan3A_182, %abs3A : vector<16xf32>
        %add3A_209 = arith.addf %bitcast_convert_type3A_188, %bitcast_convert_type3A_197 : vector<16xf32>
        %sub3A_210 = arith.subf %add3A_209, %bitcast_convert_type3A_206 : vector<16xf32>
        %abs3A_211 = math.absf %sub3A_210 : vector<16xf32>
        %add3A_212 = arith.addf %scan3A_183, %abs3A_211 : vector<16xf32>
        %scan3A_213 = arith.constant 1 : i32
        %scan3A_214 = arith.addi %scan3A_181, %scan3A_213 : i32
        %add3A_215 = vector.broadcast %scan3A_214 : i32 to vector<16xi32>
        %add3A_216 = arith.addi %get3A_155, %add3A_215 : vector<16xi32>
        %gather3A_217 = tpu.vector_load_idx %arg14[%add3A_150, %add3A_216] : memref<128x128xi32, #tpu.memory_space<vmem>>[vector<16xi32>, vector<16xi32>], vector<16xi32>,
        %shift_left3A_218 = arith.constant 16 : i32
        %shift_left3A_219 = vector.broadcast %shift_left3A_218 : i32 to vector<16xi32>
        %shift_left3A_220 = arith.shli %gather3A_217, %shift_left3A_219 : vector<16xi32>
        %bitcast_convert_type3A_221 = tpu.bitcast %shift_left3A_220 : vector<16xi32> -> vector<16xf32>
        %and3A_222 = arith.andi %gather3A_217, %broadcast_in_dim3A_168 : vector<16xi32>
        %bitcast_convert_type3A_223 = tpu.bitcast %and3A_222 : vector<16xi32> -> vector<16xf32>
        %add3A_224 = vector.broadcast %scan3A_214 : i32 to vector<16xi32>
        %add3A_225 = arith.addi %get3A_161, %add3A_224 : vector<16xi32>
        %gather3A_226 = tpu.vector_load_idx %arg16[%add3A_150, %add3A_225] : memref<128x128xi32, #tpu.memory_space<vmem>>[vector<16xi32>, vector<16xi32>], vector<16xi32>,
        %shift_left3A_227 = arith.constant 16 : i32
        %shift_left3A_228 = vector.broadcast %shift_left3A_227 : i32 to vector<16xi32>
        %shift_left3A_229 = arith.shli %gather3A_226, %shift_left3A_228 : vector<16xi32>
        %bitcast_convert_type3A_230 = tpu.bitcast %shift_left3A_229 : vector<16xi32> -> vector<16xf32>
        %and3A_231 = arith.andi %gather3A_226, %broadcast_in_dim3A_168 : vector<16xi32>
        %bitcast_convert_type3A_232 = tpu.bitcast %and3A_231 : vector<16xi32> -> vector<16xf32>
        %add3A_233 = vector.broadcast %scan3A_214 : i32 to vector<16xi32>
        %add3A_234 = arith.addi %get3A_167, %add3A_233 : vector<16xi32>
        %gather3A_235 = tpu.vector_load_idx %arg18[%add3A_150, %add3A_234] : memref<128x128xi32, #tpu.memory_space<vmem>>[vector<16xi32>, vector<16xi32>], vector<16xi32>,
        %shift_left3A_236 = arith.constant 16 : i32
        %shift_left3A_237 = vector.broadcast %shift_left3A_236 : i32 to vector<16xi32>
        %shift_left3A_238 = arith.shli %gather3A_235, %shift_left3A_237 : vector<16xi32>
        %bitcast_convert_type3A_239 = tpu.bitcast %shift_left3A_238 : vector<16xi32> -> vector<16xf32>
        %and3A_240 = arith.andi %gather3A_235, %broadcast_in_dim3A_168 : vector<16xi32>
        %bitcast_convert_type3A_241 = tpu.bitcast %and3A_240 : vector<16xi32> -> vector<16xf32>
        %add3A_242 = arith.addf %bitcast_convert_type3A_221, %bitcast_convert_type3A_230 : vector<16xf32>
        %sub3A_243 = arith.subf %add3A_242, %bitcast_convert_type3A_239 : vector<16xf32>
        %abs3A_244 = math.absf %sub3A_243 : vector<16xf32>
        %add3A_245 = arith.addf %add3A_208, %abs3A_244 : vector<16xf32>
        %add3A_246 = arith.addf %bitcast_convert_type3A_223, %bitcast_convert_type3A_232 : vector<16xf32>
        %sub3A_247 = arith.subf %add3A_246, %bitcast_convert_type3A_241 : vector<16xf32>
        %abs3A_248 = math.absf %sub3A_247 : vector<16xf32>
        %add3A_249 = arith.addf %add3A_212, %abs3A_248 : vector<16xf32>
        %scan3A_250 = arith.constant 2 : i32
        %scan3A_251 = arith.addi %scan3A_181, %scan3A_250 : i32
        %add3A_252 = vector.broadcast %scan3A_251 : i32 to vector<16xi32>
        %add3A_253 = arith.addi %get3A_155, %add3A_252 : vector<16xi32>
        %gather3A_254 = tpu.vector_load_idx %arg14[%add3A_150, %add3A_253] : memref<128x128xi32, #tpu.memory_space<vmem>>[vector<16xi32>, vector<16xi32>], vector<16xi32>,
        %shift_left3A_255 = arith.constant 16 : i32
        %shift_left3A_256 = vector.broadcast %shift_left3A_255 : i32 to vector<16xi32>
        %shift_left3A_257 = arith.shli %gather3A_254, %shift_left3A_256 : vector<16xi32>
        %bitcast_convert_type3A_258 = tpu.bitcast %shift_left3A_257 : vector<16xi32> -> vector<16xf32>
        %and3A_259 = arith.andi %gather3A_254, %broadcast_in_dim3A_168 : vector<16xi32>
        %bitcast_convert_type3A_260 = tpu.bitcast %and3A_259 : vector<16xi32> -> vector<16xf32>
        %add3A_261 = vector.broadcast %scan3A_251 : i32 to vector<16xi32>
        %add3A_262 = arith.addi %get3A_161, %add3A_261 : vector<16xi32>
        %gather3A_263 = tpu.vector_load_idx %arg16[%add3A_150, %add3A_262] : memref<128x128xi32, #tpu.memory_space<vmem>>[vector<16xi32>, vector<16xi32>], vector<16xi32>,
        %shift_left3A_264 = arith.constant 16 : i32
        %shift_left3A_265 = vector.broadcast %shift_left3A_264 : i32 to vector<16xi32>
        %shift_left3A_266 = arith.shli %gather3A_263, %shift_left3A_265 : vector<16xi32>
        %bitcast_convert_type3A_267 = tpu.bitcast %shift_left3A_266 : vector<16xi32> -> vector<16xf32>
        %and3A_268 = arith.andi %gather3A_263, %broadcast_in_dim3A_168 : vector<16xi32>
        %bitcast_convert_type3A_269 = tpu.bitcast %and3A_268 : vector<16xi32> -> vector<16xf32>
        %add3A_270 = vector.broadcast %scan3A_251 : i32 to vector<16xi32>
        %add3A_271 = arith.addi %get3A_167, %add3A_270 : vector<16xi32>
        %gather3A_272 = tpu.vector_load_idx %arg18[%add3A_150, %add3A_271] : memref<128x128xi32, #tpu.memory_space<vmem>>[vector<16xi32>, vector<16xi32>], vector<16xi32>,
        %shift_left3A_273 = arith.constant 16 : i32
        %shift_left3A_274 = vector.broadcast %shift_left3A_273 : i32 to vector<16xi32>
        %shift_left3A_275 = arith.shli %gather3A_272, %shift_left3A_274 : vector<16xi32>
        %bitcast_convert_type3A_276 = tpu.bitcast %shift_left3A_275 : vector<16xi32> -> vector<16xf32>
        %and3A_277 = arith.andi %gather3A_272, %broadcast_in_dim3A_168 : vector<16xi32>
        %bitcast_convert_type3A_278 = tpu.bitcast %and3A_277 : vector<16xi32> -> vector<16xf32>
        %add3A_279 = arith.addf %bitcast_convert_type3A_258, %bitcast_convert_type3A_267 : vector<16xf32>
        %sub3A_280 = arith.subf %add3A_279, %bitcast_convert_type3A_276 : vector<16xf32>
        %abs3A_281 = math.absf %sub3A_280 : vector<16xf32>
        %add3A_282 = arith.addf %add3A_245, %abs3A_281 : vector<16xf32>
        %add3A_283 = arith.addf %bitcast_convert_type3A_260, %bitcast_convert_type3A_269 : vector<16xf32>
        %sub3A_284 = arith.subf %add3A_283, %bitcast_convert_type3A_278 : vector<16xf32>
        %abs3A_285 = math.absf %sub3A_284 : vector<16xf32>
        %add3A_286 = arith.addf %add3A_249, %abs3A_285 : vector<16xf32>
        %scan3A_287 = arith.constant 3 : i32
        %scan3A_288 = arith.addi %scan3A_181, %scan3A_287 : i32
        %add3A_289 = vector.broadcast %scan3A_288 : i32 to vector<16xi32>
        %add3A_290 = arith.addi %get3A_155, %add3A_289 : vector<16xi32>
        %gather3A_291 = tpu.vector_load_idx %arg14[%add3A_150, %add3A_290] : memref<128x128xi32, #tpu.memory_space<vmem>>[vector<16xi32>, vector<16xi32>], vector<16xi32>,
        %shift_left3A_292 = arith.constant 16 : i32
        %shift_left3A_293 = vector.broadcast %shift_left3A_292 : i32 to vector<16xi32>
        %shift_left3A_294 = arith.shli %gather3A_291, %shift_left3A_293 : vector<16xi32>
        %bitcast_convert_type3A_295 = tpu.bitcast %shift_left3A_294 : vector<16xi32> -> vector<16xf32>
        %and3A_296 = arith.andi %gather3A_291, %broadcast_in_dim3A_168 : vector<16xi32>
        %bitcast_convert_type3A_297 = tpu.bitcast %and3A_296 : vector<16xi32> -> vector<16xf32>
        %add3A_298 = vector.broadcast %scan3A_288 : i32 to vector<16xi32>
        %add3A_299 = arith.addi %get3A_161, %add3A_298 : vector<16xi32>
        %gather3A_300 = tpu.vector_load_idx %arg16[%add3A_150, %add3A_299] : memref<128x128xi32, #tpu.memory_space<vmem>>[vector<16xi32>, vector<16xi32>], vector<16xi32>,
        %shift_left3A_301 = arith.constant 16 : i32
        %shift_left3A_302 = vector.broadcast %shift_left3A_301 : i32 to vector<16xi32>
        %shift_left3A_303 = arith.shli %gather3A_300, %shift_left3A_302 : vector<16xi32>
        %bitcast_convert_type3A_304 = tpu.bitcast %shift_left3A_303 : vector<16xi32> -> vector<16xf32>
        %and3A_305 = arith.andi %gather3A_300, %broadcast_in_dim3A_168 : vector<16xi32>
        %bitcast_convert_type3A_306 = tpu.bitcast %and3A_305 : vector<16xi32> -> vector<16xf32>
        %add3A_307 = vector.broadcast %scan3A_288 : i32 to vector<16xi32>
        %add3A_308 = arith.addi %get3A_167, %add3A_307 : vector<16xi32>
        %gather3A_309 = tpu.vector_load_idx %arg18[%add3A_150, %add3A_308] : memref<128x128xi32, #tpu.memory_space<vmem>>[vector<16xi32>, vector<16xi32>], vector<16xi32>,
        %shift_left3A_310 = arith.constant 16 : i32
        %shift_left3A_311 = vector.broadcast %shift_left3A_310 : i32 to vector<16xi32>
        %shift_left3A_312 = arith.shli %gather3A_309, %shift_left3A_311 : vector<16xi32>
        %bitcast_convert_type3A_313 = tpu.bitcast %shift_left3A_312 : vector<16xi32> -> vector<16xf32>
        %and3A_314 = arith.andi %gather3A_309, %broadcast_in_dim3A_168 : vector<16xi32>
        %bitcast_convert_type3A_315 = tpu.bitcast %and3A_314 : vector<16xi32> -> vector<16xf32>
        %add3A_316 = arith.addf %bitcast_convert_type3A_295, %bitcast_convert_type3A_304 : vector<16xf32>
        %sub3A_317 = arith.subf %add3A_316, %bitcast_convert_type3A_313 : vector<16xf32>
        %abs3A_318 = math.absf %sub3A_317 : vector<16xf32>
        %add3A_319 = arith.addf %add3A_282, %abs3A_318 : vector<16xf32>
        %add3A_320 = arith.addf %bitcast_convert_type3A_297, %bitcast_convert_type3A_306 : vector<16xf32>
        %sub3A_321 = arith.subf %add3A_320, %bitcast_convert_type3A_315 : vector<16xf32>
        %abs3A_322 = math.absf %sub3A_321 : vector<16xf32>
        %add3A_323 = arith.addf %add3A_286, %abs3A_322 : vector<16xf32>
        %scan3A_324 = arith.constant 4 : i32
        %scan3A_325 = arith.addi %scan3A_181, %scan3A_324 : i32
        %add3A_326 = vector.broadcast %scan3A_325 : i32 to vector<16xi32>
        %add3A_327 = arith.addi %get3A_155, %add3A_326 : vector<16xi32>
        %gather3A_328 = tpu.vector_load_idx %arg14[%add3A_150, %add3A_327] : memref<128x128xi32, #tpu.memory_space<vmem>>[vector<16xi32>, vector<16xi32>], vector<16xi32>,
        %shift_left3A_329 = arith.constant 16 : i32
        %shift_left3A_330 = vector.broadcast %shift_left3A_329 : i32 to vector<16xi32>
        %shift_left3A_331 = arith.shli %gather3A_328, %shift_left3A_330 : vector<16xi32>
        %bitcast_convert_type3A_332 = tpu.bitcast %shift_left3A_331 : vector<16xi32> -> vector<16xf32>
        %and3A_333 = arith.andi %gather3A_328, %broadcast_in_dim3A_168 : vector<16xi32>
        %bitcast_convert_type3A_334 = tpu.bitcast %and3A_333 : vector<16xi32> -> vector<16xf32>
        %add3A_335 = vector.broadcast %scan3A_325 : i32 to vector<16xi32>
        %add3A_336 = arith.addi %get3A_161, %add3A_335 : vector<16xi32>
        %gather3A_337 = tpu.vector_load_idx %arg16[%add3A_150, %add3A_336] : memref<128x128xi32, #tpu.memory_space<vmem>>[vector<16xi32>, vector<16xi32>], vector<16xi32>,
        %shift_left3A_338 = arith.constant 16 : i32
        %shift_left3A_339 = vector.broadcast %shift_left3A_338 : i32 to vector<16xi32>
        %shift_left3A_340 = arith.shli %gather3A_337, %shift_left3A_339 : vector<16xi32>
        %bitcast_convert_type3A_341 = tpu.bitcast %shift_left3A_340 : vector<16xi32> -> vector<16xf32>
        %and3A_342 = arith.andi %gather3A_337, %broadcast_in_dim3A_168 : vector<16xi32>
        %bitcast_convert_type3A_343 = tpu.bitcast %and3A_342 : vector<16xi32> -> vector<16xf32>
        %add3A_344 = vector.broadcast %scan3A_325 : i32 to vector<16xi32>
        %add3A_345 = arith.addi %get3A_167, %add3A_344 : vector<16xi32>
        %gather3A_346 = tpu.vector_load_idx %arg18[%add3A_150, %add3A_345] : memref<128x128xi32, #tpu.memory_space<vmem>>[vector<16xi32>, vector<16xi32>], vector<16xi32>,
        %shift_left3A_347 = arith.constant 16 : i32
        %shift_left3A_348 = vector.broadcast %shift_left3A_347 : i32 to vector<16xi32>
        %shift_left3A_349 = arith.shli %gather3A_346, %shift_left3A_348 : vector<16xi32>
        %bitcast_convert_type3A_350 = tpu.bitcast %shift_left3A_349 : vector<16xi32> -> vector<16xf32>
        %and3A_351 = arith.andi %gather3A_346, %broadcast_in_dim3A_168 : vector<16xi32>
        %bitcast_convert_type3A_352 = tpu.bitcast %and3A_351 : vector<16xi32> -> vector<16xf32>
        %add3A_353 = arith.addf %bitcast_convert_type3A_332, %bitcast_convert_type3A_341 : vector<16xf32>
        %sub3A_354 = arith.subf %add3A_353, %bitcast_convert_type3A_350 : vector<16xf32>
        %abs3A_355 = math.absf %sub3A_354 : vector<16xf32>
        %add3A_356 = arith.addf %add3A_319, %abs3A_355 : vector<16xf32>
        %add3A_357 = arith.addf %bitcast_convert_type3A_334, %bitcast_convert_type3A_343 : vector<16xf32>
        %sub3A_358 = arith.subf %add3A_357, %bitcast_convert_type3A_352 : vector<16xf32>
        %abs3A_359 = math.absf %sub3A_358 : vector<16xf32>
        %add3A_360 = arith.addf %add3A_323, %abs3A_359 : vector<16xf32>
        %scan3A_361 = arith.constant 5 : i32
        %scan3A_362 = arith.addi %scan3A_181, %scan3A_361 : i32
        %add3A_363 = vector.broadcast %scan3A_362 : i32 to vector<16xi32>
        %add3A_364 = arith.addi %get3A_155, %add3A_363 : vector<16xi32>
        %gather3A_365 = tpu.vector_load_idx %arg14[%add3A_150, %add3A_364] : memref<128x128xi32, #tpu.memory_space<vmem>>[vector<16xi32>, vector<16xi32>], vector<16xi32>,
        %shift_left3A_366 = arith.constant 16 : i32
        %shift_left3A_367 = vector.broadcast %shift_left3A_366 : i32 to vector<16xi32>
        %shift_left3A_368 = arith.shli %gather3A_365, %shift_left3A_367 : vector<16xi32>
        %bitcast_convert_type3A_369 = tpu.bitcast %shift_left3A_368 : vector<16xi32> -> vector<16xf32>
        %and3A_370 = arith.andi %gather3A_365, %broadcast_in_dim3A_168 : vector<16xi32>
        %bitcast_convert_type3A_371 = tpu.bitcast %and3A_370 : vector<16xi32> -> vector<16xf32>
        %add3A_372 = vector.broadcast %scan3A_362 : i32 to vector<16xi32>
        %add3A_373 = arith.addi %get3A_161, %add3A_372 : vector<16xi32>
        %gather3A_374 = tpu.vector_load_idx %arg16[%add3A_150, %add3A_373] : memref<128x128xi32, #tpu.memory_space<vmem>>[vector<16xi32>, vector<16xi32>], vector<16xi32>,
        %shift_left3A_375 = arith.constant 16 : i32
        %shift_left3A_376 = vector.broadcast %shift_left3A_375 : i32 to vector<16xi32>
        %shift_left3A_377 = arith.shli %gather3A_374, %shift_left3A_376 : vector<16xi32>
        %bitcast_convert_type3A_378 = tpu.bitcast %shift_left3A_377 : vector<16xi32> -> vector<16xf32>
        %and3A_379 = arith.andi %gather3A_374, %broadcast_in_dim3A_168 : vector<16xi32>
        %bitcast_convert_type3A_380 = tpu.bitcast %and3A_379 : vector<16xi32> -> vector<16xf32>
        %add3A_381 = vector.broadcast %scan3A_362 : i32 to vector<16xi32>
        %add3A_382 = arith.addi %get3A_167, %add3A_381 : vector<16xi32>
        %gather3A_383 = tpu.vector_load_idx %arg18[%add3A_150, %add3A_382] : memref<128x128xi32, #tpu.memory_space<vmem>>[vector<16xi32>, vector<16xi32>], vector<16xi32>,
        %shift_left3A_384 = arith.constant 16 : i32
        %shift_left3A_385 = vector.broadcast %shift_left3A_384 : i32 to vector<16xi32>
        %shift_left3A_386 = arith.shli %gather3A_383, %shift_left3A_385 : vector<16xi32>
        %bitcast_convert_type3A_387 = tpu.bitcast %shift_left3A_386 : vector<16xi32> -> vector<16xf32>
        %and3A_388 = arith.andi %gather3A_383, %broadcast_in_dim3A_168 : vector<16xi32>
        %bitcast_convert_type3A_389 = tpu.bitcast %and3A_388 : vector<16xi32> -> vector<16xf32>
        %add3A_390 = arith.addf %bitcast_convert_type3A_369, %bitcast_convert_type3A_378 : vector<16xf32>
        %sub3A_391 = arith.subf %add3A_390, %bitcast_convert_type3A_387 : vector<16xf32>
        %abs3A_392 = math.absf %sub3A_391 : vector<16xf32>
        %add3A_393 = arith.addf %add3A_356, %abs3A_392 : vector<16xf32>
        %add3A_394 = arith.addf %bitcast_convert_type3A_371, %bitcast_convert_type3A_380 : vector<16xf32>
        %sub3A_395 = arith.subf %add3A_394, %bitcast_convert_type3A_389 : vector<16xf32>
        %abs3A_396 = math.absf %sub3A_395 : vector<16xf32>
        %add3A_397 = arith.addf %add3A_360, %abs3A_396 : vector<16xf32>
        %scan3A_398 = arith.constant 6 : i32
        %scan3A_399 = arith.addi %scan3A_181, %scan3A_398 : i32
        %add3A_400 = vector.broadcast %scan3A_399 : i32 to vector<16xi32>
        %add3A_401 = arith.addi %get3A_155, %add3A_400 : vector<16xi32>
        %gather3A_402 = tpu.vector_load_idx %arg14[%add3A_150, %add3A_401] : memref<128x128xi32, #tpu.memory_space<vmem>>[vector<16xi32>, vector<16xi32>], vector<16xi32>,
        %shift_left3A_403 = arith.constant 16 : i32
        %shift_left3A_404 = vector.broadcast %shift_left3A_403 : i32 to vector<16xi32>
        %shift_left3A_405 = arith.shli %gather3A_402, %shift_left3A_404 : vector<16xi32>
        %bitcast_convert_type3A_406 = tpu.bitcast %shift_left3A_405 : vector<16xi32> -> vector<16xf32>
        %and3A_407 = arith.andi %gather3A_402, %broadcast_in_dim3A_168 : vector<16xi32>
        %bitcast_convert_type3A_408 = tpu.bitcast %and3A_407 : vector<16xi32> -> vector<16xf32>
        %add3A_409 = vector.broadcast %scan3A_399 : i32 to vector<16xi32>
        %add3A_410 = arith.addi %get3A_161, %add3A_409 : vector<16xi32>
        %gather3A_411 = tpu.vector_load_idx %arg16[%add3A_150, %add3A_410] : memref<128x128xi32, #tpu.memory_space<vmem>>[vector<16xi32>, vector<16xi32>], vector<16xi32>,
        %shift_left3A_412 = arith.constant 16 : i32
        %shift_left3A_413 = vector.broadcast %shift_left3A_412 : i32 to vector<16xi32>
        %shift_left3A_414 = arith.shli %gather3A_411, %shift_left3A_413 : vector<16xi32>
        %bitcast_convert_type3A_415 = tpu.bitcast %shift_left3A_414 : vector<16xi32> -> vector<16xf32>
        %and3A_416 = arith.andi %gather3A_411, %broadcast_in_dim3A_168 : vector<16xi32>
        %bitcast_convert_type3A_417 = tpu.bitcast %and3A_416 : vector<16xi32> -> vector<16xf32>
        %add3A_418 = vector.broadcast %scan3A_399 : i32 to vector<16xi32>
        %add3A_419 = arith.addi %get3A_167, %add3A_418 : vector<16xi32>
        %gather3A_420 = tpu.vector_load_idx %arg18[%add3A_150, %add3A_419] : memref<128x128xi32, #tpu.memory_space<vmem>>[vector<16xi32>, vector<16xi32>], vector<16xi32>,
        %shift_left3A_421 = arith.constant 16 : i32
        %shift_left3A_422 = vector.broadcast %shift_left3A_421 : i32 to vector<16xi32>
        %shift_left3A_423 = arith.shli %gather3A_420, %shift_left3A_422 : vector<16xi32>
        %bitcast_convert_type3A_424 = tpu.bitcast %shift_left3A_423 : vector<16xi32> -> vector<16xf32>
        %and3A_425 = arith.andi %gather3A_420, %broadcast_in_dim3A_168 : vector<16xi32>
        %bitcast_convert_type3A_426 = tpu.bitcast %and3A_425 : vector<16xi32> -> vector<16xf32>
        %add3A_427 = arith.addf %bitcast_convert_type3A_406, %bitcast_convert_type3A_415 : vector<16xf32>
        %sub3A_428 = arith.subf %add3A_427, %bitcast_convert_type3A_424 : vector<16xf32>
        %abs3A_429 = math.absf %sub3A_428 : vector<16xf32>
        %add3A_430 = arith.addf %add3A_393, %abs3A_429 : vector<16xf32>
        %add3A_431 = arith.addf %bitcast_convert_type3A_408, %bitcast_convert_type3A_417 : vector<16xf32>
        %sub3A_432 = arith.subf %add3A_431, %bitcast_convert_type3A_426 : vector<16xf32>
        %abs3A_433 = math.absf %sub3A_432 : vector<16xf32>
        %add3A_434 = arith.addf %add3A_397, %abs3A_433 : vector<16xf32>
        %scan3A_435 = arith.constant 7 : i32
        %scan3A_436 = arith.addi %scan3A_181, %scan3A_435 : i32
        %add3A_437 = vector.broadcast %scan3A_436 : i32 to vector<16xi32>
        %add3A_438 = arith.addi %get3A_155, %add3A_437 : vector<16xi32>
        %gather3A_439 = tpu.vector_load_idx %arg14[%add3A_150, %add3A_438] : memref<128x128xi32, #tpu.memory_space<vmem>>[vector<16xi32>, vector<16xi32>], vector<16xi32>,
        %shift_left3A_440 = arith.constant 16 : i32
        %shift_left3A_441 = vector.broadcast %shift_left3A_440 : i32 to vector<16xi32>
        %shift_left3A_442 = arith.shli %gather3A_439, %shift_left3A_441 : vector<16xi32>
        %bitcast_convert_type3A_443 = tpu.bitcast %shift_left3A_442 : vector<16xi32> -> vector<16xf32>
        %and3A_444 = arith.andi %gather3A_439, %broadcast_in_dim3A_168 : vector<16xi32>
        %bitcast_convert_type3A_445 = tpu.bitcast %and3A_444 : vector<16xi32> -> vector<16xf32>
        %add3A_446 = vector.broadcast %scan3A_436 : i32 to vector<16xi32>
        %add3A_447 = arith.addi %get3A_161, %add3A_446 : vector<16xi32>
        %gather3A_448 = tpu.vector_load_idx %arg16[%add3A_150, %add3A_447] : memref<128x128xi32, #tpu.memory_space<vmem>>[vector<16xi32>, vector<16xi32>], vector<16xi32>,
        %shift_left3A_449 = arith.constant 16 : i32
        %shift_left3A_450 = vector.broadcast %shift_left3A_449 : i32 to vector<16xi32>
        %shift_left3A_451 = arith.shli %gather3A_448, %shift_left3A_450 : vector<16xi32>
        %bitcast_convert_type3A_452 = tpu.bitcast %shift_left3A_451 : vector<16xi32> -> vector<16xf32>
        %and3A_453 = arith.andi %gather3A_448, %broadcast_in_dim3A_168 : vector<16xi32>
        %bitcast_convert_type3A_454 = tpu.bitcast %and3A_453 : vector<16xi32> -> vector<16xf32>
        %add3A_455 = vector.broadcast %scan3A_436 : i32 to vector<16xi32>
        %add3A_456 = arith.addi %get3A_167, %add3A_455 : vector<16xi32>
        %gather3A_457 = tpu.vector_load_idx %arg18[%add3A_150, %add3A_456] : memref<128x128xi32, #tpu.memory_space<vmem>>[vector<16xi32>, vector<16xi32>], vector<16xi32>,
        %shift_left3A_458 = arith.constant 16 : i32
        %shift_left3A_459 = vector.broadcast %shift_left3A_458 : i32 to vector<16xi32>
        %shift_left3A_460 = arith.shli %gather3A_457, %shift_left3A_459 : vector<16xi32>
        %bitcast_convert_type3A_461 = tpu.bitcast %shift_left3A_460 : vector<16xi32> -> vector<16xf32>
        %and3A_462 = arith.andi %gather3A_457, %broadcast_in_dim3A_168 : vector<16xi32>
        %bitcast_convert_type3A_463 = tpu.bitcast %and3A_462 : vector<16xi32> -> vector<16xf32>
        %add3A_464 = arith.addf %bitcast_convert_type3A_443, %bitcast_convert_type3A_452 : vector<16xf32>
        %sub3A_465 = arith.subf %add3A_464, %bitcast_convert_type3A_461 : vector<16xf32>
        %abs3A_466 = math.absf %sub3A_465 : vector<16xf32>
        %add3A_467 = arith.addf %add3A_430, %abs3A_466 : vector<16xf32>
        %add3A_468 = arith.addf %bitcast_convert_type3A_445, %bitcast_convert_type3A_454 : vector<16xf32>
        %sub3A_469 = arith.subf %add3A_468, %bitcast_convert_type3A_463 : vector<16xf32>
        %abs3A_470 = math.absf %sub3A_469 : vector<16xf32>
        %add3A_471 = arith.addf %add3A_434, %abs3A_470 : vector<16xf32>
        scf.yield %add3A_467, %add3A_471 : vector<16xf32>, vector<16xf32>
      }
      %scan3A_176 = arith.constant 32 : i32
      %add3A_177 = arith.addf %scan3A_175#0, %scan3A_175#1 : vector<16xf32>
      %mul3A_178 = arith.constant 16 : i32
      %mul3A_179 = arith.muli %add3A_146, %mul3A_178 : i32
      %swap3A = arith.index_cast %mul3A_179 : i32 to index
      %swap3A_180 = tpu.vector_load %arg20[%swap3A] {strides = array<i32>} : memref<128xf32, #tpu.memory_space<vmem>>, vector<16xf32>,
      tpu.vector_store %arg20[%swap3A], %add3A_177 {strides = array<i32>} : memref<128xf32, #tpu.memory_space<vmem>>, vector<16xf32>,
    }
    %scan3A_51 = arith.constant 8 : i32
    "tpu.region"() ({
      %run_scoped3A = tpu.sem_alloc : memref<!tpu.dma_semaphore, #tpu.memory_space<semaphore_mem>>
      %dma_start3A_142 = tpu.memref_slice %arg5[%add3A_38] : memref<16384xf32, #tpu.memory_space<hbm>> -> memref<128xf32, #tpu.memory_space<hbm>>
      %dma_start3A_143 = tpu.memref_slice %arg5[%add3A_38] : memref<16384xf32, #tpu.memory_space<hbm>> -> memref<128xf32, #tpu.memory_space<hbm>>
      tpu.enqueue_dma source(%arg20 : memref<128xf32, #tpu.memory_space<vmem>>) target(%dma_start3A_143 : memref<128xf32, #tpu.memory_space<hbm>>) target_semaphore(%run_scoped3A : memref<!tpu.dma_semaphore, #tpu.memory_space<semaphore_mem>>)
      %dma_wait3A_144 = tpu.memref_slice %arg5[%add3A_38] : memref<16384xf32, #tpu.memory_space<hbm>> -> memref<128xf32, #tpu.memory_space<hbm>>
      %dma_wait3A_145 = tpu.memref_slice %arg5[%add3A_38] : memref<16384xf32, #tpu.memory_space<hbm>> -> memref<128xf32, #tpu.memory_space<hbm>>
      tpu.wait_dma2 semaphore(%run_scoped3A : memref<!tpu.dma_semaphore, #tpu.memory_space<semaphore_mem>>) src(%arg20 : memref<128xf32, #tpu.memory_space<vmem>>) dst(%dma_wait3A_145 : memref<128xf32, #tpu.memory_space<hbm>>)
      tpu.yield
    }) : () -> ()
    %mul3A_52 = arith.constant 512 : i32
    %mul3A_53 = arith.muli %add3A, %mul3A_52 : i32
    %add3A_54 = arith.constant 256 : i32
    %add3A_55 = arith.addi %mul3A_53, %add3A_54 : i32
    "tpu.region"() ({
      %run_scoped3A = tpu.sem_alloc : memref<!tpu.dma_semaphore, #tpu.memory_space<semaphore_mem>>
      %dma_start3A_142 = arith.constant 0 : i32
      %dma_start3A_143 = tpu.memref_slice %arg2[%dma_start3A_142, %add3A_55] : memref<8x16384xi32, #tpu.memory_space<hbm>> -> memref<8x128xi32, #tpu.memory_space<hbm>>
      %dma_start3A_144 = arith.constant 0 : i32
      %dma_start3A_145 = tpu.memref_slice %arg2[%dma_start3A_144, %add3A_55] : memref<8x16384xi32, #tpu.memory_space<hbm>> -> memref<8x128xi32, #tpu.memory_space<hbm>>
      tpu.enqueue_dma source(%dma_start3A_145 : memref<8x128xi32, #tpu.memory_space<hbm>>) target(%arg6 : memref<8x128xi32, #tpu.memory_space<vmem>>) target_semaphore(%run_scoped3A : memref<!tpu.dma_semaphore, #tpu.memory_space<semaphore_mem>>)
      %dma_wait3A_146 = arith.constant 0 : i32
      %dma_wait3A_147 = tpu.memref_slice %arg2[%dma_wait3A_146, %add3A_55] : memref<8x16384xi32, #tpu.memory_space<hbm>> -> memref<8x128xi32, #tpu.memory_space<hbm>>
      %dma_wait3A_148 = arith.constant 0 : i32
      %dma_wait3A_149 = tpu.memref_slice %arg2[%dma_wait3A_148, %add3A_55] : memref<8x16384xi32, #tpu.memory_space<hbm>> -> memref<8x128xi32, #tpu.memory_space<hbm>>
      tpu.wait_dma2 semaphore(%run_scoped3A : memref<!tpu.dma_semaphore, #tpu.memory_space<semaphore_mem>>) src(%dma_wait3A_149 : memref<8x128xi32, #tpu.memory_space<hbm>>) dst(%arg6 : memref<8x128xi32, #tpu.memory_space<vmem>>)
      tpu.yield
    }) : () -> ()
    %scan3A_56 = arith.constant 0 : i32
    %scan3A_57 = arith.constant 8 : i32
    %scan3A_58 = arith.addi %scan3A_56, %scan3A_57 : i32
    %scan3A_59 = arith.constant 1 : i32
    scf.for %scan3A_142 = %scan3A_56 to %scan3A_58 step %scan3A_59  : i32 {
      %mul3A_143 = arith.constant 1 : i32
      %mul3A_144 = arith.muli %scan3A_142, %mul3A_143 : i32
      %add3A_145 = arith.constant 0 : i32
      %add3A_146 = arith.addi %add3A_145, %mul3A_144 : i32
      %mul3A_147 = arith.constant 16 : i32
      %mul3A_148 = arith.muli %add3A_146, %mul3A_147 : i32
      %get3A = arith.constant 0 : i32
      %get3A_149 = arith.index_cast %get3A : i32 to index
      %get3A_150 = arith.index_cast %mul3A_148 : i32 to index
      %get3A_151 = tpu.vector_load %arg6[%get3A_149, %get3A_150] {strides = array<i32>} : memref<8x128xi32, #tpu.memory_space<vmem>>, vector<16xi32>,
      %swap3A = arith.index_cast %mul3A_148 : i32 to index
      %swap3A_152 = tpu.vector_load %arg8[%swap3A] {strides = array<i32>} : memref<128xi32, #tpu.memory_space<vmem>>, vector<16xi32>,
      tpu.vector_store %arg8[%swap3A], %get3A_151 {strides = array<i32>} : memref<128xi32, #tpu.memory_space<vmem>>, vector<16xi32>,
      %get3A_153 = arith.constant 1 : i32
      %get3A_154 = arith.index_cast %get3A_153 : i32 to index
      %get3A_155 = arith.index_cast %mul3A_148 : i32 to index
      %get3A_156 = tpu.vector_load %arg6[%get3A_154, %get3A_155] {strides = array<i32>} : memref<8x128xi32, #tpu.memory_space<vmem>>, vector<16xi32>,
      %swap3A_157 = arith.index_cast %mul3A_148 : i32 to index
      %swap3A_158 = tpu.vector_load %arg10[%swap3A_157] {strides = array<i32>} : memref<128xi32, #tpu.memory_space<vmem>>, vector<16xi32>,
      tpu.vector_store %arg10[%swap3A_157], %get3A_156 {strides = array<i32>} : memref<128xi32, #tpu.memory_space<vmem>>, vector<16xi32>,
      %get3A_159 = arith.constant 2 : i32
      %get3A_160 = arith.index_cast %get3A_159 : i32 to index
      %get3A_161 = arith.index_cast %mul3A_148 : i32 to index
      %get3A_162 = tpu.vector_load %arg6[%get3A_160, %get3A_161] {strides = array<i32>} : memref<8x128xi32, #tpu.memory_space<vmem>>, vector<16xi32>,
      %swap3A_163 = arith.index_cast %mul3A_148 : i32 to index
      %swap3A_164 = tpu.vector_load %arg12[%swap3A_163] {strides = array<i32>} : memref<128xi32, #tpu.memory_space<vmem>>, vector<16xi32>,
      tpu.vector_store %arg12[%swap3A_163], %get3A_162 {strides = array<i32>} : memref<128xi32, #tpu.memory_space<vmem>>, vector<16xi32>,
    }
    %scan3A_60 = arith.constant 8 : i32
    %dma_start3A_61 = arith.constant 0 : i32
    %dma_start3A_62 = arith.constant 0 : i32
    %dma_start3A_63 = tpu.memref_slice %arg3[%dma_start3A_61, %dma_start3A_62] : memref<253952x128xi32, #tpu.memory_space<hbm>> -> memref<253952x128xi32, #tpu.memory_space<hbm>>
    tpu.enqueue_indirect_dma source(%dma_start3A_63 : memref<253952x128xi32, #tpu.memory_space<hbm>>) target(%arg14 : memref<128x128xi32, #tpu.memory_space<vmem>>) offsets(%arg8 : memref<128xi32, #tpu.memory_space<vmem>>) semaphore(%arg22 : memref<!tpu.dma_semaphore, #tpu.memory_space<semaphore_mem>>)
    %dma_start3A_64 = arith.constant 0 : i32
    %dma_start3A_65 = arith.constant 0 : i32
    %dma_start3A_66 = tpu.memref_slice %arg4[%dma_start3A_64, %dma_start3A_65] : memref<253952x128xi32, #tpu.memory_space<hbm>> -> memref<253952x128xi32, #tpu.memory_space<hbm>>
    tpu.enqueue_indirect_dma source(%dma_start3A_66 : memref<253952x128xi32, #tpu.memory_space<hbm>>) target(%arg16 : memref<128x128xi32, #tpu.memory_space<vmem>>) offsets(%arg10 : memref<128xi32, #tpu.memory_space<vmem>>) semaphore(%arg24 : memref<!tpu.dma_semaphore, #tpu.memory_space<semaphore_mem>>)
    %dma_start3A_67 = arith.constant 0 : i32
    %dma_start3A_68 = arith.constant 0 : i32
    %dma_start3A_69 = tpu.memref_slice %arg3[%dma_start3A_67, %dma_start3A_68] : memref<253952x128xi32, #tpu.memory_space<hbm>> -> memref<253952x128xi32, #tpu.memory_space<hbm>>
    tpu.enqueue_indirect_dma source(%dma_start3A_69 : memref<253952x128xi32, #tpu.memory_space<hbm>>) target(%arg18 : memref<128x128xi32, #tpu.memory_space<vmem>>) offsets(%arg12 : memref<128xi32, #tpu.memory_space<vmem>>) semaphore(%arg26 : memref<!tpu.dma_semaphore, #tpu.memory_space<semaphore_mem>>)
    %mul3A_70 = arith.constant 512 : i32
    %mul3A_71 = arith.muli %add3A, %mul3A_70 : i32
    %add3A_72 = arith.constant 128 : i32
    %add3A_73 = arith.addi %mul3A_71, %add3A_72 : i32
    %dma_wait3A_74 = arith.constant 0 : i32
    %dma_wait3A_75 = arith.constant 0 : i32
    %dma_wait3A_76 = tpu.memref_slice %arg3[%dma_wait3A_74, %dma_wait3A_75] : memref<253952x128xi32, #tpu.memory_space<hbm>> -> memref<253952x128xi32, #tpu.memory_space<hbm>>
    tpu.wait_indirect_dma semaphore(%arg23 : memref<!tpu.dma_semaphore, #tpu.memory_space<semaphore_mem>>) src(%dma_wait3A_76 : memref<253952x128xi32, #tpu.memory_space<hbm>>) dst(%arg15 : memref<128x128xi32, #tpu.memory_space<vmem>>)
    %dma_wait3A_77 = arith.constant 0 : i32
    %dma_wait3A_78 = arith.constant 0 : i32
    %dma_wait3A_79 = tpu.memref_slice %arg4[%dma_wait3A_77, %dma_wait3A_78] : memref<253952x128xi32, #tpu.memory_space<hbm>> -> memref<253952x128xi32, #tpu.memory_space<hbm>>
    tpu.wait_indirect_dma semaphore(%arg25 : memref<!tpu.dma_semaphore, #tpu.memory_space<semaphore_mem>>) src(%dma_wait3A_79 : memref<253952x128xi32, #tpu.memory_space<hbm>>) dst(%arg17 : memref<128x128xi32, #tpu.memory_space<vmem>>)
    %dma_wait3A_80 = arith.constant 0 : i32
    %dma_wait3A_81 = arith.constant 0 : i32
    %dma_wait3A_82 = tpu.memref_slice %arg3[%dma_wait3A_80, %dma_wait3A_81] : memref<253952x128xi32, #tpu.memory_space<hbm>> -> memref<253952x128xi32, #tpu.memory_space<hbm>>
    tpu.wait_indirect_dma semaphore(%arg27 : memref<!tpu.dma_semaphore, #tpu.memory_space<semaphore_mem>>) src(%dma_wait3A_82 : memref<253952x128xi32, #tpu.memory_space<hbm>>) dst(%arg19 : memref<128x128xi32, #tpu.memory_space<vmem>>)
    %scan3A_83 = arith.constant 0 : i32
    %scan3A_84 = arith.constant 8 : i32
    %scan3A_85 = arith.addi %scan3A_83, %scan3A_84 : i32
    %scan3A_86 = arith.constant 1 : i32
    scf.for %scan3A_142 = %scan3A_83 to %scan3A_85 step %scan3A_86  : i32 {
      %mul3A_143 = arith.constant 1 : i32
      %mul3A_144 = arith.muli %scan3A_142, %mul3A_143 : i32
      %add3A_145 = arith.constant 0 : i32
      %add3A_146 = arith.addi %add3A_145, %mul3A_144 : i32
      %mul3A_147 = arith.constant 16 : i32
      %mul3A_148 = arith.muli %add3A_146, %mul3A_147 : i32
      %iota3A = tpu.iota {dimensions = array<i32: 0>} : vector<16xi32>
      %add3A_149 = vector.broadcast %mul3A_148 : i32 to vector<16xi32>
      %add3A_150 = arith.addi %add3A_149, %iota3A : vector<16xi32>
      %mul3A_151 = arith.constant 16 : i32
      %mul3A_152 = arith.muli %add3A_146, %mul3A_151 : i32
      %get3A = arith.constant 3 : i32
      %get3A_153 = arith.index_cast %get3A : i32 to index
      %get3A_154 = arith.index_cast %mul3A_152 : i32 to index
      %get3A_155 = tpu.vector_load %arg7[%get3A_153, %get3A_154] {strides = array<i32>} : memref<8x128xi32, #tpu.memory_space<vmem>>, vector<16xi32>,
      %mul3A_156 = arith.constant 16 : i32
      %mul3A_157 = arith.muli %add3A_146, %mul3A_156 : i32
      %get3A_158 = arith.constant 4 : i32
      %get3A_159 = arith.index_cast %get3A_158 : i32 to index
      %get3A_160 = arith.index_cast %mul3A_157 : i32 to index
      %get3A_161 = tpu.vector_load %arg7[%get3A_159, %get3A_160] {strides = array<i32>} : memref<8x128xi32, #tpu.memory_space<vmem>>, vector<16xi32>,
      %mul3A_162 = arith.constant 16 : i32
      %mul3A_163 = arith.muli %add3A_146, %mul3A_162 : i32
      %get3A_164 = arith.constant 5 : i32
      %get3A_165 = arith.index_cast %get3A_164 : i32 to index
      %get3A_166 = arith.index_cast %mul3A_163 : i32 to index
      %get3A_167 = tpu.vector_load %arg7[%get3A_165, %get3A_166] {strides = array<i32>} : memref<8x128xi32, #tpu.memory_space<vmem>>, vector<16xi32>,
      %broadcast_in_dim3A = arith.constant -65536 : i32
      %broadcast_in_dim3A_168 = vector.broadcast %broadcast_in_dim3A : i32 to vector<16xi32>
      %broadcast_in_dim3A_169 = arith.constant 0.000000e+00 : f32
      %broadcast_in_dim3A_170 = vector.broadcast %broadcast_in_dim3A_169 : f32 to vector<16xf32>
      %scan3A_171 = arith.constant 0 : i32
      %scan3A_172 = arith.constant 32 : i32
      %scan3A_173 = arith.addi %scan3A_171, %scan3A_172 : i32
      %scan3A_174 = arith.constant 8 : i32
      %scan3A_175:2 = scf.for %scan3A_181 = %scan3A_171 to %scan3A_173 step %scan3A_174 iter_args(%scan3A_182 = %broadcast_in_dim3A_170, %scan3A_183 = %broadcast_in_dim3A_170) -> (vector<16xf32>, vector<16xf32>)  : i32 {
        %add3A_184 = vector.broadcast %scan3A_181 : i32 to vector<16xi32>
        %add3A_185 = arith.addi %get3A_155, %add3A_184 : vector<16xi32>
        %gather3A = tpu.vector_load_idx %arg15[%add3A_150, %add3A_185] : memref<128x128xi32, #tpu.memory_space<vmem>>[vector<16xi32>, vector<16xi32>], vector<16xi32>,
        %shift_left3A = arith.constant 16 : i32
        %shift_left3A_186 = vector.broadcast %shift_left3A : i32 to vector<16xi32>
        %shift_left3A_187 = arith.shli %gather3A, %shift_left3A_186 : vector<16xi32>
        %bitcast_convert_type3A = tpu.bitcast %shift_left3A_187 : vector<16xi32> -> vector<16xf32>
        %and3A = arith.andi %gather3A, %broadcast_in_dim3A_168 : vector<16xi32>
        %bitcast_convert_type3A_188 = tpu.bitcast %and3A : vector<16xi32> -> vector<16xf32>
        %add3A_189 = vector.broadcast %scan3A_181 : i32 to vector<16xi32>
        %add3A_190 = arith.addi %get3A_161, %add3A_189 : vector<16xi32>
        %gather3A_191 = tpu.vector_load_idx %arg17[%add3A_150, %add3A_190] : memref<128x128xi32, #tpu.memory_space<vmem>>[vector<16xi32>, vector<16xi32>], vector<16xi32>,
        %shift_left3A_192 = arith.constant 16 : i32
        %shift_left3A_193 = vector.broadcast %shift_left3A_192 : i32 to vector<16xi32>
        %shift_left3A_194 = arith.shli %gather3A_191, %shift_left3A_193 : vector<16xi32>
        %bitcast_convert_type3A_195 = tpu.bitcast %shift_left3A_194 : vector<16xi32> -> vector<16xf32>
        %and3A_196 = arith.andi %gather3A_191, %broadcast_in_dim3A_168 : vector<16xi32>
        %bitcast_convert_type3A_197 = tpu.bitcast %and3A_196 : vector<16xi32> -> vector<16xf32>
        %add3A_198 = vector.broadcast %scan3A_181 : i32 to vector<16xi32>
        %add3A_199 = arith.addi %get3A_167, %add3A_198 : vector<16xi32>
        %gather3A_200 = tpu.vector_load_idx %arg19[%add3A_150, %add3A_199] : memref<128x128xi32, #tpu.memory_space<vmem>>[vector<16xi32>, vector<16xi32>], vector<16xi32>,
        %shift_left3A_201 = arith.constant 16 : i32
        %shift_left3A_202 = vector.broadcast %shift_left3A_201 : i32 to vector<16xi32>
        %shift_left3A_203 = arith.shli %gather3A_200, %shift_left3A_202 : vector<16xi32>
        %bitcast_convert_type3A_204 = tpu.bitcast %shift_left3A_203 : vector<16xi32> -> vector<16xf32>
        %and3A_205 = arith.andi %gather3A_200, %broadcast_in_dim3A_168 : vector<16xi32>
        %bitcast_convert_type3A_206 = tpu.bitcast %and3A_205 : vector<16xi32> -> vector<16xf32>
        %add3A_207 = arith.addf %bitcast_convert_type3A, %bitcast_convert_type3A_195 : vector<16xf32>
        %sub3A = arith.subf %add3A_207, %bitcast_convert_type3A_204 : vector<16xf32>
        %abs3A = math.absf %sub3A : vector<16xf32>
        %add3A_208 = arith.addf %scan3A_182, %abs3A : vector<16xf32>
        %add3A_209 = arith.addf %bitcast_convert_type3A_188, %bitcast_convert_type3A_197 : vector<16xf32>
        %sub3A_210 = arith.subf %add3A_209, %bitcast_convert_type3A_206 : vector<16xf32>
        %abs3A_211 = math.absf %sub3A_210 : vector<16xf32>
        %add3A_212 = arith.addf %scan3A_183, %abs3A_211 : vector<16xf32>
        %scan3A_213 = arith.constant 1 : i32
        %scan3A_214 = arith.addi %scan3A_181, %scan3A_213 : i32
        %add3A_215 = vector.broadcast %scan3A_214 : i32 to vector<16xi32>
        %add3A_216 = arith.addi %get3A_155, %add3A_215 : vector<16xi32>
        %gather3A_217 = tpu.vector_load_idx %arg15[%add3A_150, %add3A_216] : memref<128x128xi32, #tpu.memory_space<vmem>>[vector<16xi32>, vector<16xi32>], vector<16xi32>,
        %shift_left3A_218 = arith.constant 16 : i32
        %shift_left3A_219 = vector.broadcast %shift_left3A_218 : i32 to vector<16xi32>
        %shift_left3A_220 = arith.shli %gather3A_217, %shift_left3A_219 : vector<16xi32>
        %bitcast_convert_type3A_221 = tpu.bitcast %shift_left3A_220 : vector<16xi32> -> vector<16xf32>
        %and3A_222 = arith.andi %gather3A_217, %broadcast_in_dim3A_168 : vector<16xi32>
        %bitcast_convert_type3A_223 = tpu.bitcast %and3A_222 : vector<16xi32> -> vector<16xf32>
        %add3A_224 = vector.broadcast %scan3A_214 : i32 to vector<16xi32>
        %add3A_225 = arith.addi %get3A_161, %add3A_224 : vector<16xi32>
        %gather3A_226 = tpu.vector_load_idx %arg17[%add3A_150, %add3A_225] : memref<128x128xi32, #tpu.memory_space<vmem>>[vector<16xi32>, vector<16xi32>], vector<16xi32>,
        %shift_left3A_227 = arith.constant 16 : i32
        %shift_left3A_228 = vector.broadcast %shift_left3A_227 : i32 to vector<16xi32>
        %shift_left3A_229 = arith.shli %gather3A_226, %shift_left3A_228 : vector<16xi32>
        %bitcast_convert_type3A_230 = tpu.bitcast %shift_left3A_229 : vector<16xi32> -> vector<16xf32>
        %and3A_231 = arith.andi %gather3A_226, %broadcast_in_dim3A_168 : vector<16xi32>
        %bitcast_convert_type3A_232 = tpu.bitcast %and3A_231 : vector<16xi32> -> vector<16xf32>
        %add3A_233 = vector.broadcast %scan3A_214 : i32 to vector<16xi32>
        %add3A_234 = arith.addi %get3A_167, %add3A_233 : vector<16xi32>
        %gather3A_235 = tpu.vector_load_idx %arg19[%add3A_150, %add3A_234] : memref<128x128xi32, #tpu.memory_space<vmem>>[vector<16xi32>, vector<16xi32>], vector<16xi32>,
        %shift_left3A_236 = arith.constant 16 : i32
        %shift_left3A_237 = vector.broadcast %shift_left3A_236 : i32 to vector<16xi32>
        %shift_left3A_238 = arith.shli %gather3A_235, %shift_left3A_237 : vector<16xi32>
        %bitcast_convert_type3A_239 = tpu.bitcast %shift_left3A_238 : vector<16xi32> -> vector<16xf32>
        %and3A_240 = arith.andi %gather3A_235, %broadcast_in_dim3A_168 : vector<16xi32>
        %bitcast_convert_type3A_241 = tpu.bitcast %and3A_240 : vector<16xi32> -> vector<16xf32>
        %add3A_242 = arith.addf %bitcast_convert_type3A_221, %bitcast_convert_type3A_230 : vector<16xf32>
        %sub3A_243 = arith.subf %add3A_242, %bitcast_convert_type3A_239 : vector<16xf32>
        %abs3A_244 = math.absf %sub3A_243 : vector<16xf32>
        %add3A_245 = arith.addf %add3A_208, %abs3A_244 : vector<16xf32>
        %add3A_246 = arith.addf %bitcast_convert_type3A_223, %bitcast_convert_type3A_232 : vector<16xf32>
        %sub3A_247 = arith.subf %add3A_246, %bitcast_convert_type3A_241 : vector<16xf32>
        %abs3A_248 = math.absf %sub3A_247 : vector<16xf32>
        %add3A_249 = arith.addf %add3A_212, %abs3A_248 : vector<16xf32>
        %scan3A_250 = arith.constant 2 : i32
        %scan3A_251 = arith.addi %scan3A_181, %scan3A_250 : i32
        %add3A_252 = vector.broadcast %scan3A_251 : i32 to vector<16xi32>
        %add3A_253 = arith.addi %get3A_155, %add3A_252 : vector<16xi32>
        %gather3A_254 = tpu.vector_load_idx %arg15[%add3A_150, %add3A_253] : memref<128x128xi32, #tpu.memory_space<vmem>>[vector<16xi32>, vector<16xi32>], vector<16xi32>,
        %shift_left3A_255 = arith.constant 16 : i32
        %shift_left3A_256 = vector.broadcast %shift_left3A_255 : i32 to vector<16xi32>
        %shift_left3A_257 = arith.shli %gather3A_254, %shift_left3A_256 : vector<16xi32>
        %bitcast_convert_type3A_258 = tpu.bitcast %shift_left3A_257 : vector<16xi32> -> vector<16xf32>
        %and3A_259 = arith.andi %gather3A_254, %broadcast_in_dim3A_168 : vector<16xi32>
        %bitcast_convert_type3A_260 = tpu.bitcast %and3A_259 : vector<16xi32> -> vector<16xf32>
        %add3A_261 = vector.broadcast %scan3A_251 : i32 to vector<16xi32>
        %add3A_262 = arith.addi %get3A_161, %add3A_261 : vector<16xi32>
        %gather3A_263 = tpu.vector_load_idx %arg17[%add3A_150, %add3A_262] : memref<128x128xi32, #tpu.memory_space<vmem>>[vector<16xi32>, vector<16xi32>], vector<16xi32>,
        %shift_left3A_264 = arith.constant 16 : i32
        %shift_left3A_265 = vector.broadcast %shift_left3A_264 : i32 to vector<16xi32>
        %shift_left3A_266 = arith.shli %gather3A_263, %shift_left3A_265 : vector<16xi32>
        %bitcast_convert_type3A_267 = tpu.bitcast %shift_left3A_266 : vector<16xi32> -> vector<16xf32>
        %and3A_268 = arith.andi %gather3A_263, %broadcast_in_dim3A_168 : vector<16xi32>
        %bitcast_convert_type3A_269 = tpu.bitcast %and3A_268 : vector<16xi32> -> vector<16xf32>
        %add3A_270 = vector.broadcast %scan3A_251 : i32 to vector<16xi32>
        %add3A_271 = arith.addi %get3A_167, %add3A_270 : vector<16xi32>
        %gather3A_272 = tpu.vector_load_idx %arg19[%add3A_150, %add3A_271] : memref<128x128xi32, #tpu.memory_space<vmem>>[vector<16xi32>, vector<16xi32>], vector<16xi32>,
        %shift_left3A_273 = arith.constant 16 : i32
        %shift_left3A_274 = vector.broadcast %shift_left3A_273 : i32 to vector<16xi32>
        %shift_left3A_275 = arith.shli %gather3A_272, %shift_left3A_274 : vector<16xi32>
        %bitcast_convert_type3A_276 = tpu.bitcast %shift_left3A_275 : vector<16xi32> -> vector<16xf32>
        %and3A_277 = arith.andi %gather3A_272, %broadcast_in_dim3A_168 : vector<16xi32>
        %bitcast_convert_type3A_278 = tpu.bitcast %and3A_277 : vector<16xi32> -> vector<16xf32>
        %add3A_279 = arith.addf %bitcast_convert_type3A_258, %bitcast_convert_type3A_267 : vector<16xf32>
        %sub3A_280 = arith.subf %add3A_279, %bitcast_convert_type3A_276 : vector<16xf32>
        %abs3A_281 = math.absf %sub3A_280 : vector<16xf32>
        %add3A_282 = arith.addf %add3A_245, %abs3A_281 : vector<16xf32>
        %add3A_283 = arith.addf %bitcast_convert_type3A_260, %bitcast_convert_type3A_269 : vector<16xf32>
        %sub3A_284 = arith.subf %add3A_283, %bitcast_convert_type3A_278 : vector<16xf32>
        %abs3A_285 = math.absf %sub3A_284 : vector<16xf32>
        %add3A_286 = arith.addf %add3A_249, %abs3A_285 : vector<16xf32>
        %scan3A_287 = arith.constant 3 : i32
        %scan3A_288 = arith.addi %scan3A_181, %scan3A_287 : i32
        %add3A_289 = vector.broadcast %scan3A_288 : i32 to vector<16xi32>
        %add3A_290 = arith.addi %get3A_155, %add3A_289 : vector<16xi32>
        %gather3A_291 = tpu.vector_load_idx %arg15[%add3A_150, %add3A_290] : memref<128x128xi32, #tpu.memory_space<vmem>>[vector<16xi32>, vector<16xi32>], vector<16xi32>,
        %shift_left3A_292 = arith.constant 16 : i32
        %shift_left3A_293 = vector.broadcast %shift_left3A_292 : i32 to vector<16xi32>
        %shift_left3A_294 = arith.shli %gather3A_291, %shift_left3A_293 : vector<16xi32>
        %bitcast_convert_type3A_295 = tpu.bitcast %shift_left3A_294 : vector<16xi32> -> vector<16xf32>
        %and3A_296 = arith.andi %gather3A_291, %broadcast_in_dim3A_168 : vector<16xi32>
        %bitcast_convert_type3A_297 = tpu.bitcast %and3A_296 : vector<16xi32> -> vector<16xf32>
        %add3A_298 = vector.broadcast %scan3A_288 : i32 to vector<16xi32>
        %add3A_299 = arith.addi %get3A_161, %add3A_298 : vector<16xi32>
        %gather3A_300 = tpu.vector_load_idx %arg17[%add3A_150, %add3A_299] : memref<128x128xi32, #tpu.memory_space<vmem>>[vector<16xi32>, vector<16xi32>], vector<16xi32>,
        %shift_left3A_301 = arith.constant 16 : i32
        %shift_left3A_302 = vector.broadcast %shift_left3A_301 : i32 to vector<16xi32>
        %shift_left3A_303 = arith.shli %gather3A_300, %shift_left3A_302 : vector<16xi32>
        %bitcast_convert_type3A_304 = tpu.bitcast %shift_left3A_303 : vector<16xi32> -> vector<16xf32>
        %and3A_305 = arith.andi %gather3A_300, %broadcast_in_dim3A_168 : vector<16xi32>
        %bitcast_convert_type3A_306 = tpu.bitcast %and3A_305 : vector<16xi32> -> vector<16xf32>
        %add3A_307 = vector.broadcast %scan3A_288 : i32 to vector<16xi32>
        %add3A_308 = arith.addi %get3A_167, %add3A_307 : vector<16xi32>
        %gather3A_309 = tpu.vector_load_idx %arg19[%add3A_150, %add3A_308] : memref<128x128xi32, #tpu.memory_space<vmem>>[vector<16xi32>, vector<16xi32>], vector<16xi32>,
        %shift_left3A_310 = arith.constant 16 : i32
        %shift_left3A_311 = vector.broadcast %shift_left3A_310 : i32 to vector<16xi32>
        %shift_left3A_312 = arith.shli %gather3A_309, %shift_left3A_311 : vector<16xi32>
        %bitcast_convert_type3A_313 = tpu.bitcast %shift_left3A_312 : vector<16xi32> -> vector<16xf32>
        %and3A_314 = arith.andi %gather3A_309, %broadcast_in_dim3A_168 : vector<16xi32>
        %bitcast_convert_type3A_315 = tpu.bitcast %and3A_314 : vector<16xi32> -> vector<16xf32>
        %add3A_316 = arith.addf %bitcast_convert_type3A_295, %bitcast_convert_type3A_304 : vector<16xf32>
        %sub3A_317 = arith.subf %add3A_316, %bitcast_convert_type3A_313 : vector<16xf32>
        %abs3A_318 = math.absf %sub3A_317 : vector<16xf32>
        %add3A_319 = arith.addf %add3A_282, %abs3A_318 : vector<16xf32>
        %add3A_320 = arith.addf %bitcast_convert_type3A_297, %bitcast_convert_type3A_306 : vector<16xf32>
        %sub3A_321 = arith.subf %add3A_320, %bitcast_convert_type3A_315 : vector<16xf32>
        %abs3A_322 = math.absf %sub3A_321 : vector<16xf32>
        %add3A_323 = arith.addf %add3A_286, %abs3A_322 : vector<16xf32>
        %scan3A_324 = arith.constant 4 : i32
        %scan3A_325 = arith.addi %scan3A_181, %scan3A_324 : i32
        %add3A_326 = vector.broadcast %scan3A_325 : i32 to vector<16xi32>
        %add3A_327 = arith.addi %get3A_155, %add3A_326 : vector<16xi32>
        %gather3A_328 = tpu.vector_load_idx %arg15[%add3A_150, %add3A_327] : memref<128x128xi32, #tpu.memory_space<vmem>>[vector<16xi32>, vector<16xi32>], vector<16xi32>,
        %shift_left3A_329 = arith.constant 16 : i32
        %shift_left3A_330 = vector.broadcast %shift_left3A_329 : i32 to vector<16xi32>
        %shift_left3A_331 = arith.shli %gather3A_328, %shift_left3A_330 : vector<16xi32>
        %bitcast_convert_type3A_332 = tpu.bitcast %shift_left3A_331 : vector<16xi32> -> vector<16xf32>
        %and3A_333 = arith.andi %gather3A_328, %broadcast_in_dim3A_168 : vector<16xi32>
        %bitcast_convert_type3A_334 = tpu.bitcast %and3A_333 : vector<16xi32> -> vector<16xf32>
        %add3A_335 = vector.broadcast %scan3A_325 : i32 to vector<16xi32>
        %add3A_336 = arith.addi %get3A_161, %add3A_335 : vector<16xi32>
        %gather3A_337 = tpu.vector_load_idx %arg17[%add3A_150, %add3A_336] : memref<128x128xi32, #tpu.memory_space<vmem>>[vector<16xi32>, vector<16xi32>], vector<16xi32>,
        %shift_left3A_338 = arith.constant 16 : i32
        %shift_left3A_339 = vector.broadcast %shift_left3A_338 : i32 to vector<16xi32>
        %shift_left3A_340 = arith.shli %gather3A_337, %shift_left3A_339 : vector<16xi32>
        %bitcast_convert_type3A_341 = tpu.bitcast %shift_left3A_340 : vector<16xi32> -> vector<16xf32>
        %and3A_342 = arith.andi %gather3A_337, %broadcast_in_dim3A_168 : vector<16xi32>
        %bitcast_convert_type3A_343 = tpu.bitcast %and3A_342 : vector<16xi32> -> vector<16xf32>
        %add3A_344 = vector.broadcast %scan3A_325 : i32 to vector<16xi32>
        %add3A_345 = arith.addi %get3A_167, %add3A_344 : vector<16xi32>
        %gather3A_346 = tpu.vector_load_idx %arg19[%add3A_150, %add3A_345] : memref<128x128xi32, #tpu.memory_space<vmem>>[vector<16xi32>, vector<16xi32>], vector<16xi32>,
        %shift_left3A_347 = arith.constant 16 : i32
        %shift_left3A_348 = vector.broadcast %shift_left3A_347 : i32 to vector<16xi32>
        %shift_left3A_349 = arith.shli %gather3A_346, %shift_left3A_348 : vector<16xi32>
        %bitcast_convert_type3A_350 = tpu.bitcast %shift_left3A_349 : vector<16xi32> -> vector<16xf32>
        %and3A_351 = arith.andi %gather3A_346, %broadcast_in_dim3A_168 : vector<16xi32>
        %bitcast_convert_type3A_352 = tpu.bitcast %and3A_351 : vector<16xi32> -> vector<16xf32>
        %add3A_353 = arith.addf %bitcast_convert_type3A_332, %bitcast_convert_type3A_341 : vector<16xf32>
        %sub3A_354 = arith.subf %add3A_353, %bitcast_convert_type3A_350 : vector<16xf32>
        %abs3A_355 = math.absf %sub3A_354 : vector<16xf32>
        %add3A_356 = arith.addf %add3A_319, %abs3A_355 : vector<16xf32>
        %add3A_357 = arith.addf %bitcast_convert_type3A_334, %bitcast_convert_type3A_343 : vector<16xf32>
        %sub3A_358 = arith.subf %add3A_357, %bitcast_convert_type3A_352 : vector<16xf32>
        %abs3A_359 = math.absf %sub3A_358 : vector<16xf32>
        %add3A_360 = arith.addf %add3A_323, %abs3A_359 : vector<16xf32>
        %scan3A_361 = arith.constant 5 : i32
        %scan3A_362 = arith.addi %scan3A_181, %scan3A_361 : i32
        %add3A_363 = vector.broadcast %scan3A_362 : i32 to vector<16xi32>
        %add3A_364 = arith.addi %get3A_155, %add3A_363 : vector<16xi32>
        %gather3A_365 = tpu.vector_load_idx %arg15[%add3A_150, %add3A_364] : memref<128x128xi32, #tpu.memory_space<vmem>>[vector<16xi32>, vector<16xi32>], vector<16xi32>,
        %shift_left3A_366 = arith.constant 16 : i32
        %shift_left3A_367 = vector.broadcast %shift_left3A_366 : i32 to vector<16xi32>
        %shift_left3A_368 = arith.shli %gather3A_365, %shift_left3A_367 : vector<16xi32>
        %bitcast_convert_type3A_369 = tpu.bitcast %shift_left3A_368 : vector<16xi32> -> vector<16xf32>
        %and3A_370 = arith.andi %gather3A_365, %broadcast_in_dim3A_168 : vector<16xi32>
        %bitcast_convert_type3A_371 = tpu.bitcast %and3A_370 : vector<16xi32> -> vector<16xf32>
        %add3A_372 = vector.broadcast %scan3A_362 : i32 to vector<16xi32>
        %add3A_373 = arith.addi %get3A_161, %add3A_372 : vector<16xi32>
        %gather3A_374 = tpu.vector_load_idx %arg17[%add3A_150, %add3A_373] : memref<128x128xi32, #tpu.memory_space<vmem>>[vector<16xi32>, vector<16xi32>], vector<16xi32>,
        %shift_left3A_375 = arith.constant 16 : i32
        %shift_left3A_376 = vector.broadcast %shift_left3A_375 : i32 to vector<16xi32>
        %shift_left3A_377 = arith.shli %gather3A_374, %shift_left3A_376 : vector<16xi32>
        %bitcast_convert_type3A_378 = tpu.bitcast %shift_left3A_377 : vector<16xi32> -> vector<16xf32>
        %and3A_379 = arith.andi %gather3A_374, %broadcast_in_dim3A_168 : vector<16xi32>
        %bitcast_convert_type3A_380 = tpu.bitcast %and3A_379 : vector<16xi32> -> vector<16xf32>
        %add3A_381 = vector.broadcast %scan3A_362 : i32 to vector<16xi32>
        %add3A_382 = arith.addi %get3A_167, %add3A_381 : vector<16xi32>
        %gather3A_383 = tpu.vector_load_idx %arg19[%add3A_150, %add3A_382] : memref<128x128xi32, #tpu.memory_space<vmem>>[vector<16xi32>, vector<16xi32>], vector<16xi32>,
        %shift_left3A_384 = arith.constant 16 : i32
        %shift_left3A_385 = vector.broadcast %shift_left3A_384 : i32 to vector<16xi32>
        %shift_left3A_386 = arith.shli %gather3A_383, %shift_left3A_385 : vector<16xi32>
        %bitcast_convert_type3A_387 = tpu.bitcast %shift_left3A_386 : vector<16xi32> -> vector<16xf32>
        %and3A_388 = arith.andi %gather3A_383, %broadcast_in_dim3A_168 : vector<16xi32>
        %bitcast_convert_type3A_389 = tpu.bitcast %and3A_388 : vector<16xi32> -> vector<16xf32>
        %add3A_390 = arith.addf %bitcast_convert_type3A_369, %bitcast_convert_type3A_378 : vector<16xf32>
        %sub3A_391 = arith.subf %add3A_390, %bitcast_convert_type3A_387 : vector<16xf32>
        %abs3A_392 = math.absf %sub3A_391 : vector<16xf32>
        %add3A_393 = arith.addf %add3A_356, %abs3A_392 : vector<16xf32>
        %add3A_394 = arith.addf %bitcast_convert_type3A_371, %bitcast_convert_type3A_380 : vector<16xf32>
        %sub3A_395 = arith.subf %add3A_394, %bitcast_convert_type3A_389 : vector<16xf32>
        %abs3A_396 = math.absf %sub3A_395 : vector<16xf32>
        %add3A_397 = arith.addf %add3A_360, %abs3A_396 : vector<16xf32>
        %scan3A_398 = arith.constant 6 : i32
        %scan3A_399 = arith.addi %scan3A_181, %scan3A_398 : i32
        %add3A_400 = vector.broadcast %scan3A_399 : i32 to vector<16xi32>
        %add3A_401 = arith.addi %get3A_155, %add3A_400 : vector<16xi32>
        %gather3A_402 = tpu.vector_load_idx %arg15[%add3A_150, %add3A_401] : memref<128x128xi32, #tpu.memory_space<vmem>>[vector<16xi32>, vector<16xi32>], vector<16xi32>,
        %shift_left3A_403 = arith.constant 16 : i32
        %shift_left3A_404 = vector.broadcast %shift_left3A_403 : i32 to vector<16xi32>
        %shift_left3A_405 = arith.shli %gather3A_402, %shift_left3A_404 : vector<16xi32>
        %bitcast_convert_type3A_406 = tpu.bitcast %shift_left3A_405 : vector<16xi32> -> vector<16xf32>
        %and3A_407 = arith.andi %gather3A_402, %broadcast_in_dim3A_168 : vector<16xi32>
        %bitcast_convert_type3A_408 = tpu.bitcast %and3A_407 : vector<16xi32> -> vector<16xf32>
        %add3A_409 = vector.broadcast %scan3A_399 : i32 to vector<16xi32>
        %add3A_410 = arith.addi %get3A_161, %add3A_409 : vector<16xi32>
        %gather3A_411 = tpu.vector_load_idx %arg17[%add3A_150, %add3A_410] : memref<128x128xi32, #tpu.memory_space<vmem>>[vector<16xi32>, vector<16xi32>], vector<16xi32>,
        %shift_left3A_412 = arith.constant 16 : i32
        %shift_left3A_413 = vector.broadcast %shift_left3A_412 : i32 to vector<16xi32>
        %shift_left3A_414 = arith.shli %gather3A_411, %shift_left3A_413 : vector<16xi32>
        %bitcast_convert_type3A_415 = tpu.bitcast %shift_left3A_414 : vector<16xi32> -> vector<16xf32>
        %and3A_416 = arith.andi %gather3A_411, %broadcast_in_dim3A_168 : vector<16xi32>
        %bitcast_convert_type3A_417 = tpu.bitcast %and3A_416 : vector<16xi32> -> vector<16xf32>
        %add3A_418 = vector.broadcast %scan3A_399 : i32 to vector<16xi32>
        %add3A_419 = arith.addi %get3A_167, %add3A_418 : vector<16xi32>
        %gather3A_420 = tpu.vector_load_idx %arg19[%add3A_150, %add3A_419] : memref<128x128xi32, #tpu.memory_space<vmem>>[vector<16xi32>, vector<16xi32>], vector<16xi32>,
        %shift_left3A_421 = arith.constant 16 : i32
        %shift_left3A_422 = vector.broadcast %shift_left3A_421 : i32 to vector<16xi32>
        %shift_left3A_423 = arith.shli %gather3A_420, %shift_left3A_422 : vector<16xi32>
        %bitcast_convert_type3A_424 = tpu.bitcast %shift_left3A_423 : vector<16xi32> -> vector<16xf32>
        %and3A_425 = arith.andi %gather3A_420, %broadcast_in_dim3A_168 : vector<16xi32>
        %bitcast_convert_type3A_426 = tpu.bitcast %and3A_425 : vector<16xi32> -> vector<16xf32>
        %add3A_427 = arith.addf %bitcast_convert_type3A_406, %bitcast_convert_type3A_415 : vector<16xf32>
        %sub3A_428 = arith.subf %add3A_427, %bitcast_convert_type3A_424 : vector<16xf32>
        %abs3A_429 = math.absf %sub3A_428 : vector<16xf32>
        %add3A_430 = arith.addf %add3A_393, %abs3A_429 : vector<16xf32>
        %add3A_431 = arith.addf %bitcast_convert_type3A_408, %bitcast_convert_type3A_417 : vector<16xf32>
        %sub3A_432 = arith.subf %add3A_431, %bitcast_convert_type3A_426 : vector<16xf32>
        %abs3A_433 = math.absf %sub3A_432 : vector<16xf32>
        %add3A_434 = arith.addf %add3A_397, %abs3A_433 : vector<16xf32>
        %scan3A_435 = arith.constant 7 : i32
        %scan3A_436 = arith.addi %scan3A_181, %scan3A_435 : i32
        %add3A_437 = vector.broadcast %scan3A_436 : i32 to vector<16xi32>
        %add3A_438 = arith.addi %get3A_155, %add3A_437 : vector<16xi32>
        %gather3A_439 = tpu.vector_load_idx %arg15[%add3A_150, %add3A_438] : memref<128x128xi32, #tpu.memory_space<vmem>>[vector<16xi32>, vector<16xi32>], vector<16xi32>,
        %shift_left3A_440 = arith.constant 16 : i32
        %shift_left3A_441 = vector.broadcast %shift_left3A_440 : i32 to vector<16xi32>
        %shift_left3A_442 = arith.shli %gather3A_439, %shift_left3A_441 : vector<16xi32>
        %bitcast_convert_type3A_443 = tpu.bitcast %shift_left3A_442 : vector<16xi32> -> vector<16xf32>
        %and3A_444 = arith.andi %gather3A_439, %broadcast_in_dim3A_168 : vector<16xi32>
        %bitcast_convert_type3A_445 = tpu.bitcast %and3A_444 : vector<16xi32> -> vector<16xf32>
        %add3A_446 = vector.broadcast %scan3A_436 : i32 to vector<16xi32>
        %add3A_447 = arith.addi %get3A_161, %add3A_446 : vector<16xi32>
        %gather3A_448 = tpu.vector_load_idx %arg17[%add3A_150, %add3A_447] : memref<128x128xi32, #tpu.memory_space<vmem>>[vector<16xi32>, vector<16xi32>], vector<16xi32>,
        %shift_left3A_449 = arith.constant 16 : i32
        %shift_left3A_450 = vector.broadcast %shift_left3A_449 : i32 to vector<16xi32>
        %shift_left3A_451 = arith.shli %gather3A_448, %shift_left3A_450 : vector<16xi32>
        %bitcast_convert_type3A_452 = tpu.bitcast %shift_left3A_451 : vector<16xi32> -> vector<16xf32>
        %and3A_453 = arith.andi %gather3A_448, %broadcast_in_dim3A_168 : vector<16xi32>
        %bitcast_convert_type3A_454 = tpu.bitcast %and3A_453 : vector<16xi32> -> vector<16xf32>
        %add3A_455 = vector.broadcast %scan3A_436 : i32 to vector<16xi32>
        %add3A_456 = arith.addi %get3A_167, %add3A_455 : vector<16xi32>
        %gather3A_457 = tpu.vector_load_idx %arg19[%add3A_150, %add3A_456] : memref<128x128xi32, #tpu.memory_space<vmem>>[vector<16xi32>, vector<16xi32>], vector<16xi32>,
        %shift_left3A_458 = arith.constant 16 : i32
        %shift_left3A_459 = vector.broadcast %shift_left3A_458 : i32 to vector<16xi32>
        %shift_left3A_460 = arith.shli %gather3A_457, %shift_left3A_459 : vector<16xi32>
        %bitcast_convert_type3A_461 = tpu.bitcast %shift_left3A_460 : vector<16xi32> -> vector<16xf32>
        %and3A_462 = arith.andi %gather3A_457, %broadcast_in_dim3A_168 : vector<16xi32>
        %bitcast_convert_type3A_463 = tpu.bitcast %and3A_462 : vector<16xi32> -> vector<16xf32>
        %add3A_464 = arith.addf %bitcast_convert_type3A_443, %bitcast_convert_type3A_452 : vector<16xf32>
        %sub3A_465 = arith.subf %add3A_464, %bitcast_convert_type3A_461 : vector<16xf32>
        %abs3A_466 = math.absf %sub3A_465 : vector<16xf32>
        %add3A_467 = arith.addf %add3A_430, %abs3A_466 : vector<16xf32>
        %add3A_468 = arith.addf %bitcast_convert_type3A_445, %bitcast_convert_type3A_454 : vector<16xf32>
        %sub3A_469 = arith.subf %add3A_468, %bitcast_convert_type3A_463 : vector<16xf32>
        %abs3A_470 = math.absf %sub3A_469 : vector<16xf32>
        %add3A_471 = arith.addf %add3A_434, %abs3A_470 : vector<16xf32>
        scf.yield %add3A_467, %add3A_471 : vector<16xf32>, vector<16xf32>
      }
      %scan3A_176 = arith.constant 32 : i32
      %add3A_177 = arith.addf %scan3A_175#0, %scan3A_175#1 : vector<16xf32>
      %mul3A_178 = arith.constant 16 : i32
      %mul3A_179 = arith.muli %add3A_146, %mul3A_178 : i32
      %swap3A = arith.index_cast %mul3A_179 : i32 to index
      %swap3A_180 = tpu.vector_load %arg21[%swap3A] {strides = array<i32>} : memref<128xf32, #tpu.memory_space<vmem>>, vector<16xf32>,
      tpu.vector_store %arg21[%swap3A], %add3A_177 {strides = array<i32>} : memref<128xf32, #tpu.memory_space<vmem>>, vector<16xf32>,
    }
    %scan3A_87 = arith.constant 8 : i32
    "tpu.region"() ({
      %run_scoped3A = tpu.sem_alloc : memref<!tpu.dma_semaphore, #tpu.memory_space<semaphore_mem>>
      %dma_start3A_142 = tpu.memref_slice %arg5[%add3A_73] : memref<16384xf32, #tpu.memory_space<hbm>> -> memref<128xf32, #tpu.memory_space<hbm>>
      %dma_start3A_143 = tpu.memref_slice %arg5[%add3A_73] : memref<16384xf32, #tpu.memory_space<hbm>> -> memref<128xf32, #tpu.memory_space<hbm>>
      tpu.enqueue_dma source(%arg21 : memref<128xf32, #tpu.memory_space<vmem>>) target(%dma_start3A_143 : memref<128xf32, #tpu.memory_space<hbm>>) target_semaphore(%run_scoped3A : memref<!tpu.dma_semaphore, #tpu.memory_space<semaphore_mem>>)
      %dma_wait3A_144 = tpu.memref_slice %arg5[%add3A_73] : memref<16384xf32, #tpu.memory_space<hbm>> -> memref<128xf32, #tpu.memory_space<hbm>>
      %dma_wait3A_145 = tpu.memref_slice %arg5[%add3A_73] : memref<16384xf32, #tpu.memory_space<hbm>> -> memref<128xf32, #tpu.memory_space<hbm>>
      tpu.wait_dma2 semaphore(%run_scoped3A : memref<!tpu.dma_semaphore, #tpu.memory_space<semaphore_mem>>) src(%arg21 : memref<128xf32, #tpu.memory_space<vmem>>) dst(%dma_wait3A_145 : memref<128xf32, #tpu.memory_space<hbm>>)
      tpu.yield
    }) : () -> ()
    %mul3A_88 = arith.constant 512 : i32
    %mul3A_89 = arith.muli %add3A, %mul3A_88 : i32
    %add3A_90 = arith.constant 384 : i32
    %add3A_91 = arith.addi %mul3A_89, %add3A_90 : i32
    "tpu.region"() ({
      %run_scoped3A = tpu.sem_alloc : memref<!tpu.dma_semaphore, #tpu.memory_space<semaphore_mem>>
      %dma_start3A_142 = arith.constant 0 : i32
      %dma_start3A_143 = tpu.memref_slice %arg2[%dma_start3A_142, %add3A_91] : memref<8x16384xi32, #tpu.memory_space<hbm>> -> memref<8x128xi32, #tpu.memory_space<hbm>>
      %dma_start3A_144 = arith.constant 0 : i32
      %dma_start3A_145 = tpu.memref_slice %arg2[%dma_start3A_144, %add3A_91] : memref<8x16384xi32, #tpu.memory_space<hbm>> -> memref<8x128xi32, #tpu.memory_space<hbm>>
      tpu.enqueue_dma source(%dma_start3A_145 : memref<8x128xi32, #tpu.memory_space<hbm>>) target(%arg7 : memref<8x128xi32, #tpu.memory_space<vmem>>) target_semaphore(%run_scoped3A : memref<!tpu.dma_semaphore, #tpu.memory_space<semaphore_mem>>)
      %dma_wait3A_146 = arith.constant 0 : i32
      %dma_wait3A_147 = tpu.memref_slice %arg2[%dma_wait3A_146, %add3A_91] : memref<8x16384xi32, #tpu.memory_space<hbm>> -> memref<8x128xi32, #tpu.memory_space<hbm>>
      %dma_wait3A_148 = arith.constant 0 : i32
      %dma_wait3A_149 = tpu.memref_slice %arg2[%dma_wait3A_148, %add3A_91] : memref<8x16384xi32, #tpu.memory_space<hbm>> -> memref<8x128xi32, #tpu.memory_space<hbm>>
      tpu.wait_dma2 semaphore(%run_scoped3A : memref<!tpu.dma_semaphore, #tpu.memory_space<semaphore_mem>>) src(%dma_wait3A_149 : memref<8x128xi32, #tpu.memory_space<hbm>>) dst(%arg7 : memref<8x128xi32, #tpu.memory_space<vmem>>)
      tpu.yield
    }) : () -> ()
    %scan3A_92 = arith.constant 0 : i32
    %scan3A_93 = arith.constant 8 : i32
    %scan3A_94 = arith.addi %scan3A_92, %scan3A_93 : i32
    %scan3A_95 = arith.constant 1 : i32
    scf.for %scan3A_142 = %scan3A_92 to %scan3A_94 step %scan3A_95  : i32 {
      %mul3A_143 = arith.constant 1 : i32
      %mul3A_144 = arith.muli %scan3A_142, %mul3A_143 : i32
      %add3A_145 = arith.constant 0 : i32
      %add3A_146 = arith.addi %add3A_145, %mul3A_144 : i32
      %mul3A_147 = arith.constant 16 : i32
      %mul3A_148 = arith.muli %add3A_146, %mul3A_147 : i32
      %get3A = arith.constant 0 : i32
      %get3A_149 = arith.index_cast %get3A : i32 to index
      %get3A_150 = arith.index_cast %mul3A_148 : i32 to index
      %get3A_151 = tpu.vector_load %arg7[%get3A_149, %get3A_150] {strides = array<i32>} : memref<8x128xi32, #tpu.memory_space<vmem>>, vector<16xi32>,
      %swap3A = arith.index_cast %mul3A_148 : i32 to index
      %swap3A_152 = tpu.vector_load %arg9[%swap3A] {strides = array<i32>} : memref<128xi32, #tpu.memory_space<vmem>>, vector<16xi32>,
      tpu.vector_store %arg9[%swap3A], %get3A_151 {strides = array<i32>} : memref<128xi32, #tpu.memory_space<vmem>>, vector<16xi32>,
      %get3A_153 = arith.constant 1 : i32
      %get3A_154 = arith.index_cast %get3A_153 : i32 to index
      %get3A_155 = arith.index_cast %mul3A_148 : i32 to index
      %get3A_156 = tpu.vector_load %arg7[%get3A_154, %get3A_155] {strides = array<i32>} : memref<8x128xi32, #tpu.memory_space<vmem>>, vector<16xi32>,
      %swap3A_157 = arith.index_cast %mul3A_148 : i32 to index
      %swap3A_158 = tpu.vector_load %arg11[%swap3A_157] {strides = array<i32>} : memref<128xi32, #tpu.memory_space<vmem>>, vector<16xi32>,
      tpu.vector_store %arg11[%swap3A_157], %get3A_156 {strides = array<i32>} : memref<128xi32, #tpu.memory_space<vmem>>, vector<16xi32>,
      %get3A_159 = arith.constant 2 : i32
      %get3A_160 = arith.index_cast %get3A_159 : i32 to index
      %get3A_161 = arith.index_cast %mul3A_148 : i32 to index
      %get3A_162 = tpu.vector_load %arg7[%get3A_160, %get3A_161] {strides = array<i32>} : memref<8x128xi32, #tpu.memory_space<vmem>>, vector<16xi32>,
      %swap3A_163 = arith.index_cast %mul3A_148 : i32 to index
      %swap3A_164 = tpu.vector_load %arg13[%swap3A_163] {strides = array<i32>} : memref<128xi32, #tpu.memory_space<vmem>>, vector<16xi32>,
      tpu.vector_store %arg13[%swap3A_163], %get3A_162 {strides = array<i32>} : memref<128xi32, #tpu.memory_space<vmem>>, vector<16xi32>,
    }
    %scan3A_96 = arith.constant 8 : i32
    %dma_start3A_97 = arith.constant 0 : i32
    %dma_start3A_98 = arith.constant 0 : i32
    %dma_start3A_99 = tpu.memref_slice %arg3[%dma_start3A_97, %dma_start3A_98] : memref<253952x128xi32, #tpu.memory_space<hbm>> -> memref<253952x128xi32, #tpu.memory_space<hbm>>
    tpu.enqueue_indirect_dma source(%dma_start3A_99 : memref<253952x128xi32, #tpu.memory_space<hbm>>) target(%arg15 : memref<128x128xi32, #tpu.memory_space<vmem>>) offsets(%arg9 : memref<128xi32, #tpu.memory_space<vmem>>) semaphore(%arg23 : memref<!tpu.dma_semaphore, #tpu.memory_space<semaphore_mem>>)
    %dma_start3A_100 = arith.constant 0 : i32
    %dma_start3A_101 = arith.constant 0 : i32
    %dma_start3A_102 = tpu.memref_slice %arg4[%dma_start3A_100, %dma_start3A_101] : memref<253952x128xi32, #tpu.memory_space<hbm>> -> memref<253952x128xi32, #tpu.memory_space<hbm>>
    tpu.enqueue_indirect_dma source(%dma_start3A_102 : memref<253952x128xi32, #tpu.memory_space<hbm>>) target(%arg17 : memref<128x128xi32, #tpu.memory_space<vmem>>) offsets(%arg11 : memref<128xi32, #tpu.memory_space<vmem>>) semaphore(%arg25 : memref<!tpu.dma_semaphore, #tpu.memory_space<semaphore_mem>>)
    %dma_start3A_103 = arith.constant 0 : i32
    %dma_start3A_104 = arith.constant 0 : i32
    %dma_start3A_105 = tpu.memref_slice %arg3[%dma_start3A_103, %dma_start3A_104] : memref<253952x128xi32, #tpu.memory_space<hbm>> -> memref<253952x128xi32, #tpu.memory_space<hbm>>
    tpu.enqueue_indirect_dma source(%dma_start3A_105 : memref<253952x128xi32, #tpu.memory_space<hbm>>) target(%arg19 : memref<128x128xi32, #tpu.memory_space<vmem>>) offsets(%arg13 : memref<128xi32, #tpu.memory_space<vmem>>) semaphore(%arg27 : memref<!tpu.dma_semaphore, #tpu.memory_space<semaphore_mem>>)
    %mul3A_106 = arith.constant 512 : i32
    %mul3A_107 = arith.muli %add3A, %mul3A_106 : i32
    %add3A_108 = arith.constant 256 : i32
    %add3A_109 = arith.addi %mul3A_107, %add3A_108 : i32
    %dma_wait3A_110 = arith.constant 0 : i32
    %dma_wait3A_111 = arith.constant 0 : i32
    %dma_wait3A_112 = tpu.memref_slice %arg3[%dma_wait3A_110, %dma_wait3A_111] : memref<253952x128xi32, #tpu.memory_space<hbm>> -> memref<253952x128xi32, #tpu.memory_space<hbm>>
    tpu.wait_indirect_dma semaphore(%arg22 : memref<!tpu.dma_semaphore, #tpu.memory_space<semaphore_mem>>) src(%dma_wait3A_112 : memref<253952x128xi32, #tpu.memory_space<hbm>>) dst(%arg14 : memref<128x128xi32, #tpu.memory_space<vmem>>)
    %dma_wait3A_113 = arith.constant 0 : i32
    %dma_wait3A_114 = arith.constant 0 : i32
    %dma_wait3A_115 = tpu.memref_slice %arg4[%dma_wait3A_113, %dma_wait3A_114] : memref<253952x128xi32, #tpu.memory_space<hbm>> -> memref<253952x128xi32, #tpu.memory_space<hbm>>
    tpu.wait_indirect_dma semaphore(%arg24 : memref<!tpu.dma_semaphore, #tpu.memory_space<semaphore_mem>>) src(%dma_wait3A_115 : memref<253952x128xi32, #tpu.memory_space<hbm>>) dst(%arg16 : memref<128x128xi32, #tpu.memory_space<vmem>>)
    %dma_wait3A_116 = arith.constant 0 : i32
    %dma_wait3A_117 = arith.constant 0 : i32
    %dma_wait3A_118 = tpu.memref_slice %arg3[%dma_wait3A_116, %dma_wait3A_117] : memref<253952x128xi32, #tpu.memory_space<hbm>> -> memref<253952x128xi32, #tpu.memory_space<hbm>>
    tpu.wait_indirect_dma semaphore(%arg26 : memref<!tpu.dma_semaphore, #tpu.memory_space<semaphore_mem>>) src(%dma_wait3A_118 : memref<253952x128xi32, #tpu.memory_space<hbm>>) dst(%arg18 : memref<128x128xi32, #tpu.memory_space<vmem>>)
    %scan3A_119 = arith.constant 0 : i32
    %scan3A_120 = arith.constant 8 : i32
    %scan3A_121 = arith.addi %scan3A_119, %scan3A_120 : i32
    %scan3A_122 = arith.constant 1 : i32
    scf.for %scan3A_142 = %scan3A_119 to %scan3A_121 step %scan3A_122  : i32 {
      %mul3A_143 = arith.constant 1 : i32
      %mul3A_144 = arith.muli %scan3A_142, %mul3A_143 : i32
      %add3A_145 = arith.constant 0 : i32
      %add3A_146 = arith.addi %add3A_145, %mul3A_144 : i32
      %mul3A_147 = arith.constant 16 : i32
      %mul3A_148 = arith.muli %add3A_146, %mul3A_147 : i32
      %iota3A = tpu.iota {dimensions = array<i32: 0>} : vector<16xi32>
      %add3A_149 = vector.broadcast %mul3A_148 : i32 to vector<16xi32>
      %add3A_150 = arith.addi %add3A_149, %iota3A : vector<16xi32>
      %mul3A_151 = arith.constant 16 : i32
      %mul3A_152 = arith.muli %add3A_146, %mul3A_151 : i32
      %get3A = arith.constant 3 : i32
      %get3A_153 = arith.index_cast %get3A : i32 to index
      %get3A_154 = arith.index_cast %mul3A_152 : i32 to index
      %get3A_155 = tpu.vector_load %arg6[%get3A_153, %get3A_154] {strides = array<i32>} : memref<8x128xi32, #tpu.memory_space<vmem>>, vector<16xi32>,
      %mul3A_156 = arith.constant 16 : i32
      %mul3A_157 = arith.muli %add3A_146, %mul3A_156 : i32
      %get3A_158 = arith.constant 4 : i32
      %get3A_159 = arith.index_cast %get3A_158 : i32 to index
      %get3A_160 = arith.index_cast %mul3A_157 : i32 to index
      %get3A_161 = tpu.vector_load %arg6[%get3A_159, %get3A_160] {strides = array<i32>} : memref<8x128xi32, #tpu.memory_space<vmem>>, vector<16xi32>,
      %mul3A_162 = arith.constant 16 : i32
      %mul3A_163 = arith.muli %add3A_146, %mul3A_162 : i32
      %get3A_164 = arith.constant 5 : i32
      %get3A_165 = arith.index_cast %get3A_164 : i32 to index
      %get3A_166 = arith.index_cast %mul3A_163 : i32 to index
      %get3A_167 = tpu.vector_load %arg6[%get3A_165, %get3A_166] {strides = array<i32>} : memref<8x128xi32, #tpu.memory_space<vmem>>, vector<16xi32>,
      %broadcast_in_dim3A = arith.constant -65536 : i32
      %broadcast_in_dim3A_168 = vector.broadcast %broadcast_in_dim3A : i32 to vector<16xi32>
      %broadcast_in_dim3A_169 = arith.constant 0.000000e+00 : f32
      %broadcast_in_dim3A_170 = vector.broadcast %broadcast_in_dim3A_169 : f32 to vector<16xf32>
      %scan3A_171 = arith.constant 0 : i32
      %scan3A_172 = arith.constant 32 : i32
      %scan3A_173 = arith.addi %scan3A_171, %scan3A_172 : i32
      %scan3A_174 = arith.constant 8 : i32
      %scan3A_175:2 = scf.for %scan3A_181 = %scan3A_171 to %scan3A_173 step %scan3A_174 iter_args(%scan3A_182 = %broadcast_in_dim3A_170, %scan3A_183 = %broadcast_in_dim3A_170) -> (vector<16xf32>, vector<16xf32>)  : i32 {
        %add3A_184 = vector.broadcast %scan3A_181 : i32 to vector<16xi32>
        %add3A_185 = arith.addi %get3A_155, %add3A_184 : vector<16xi32>
        %gather3A = tpu.vector_load_idx %arg14[%add3A_150, %add3A_185] : memref<128x128xi32, #tpu.memory_space<vmem>>[vector<16xi32>, vector<16xi32>], vector<16xi32>,
        %shift_left3A = arith.constant 16 : i32
        %shift_left3A_186 = vector.broadcast %shift_left3A : i32 to vector<16xi32>
        %shift_left3A_187 = arith.shli %gather3A, %shift_left3A_186 : vector<16xi32>
        %bitcast_convert_type3A = tpu.bitcast %shift_left3A_187 : vector<16xi32> -> vector<16xf32>
        %and3A = arith.andi %gather3A, %broadcast_in_dim3A_168 : vector<16xi32>
        %bitcast_convert_type3A_188 = tpu.bitcast %and3A : vector<16xi32> -> vector<16xf32>
        %add3A_189 = vector.broadcast %scan3A_181 : i32 to vector<16xi32>
        %add3A_190 = arith.addi %get3A_161, %add3A_189 : vector<16xi32>
        %gather3A_191 = tpu.vector_load_idx %arg16[%add3A_150, %add3A_190] : memref<128x128xi32, #tpu.memory_space<vmem>>[vector<16xi32>, vector<16xi32>], vector<16xi32>,
        %shift_left3A_192 = arith.constant 16 : i32
        %shift_left3A_193 = vector.broadcast %shift_left3A_192 : i32 to vector<16xi32>
        %shift_left3A_194 = arith.shli %gather3A_191, %shift_left3A_193 : vector<16xi32>
        %bitcast_convert_type3A_195 = tpu.bitcast %shift_left3A_194 : vector<16xi32> -> vector<16xf32>
        %and3A_196 = arith.andi %gather3A_191, %broadcast_in_dim3A_168 : vector<16xi32>
        %bitcast_convert_type3A_197 = tpu.bitcast %and3A_196 : vector<16xi32> -> vector<16xf32>
        %add3A_198 = vector.broadcast %scan3A_181 : i32 to vector<16xi32>
        %add3A_199 = arith.addi %get3A_167, %add3A_198 : vector<16xi32>
        %gather3A_200 = tpu.vector_load_idx %arg18[%add3A_150, %add3A_199] : memref<128x128xi32, #tpu.memory_space<vmem>>[vector<16xi32>, vector<16xi32>], vector<16xi32>,
        %shift_left3A_201 = arith.constant 16 : i32
        %shift_left3A_202 = vector.broadcast %shift_left3A_201 : i32 to vector<16xi32>
        %shift_left3A_203 = arith.shli %gather3A_200, %shift_left3A_202 : vector<16xi32>
        %bitcast_convert_type3A_204 = tpu.bitcast %shift_left3A_203 : vector<16xi32> -> vector<16xf32>
        %and3A_205 = arith.andi %gather3A_200, %broadcast_in_dim3A_168 : vector<16xi32>
        %bitcast_convert_type3A_206 = tpu.bitcast %and3A_205 : vector<16xi32> -> vector<16xf32>
        %add3A_207 = arith.addf %bitcast_convert_type3A, %bitcast_convert_type3A_195 : vector<16xf32>
        %sub3A = arith.subf %add3A_207, %bitcast_convert_type3A_204 : vector<16xf32>
        %abs3A = math.absf %sub3A : vector<16xf32>
        %add3A_208 = arith.addf %scan3A_182, %abs3A : vector<16xf32>
        %add3A_209 = arith.addf %bitcast_convert_type3A_188, %bitcast_convert_type3A_197 : vector<16xf32>
        %sub3A_210 = arith.subf %add3A_209, %bitcast_convert_type3A_206 : vector<16xf32>
        %abs3A_211 = math.absf %sub3A_210 : vector<16xf32>
        %add3A_212 = arith.addf %scan3A_183, %abs3A_211 : vector<16xf32>
        %scan3A_213 = arith.constant 1 : i32
        %scan3A_214 = arith.addi %scan3A_181, %scan3A_213 : i32
        %add3A_215 = vector.broadcast %scan3A_214 : i32 to vector<16xi32>
        %add3A_216 = arith.addi %get3A_155, %add3A_215 : vector<16xi32>
        %gather3A_217 = tpu.vector_load_idx %arg14[%add3A_150, %add3A_216] : memref<128x128xi32, #tpu.memory_space<vmem>>[vector<16xi32>, vector<16xi32>], vector<16xi32>,
        %shift_left3A_218 = arith.constant 16 : i32
        %shift_left3A_219 = vector.broadcast %shift_left3A_218 : i32 to vector<16xi32>
        %shift_left3A_220 = arith.shli %gather3A_217, %shift_left3A_219 : vector<16xi32>
        %bitcast_convert_type3A_221 = tpu.bitcast %shift_left3A_220 : vector<16xi32> -> vector<16xf32>
        %and3A_222 = arith.andi %gather3A_217, %broadcast_in_dim3A_168 : vector<16xi32>
        %bitcast_convert_type3A_223 = tpu.bitcast %and3A_222 : vector<16xi32> -> vector<16xf32>
        %add3A_224 = vector.broadcast %scan3A_214 : i32 to vector<16xi32>
        %add3A_225 = arith.addi %get3A_161, %add3A_224 : vector<16xi32>
        %gather3A_226 = tpu.vector_load_idx %arg16[%add3A_150, %add3A_225] : memref<128x128xi32, #tpu.memory_space<vmem>>[vector<16xi32>, vector<16xi32>], vector<16xi32>,
        %shift_left3A_227 = arith.constant 16 : i32
        %shift_left3A_228 = vector.broadcast %shift_left3A_227 : i32 to vector<16xi32>
        %shift_left3A_229 = arith.shli %gather3A_226, %shift_left3A_228 : vector<16xi32>
        %bitcast_convert_type3A_230 = tpu.bitcast %shift_left3A_229 : vector<16xi32> -> vector<16xf32>
        %and3A_231 = arith.andi %gather3A_226, %broadcast_in_dim3A_168 : vector<16xi32>
        %bitcast_convert_type3A_232 = tpu.bitcast %and3A_231 : vector<16xi32> -> vector<16xf32>
        %add3A_233 = vector.broadcast %scan3A_214 : i32 to vector<16xi32>
        %add3A_234 = arith.addi %get3A_167, %add3A_233 : vector<16xi32>
        %gather3A_235 = tpu.vector_load_idx %arg18[%add3A_150, %add3A_234] : memref<128x128xi32, #tpu.memory_space<vmem>>[vector<16xi32>, vector<16xi32>], vector<16xi32>,
        %shift_left3A_236 = arith.constant 16 : i32
        %shift_left3A_237 = vector.broadcast %shift_left3A_236 : i32 to vector<16xi32>
        %shift_left3A_238 = arith.shli %gather3A_235, %shift_left3A_237 : vector<16xi32>
        %bitcast_convert_type3A_239 = tpu.bitcast %shift_left3A_238 : vector<16xi32> -> vector<16xf32>
        %and3A_240 = arith.andi %gather3A_235, %broadcast_in_dim3A_168 : vector<16xi32>
        %bitcast_convert_type3A_241 = tpu.bitcast %and3A_240 : vector<16xi32> -> vector<16xf32>
        %add3A_242 = arith.addf %bitcast_convert_type3A_221, %bitcast_convert_type3A_230 : vector<16xf32>
        %sub3A_243 = arith.subf %add3A_242, %bitcast_convert_type3A_239 : vector<16xf32>
        %abs3A_244 = math.absf %sub3A_243 : vector<16xf32>
        %add3A_245 = arith.addf %add3A_208, %abs3A_244 : vector<16xf32>
        %add3A_246 = arith.addf %bitcast_convert_type3A_223, %bitcast_convert_type3A_232 : vector<16xf32>
        %sub3A_247 = arith.subf %add3A_246, %bitcast_convert_type3A_241 : vector<16xf32>
        %abs3A_248 = math.absf %sub3A_247 : vector<16xf32>
        %add3A_249 = arith.addf %add3A_212, %abs3A_248 : vector<16xf32>
        %scan3A_250 = arith.constant 2 : i32
        %scan3A_251 = arith.addi %scan3A_181, %scan3A_250 : i32
        %add3A_252 = vector.broadcast %scan3A_251 : i32 to vector<16xi32>
        %add3A_253 = arith.addi %get3A_155, %add3A_252 : vector<16xi32>
        %gather3A_254 = tpu.vector_load_idx %arg14[%add3A_150, %add3A_253] : memref<128x128xi32, #tpu.memory_space<vmem>>[vector<16xi32>, vector<16xi32>], vector<16xi32>,
        %shift_left3A_255 = arith.constant 16 : i32
        %shift_left3A_256 = vector.broadcast %shift_left3A_255 : i32 to vector<16xi32>
        %shift_left3A_257 = arith.shli %gather3A_254, %shift_left3A_256 : vector<16xi32>
        %bitcast_convert_type3A_258 = tpu.bitcast %shift_left3A_257 : vector<16xi32> -> vector<16xf32>
        %and3A_259 = arith.andi %gather3A_254, %broadcast_in_dim3A_168 : vector<16xi32>
        %bitcast_convert_type3A_260 = tpu.bitcast %and3A_259 : vector<16xi32> -> vector<16xf32>
        %add3A_261 = vector.broadcast %scan3A_251 : i32 to vector<16xi32>
        %add3A_262 = arith.addi %get3A_161, %add3A_261 : vector<16xi32>
        %gather3A_263 = tpu.vector_load_idx %arg16[%add3A_150, %add3A_262] : memref<128x128xi32, #tpu.memory_space<vmem>>[vector<16xi32>, vector<16xi32>], vector<16xi32>,
        %shift_left3A_264 = arith.constant 16 : i32
        %shift_left3A_265 = vector.broadcast %shift_left3A_264 : i32 to vector<16xi32>
        %shift_left3A_266 = arith.shli %gather3A_263, %shift_left3A_265 : vector<16xi32>
        %bitcast_convert_type3A_267 = tpu.bitcast %shift_left3A_266 : vector<16xi32> -> vector<16xf32>
        %and3A_268 = arith.andi %gather3A_263, %broadcast_in_dim3A_168 : vector<16xi32>
        %bitcast_convert_type3A_269 = tpu.bitcast %and3A_268 : vector<16xi32> -> vector<16xf32>
        %add3A_270 = vector.broadcast %scan3A_251 : i32 to vector<16xi32>
        %add3A_271 = arith.addi %get3A_167, %add3A_270 : vector<16xi32>
        %gather3A_272 = tpu.vector_load_idx %arg18[%add3A_150, %add3A_271] : memref<128x128xi32, #tpu.memory_space<vmem>>[vector<16xi32>, vector<16xi32>], vector<16xi32>,
        %shift_left3A_273 = arith.constant 16 : i32
        %shift_left3A_274 = vector.broadcast %shift_left3A_273 : i32 to vector<16xi32>
        %shift_left3A_275 = arith.shli %gather3A_272, %shift_left3A_274 : vector<16xi32>
        %bitcast_convert_type3A_276 = tpu.bitcast %shift_left3A_275 : vector<16xi32> -> vector<16xf32>
        %and3A_277 = arith.andi %gather3A_272, %broadcast_in_dim3A_168 : vector<16xi32>
        %bitcast_convert_type3A_278 = tpu.bitcast %and3A_277 : vector<16xi32> -> vector<16xf32>
        %add3A_279 = arith.addf %bitcast_convert_type3A_258, %bitcast_convert_type3A_267 : vector<16xf32>
        %sub3A_280 = arith.subf %add3A_279, %bitcast_convert_type3A_276 : vector<16xf32>
        %abs3A_281 = math.absf %sub3A_280 : vector<16xf32>
        %add3A_282 = arith.addf %add3A_245, %abs3A_281 : vector<16xf32>
        %add3A_283 = arith.addf %bitcast_convert_type3A_260, %bitcast_convert_type3A_269 : vector<16xf32>
        %sub3A_284 = arith.subf %add3A_283, %bitcast_convert_type3A_278 : vector<16xf32>
        %abs3A_285 = math.absf %sub3A_284 : vector<16xf32>
        %add3A_286 = arith.addf %add3A_249, %abs3A_285 : vector<16xf32>
        %scan3A_287 = arith.constant 3 : i32
        %scan3A_288 = arith.addi %scan3A_181, %scan3A_287 : i32
        %add3A_289 = vector.broadcast %scan3A_288 : i32 to vector<16xi32>
        %add3A_290 = arith.addi %get3A_155, %add3A_289 : vector<16xi32>
        %gather3A_291 = tpu.vector_load_idx %arg14[%add3A_150, %add3A_290] : memref<128x128xi32, #tpu.memory_space<vmem>>[vector<16xi32>, vector<16xi32>], vector<16xi32>,
        %shift_left3A_292 = arith.constant 16 : i32
        %shift_left3A_293 = vector.broadcast %shift_left3A_292 : i32 to vector<16xi32>
        %shift_left3A_294 = arith.shli %gather3A_291, %shift_left3A_293 : vector<16xi32>
        %bitcast_convert_type3A_295 = tpu.bitcast %shift_left3A_294 : vector<16xi32> -> vector<16xf32>
        %and3A_296 = arith.andi %gather3A_291, %broadcast_in_dim3A_168 : vector<16xi32>
        %bitcast_convert_type3A_297 = tpu.bitcast %and3A_296 : vector<16xi32> -> vector<16xf32>
        %add3A_298 = vector.broadcast %scan3A_288 : i32 to vector<16xi32>
        %add3A_299 = arith.addi %get3A_161, %add3A_298 : vector<16xi32>
        %gather3A_300 = tpu.vector_load_idx %arg16[%add3A_150, %add3A_299] : memref<128x128xi32, #tpu.memory_space<vmem>>[vector<16xi32>, vector<16xi32>], vector<16xi32>,
        %shift_left3A_301 = arith.constant 16 : i32
        %shift_left3A_302 = vector.broadcast %shift_left3A_301 : i32 to vector<16xi32>
        %shift_left3A_303 = arith.shli %gather3A_300, %shift_left3A_302 : vector<16xi32>
        %bitcast_convert_type3A_304 = tpu.bitcast %shift_left3A_303 : vector<16xi32> -> vector<16xf32>
        %and3A_305 = arith.andi %gather3A_300, %broadcast_in_dim3A_168 : vector<16xi32>
        %bitcast_convert_type3A_306 = tpu.bitcast %and3A_305 : vector<16xi32> -> vector<16xf32>
        %add3A_307 = vector.broadcast %scan3A_288 : i32 to vector<16xi32>
        %add3A_308 = arith.addi %get3A_167, %add3A_307 : vector<16xi32>
        %gather3A_309 = tpu.vector_load_idx %arg18[%add3A_150, %add3A_308] : memref<128x128xi32, #tpu.memory_space<vmem>>[vector<16xi32>, vector<16xi32>], vector<16xi32>,
        %shift_left3A_310 = arith.constant 16 : i32
        %shift_left3A_311 = vector.broadcast %shift_left3A_310 : i32 to vector<16xi32>
        %shift_left3A_312 = arith.shli %gather3A_309, %shift_left3A_311 : vector<16xi32>
        %bitcast_convert_type3A_313 = tpu.bitcast %shift_left3A_312 : vector<16xi32> -> vector<16xf32>
        %and3A_314 = arith.andi %gather3A_309, %broadcast_in_dim3A_168 : vector<16xi32>
        %bitcast_convert_type3A_315 = tpu.bitcast %and3A_314 : vector<16xi32> -> vector<16xf32>
        %add3A_316 = arith.addf %bitcast_convert_type3A_295, %bitcast_convert_type3A_304 : vector<16xf32>
        %sub3A_317 = arith.subf %add3A_316, %bitcast_convert_type3A_313 : vector<16xf32>
        %abs3A_318 = math.absf %sub3A_317 : vector<16xf32>
        %add3A_319 = arith.addf %add3A_282, %abs3A_318 : vector<16xf32>
        %add3A_320 = arith.addf %bitcast_convert_type3A_297, %bitcast_convert_type3A_306 : vector<16xf32>
        %sub3A_321 = arith.subf %add3A_320, %bitcast_convert_type3A_315 : vector<16xf32>
        %abs3A_322 = math.absf %sub3A_321 : vector<16xf32>
        %add3A_323 = arith.addf %add3A_286, %abs3A_322 : vector<16xf32>
        %scan3A_324 = arith.constant 4 : i32
        %scan3A_325 = arith.addi %scan3A_181, %scan3A_324 : i32
        %add3A_326 = vector.broadcast %scan3A_325 : i32 to vector<16xi32>
        %add3A_327 = arith.addi %get3A_155, %add3A_326 : vector<16xi32>
        %gather3A_328 = tpu.vector_load_idx %arg14[%add3A_150, %add3A_327] : memref<128x128xi32, #tpu.memory_space<vmem>>[vector<16xi32>, vector<16xi32>], vector<16xi32>,
        %shift_left3A_329 = arith.constant 16 : i32
        %shift_left3A_330 = vector.broadcast %shift_left3A_329 : i32 to vector<16xi32>
        %shift_left3A_331 = arith.shli %gather3A_328, %shift_left3A_330 : vector<16xi32>
        %bitcast_convert_type3A_332 = tpu.bitcast %shift_left3A_331 : vector<16xi32> -> vector<16xf32>
        %and3A_333 = arith.andi %gather3A_328, %broadcast_in_dim3A_168 : vector<16xi32>
        %bitcast_convert_type3A_334 = tpu.bitcast %and3A_333 : vector<16xi32> -> vector<16xf32>
        %add3A_335 = vector.broadcast %scan3A_325 : i32 to vector<16xi32>
        %add3A_336 = arith.addi %get3A_161, %add3A_335 : vector<16xi32>
        %gather3A_337 = tpu.vector_load_idx %arg16[%add3A_150, %add3A_336] : memref<128x128xi32, #tpu.memory_space<vmem>>[vector<16xi32>, vector<16xi32>], vector<16xi32>,
        %shift_left3A_338 = arith.constant 16 : i32
        %shift_left3A_339 = vector.broadcast %shift_left3A_338 : i32 to vector<16xi32>
        %shift_left3A_340 = arith.shli %gather3A_337, %shift_left3A_339 : vector<16xi32>
        %bitcast_convert_type3A_341 = tpu.bitcast %shift_left3A_340 : vector<16xi32> -> vector<16xf32>
        %and3A_342 = arith.andi %gather3A_337, %broadcast_in_dim3A_168 : vector<16xi32>
        %bitcast_convert_type3A_343 = tpu.bitcast %and3A_342 : vector<16xi32> -> vector<16xf32>
        %add3A_344 = vector.broadcast %scan3A_325 : i32 to vector<16xi32>
        %add3A_345 = arith.addi %get3A_167, %add3A_344 : vector<16xi32>
        %gather3A_346 = tpu.vector_load_idx %arg18[%add3A_150, %add3A_345] : memref<128x128xi32, #tpu.memory_space<vmem>>[vector<16xi32>, vector<16xi32>], vector<16xi32>,
        %shift_left3A_347 = arith.constant 16 : i32
        %shift_left3A_348 = vector.broadcast %shift_left3A_347 : i32 to vector<16xi32>
        %shift_left3A_349 = arith.shli %gather3A_346, %shift_left3A_348 : vector<16xi32>
        %bitcast_convert_type3A_350 = tpu.bitcast %shift_left3A_349 : vector<16xi32> -> vector<16xf32>
        %and3A_351 = arith.andi %gather3A_346, %broadcast_in_dim3A_168 : vector<16xi32>
        %bitcast_convert_type3A_352 = tpu.bitcast %and3A_351 : vector<16xi32> -> vector<16xf32>
        %add3A_353 = arith.addf %bitcast_convert_type3A_332, %bitcast_convert_type3A_341 : vector<16xf32>
        %sub3A_354 = arith.subf %add3A_353, %bitcast_convert_type3A_350 : vector<16xf32>
        %abs3A_355 = math.absf %sub3A_354 : vector<16xf32>
        %add3A_356 = arith.addf %add3A_319, %abs3A_355 : vector<16xf32>
        %add3A_357 = arith.addf %bitcast_convert_type3A_334, %bitcast_convert_type3A_343 : vector<16xf32>
        %sub3A_358 = arith.subf %add3A_357, %bitcast_convert_type3A_352 : vector<16xf32>
        %abs3A_359 = math.absf %sub3A_358 : vector<16xf32>
        %add3A_360 = arith.addf %add3A_323, %abs3A_359 : vector<16xf32>
        %scan3A_361 = arith.constant 5 : i32
        %scan3A_362 = arith.addi %scan3A_181, %scan3A_361 : i32
        %add3A_363 = vector.broadcast %scan3A_362 : i32 to vector<16xi32>
        %add3A_364 = arith.addi %get3A_155, %add3A_363 : vector<16xi32>
        %gather3A_365 = tpu.vector_load_idx %arg14[%add3A_150, %add3A_364] : memref<128x128xi32, #tpu.memory_space<vmem>>[vector<16xi32>, vector<16xi32>], vector<16xi32>,
        %shift_left3A_366 = arith.constant 16 : i32
        %shift_left3A_367 = vector.broadcast %shift_left3A_366 : i32 to vector<16xi32>
        %shift_left3A_368 = arith.shli %gather3A_365, %shift_left3A_367 : vector<16xi32>
        %bitcast_convert_type3A_369 = tpu.bitcast %shift_left3A_368 : vector<16xi32> -> vector<16xf32>
        %and3A_370 = arith.andi %gather3A_365, %broadcast_in_dim3A_168 : vector<16xi32>
        %bitcast_convert_type3A_371 = tpu.bitcast %and3A_370 : vector<16xi32> -> vector<16xf32>
        %add3A_372 = vector.broadcast %scan3A_362 : i32 to vector<16xi32>
        %add3A_373 = arith.addi %get3A_161, %add3A_372 : vector<16xi32>
        %gather3A_374 = tpu.vector_load_idx %arg16[%add3A_150, %add3A_373] : memref<128x128xi32, #tpu.memory_space<vmem>>[vector<16xi32>, vector<16xi32>], vector<16xi32>,
        %shift_left3A_375 = arith.constant 16 : i32
        %shift_left3A_376 = vector.broadcast %shift_left3A_375 : i32 to vector<16xi32>
        %shift_left3A_377 = arith.shli %gather3A_374, %shift_left3A_376 : vector<16xi32>
        %bitcast_convert_type3A_378 = tpu.bitcast %shift_left3A_377 : vector<16xi32> -> vector<16xf32>
        %and3A_379 = arith.andi %gather3A_374, %broadcast_in_dim3A_168 : vector<16xi32>
        %bitcast_convert_type3A_380 = tpu.bitcast %and3A_379 : vector<16xi32> -> vector<16xf32>
        %add3A_381 = vector.broadcast %scan3A_362 : i32 to vector<16xi32>
        %add3A_382 = arith.addi %get3A_167, %add3A_381 : vector<16xi32>
        %gather3A_383 = tpu.vector_load_idx %arg18[%add3A_150, %add3A_382] : memref<128x128xi32, #tpu.memory_space<vmem>>[vector<16xi32>, vector<16xi32>], vector<16xi32>,
        %shift_left3A_384 = arith.constant 16 : i32
        %shift_left3A_385 = vector.broadcast %shift_left3A_384 : i32 to vector<16xi32>
        %shift_left3A_386 = arith.shli %gather3A_383, %shift_left3A_385 : vector<16xi32>
        %bitcast_convert_type3A_387 = tpu.bitcast %shift_left3A_386 : vector<16xi32> -> vector<16xf32>
        %and3A_388 = arith.andi %gather3A_383, %broadcast_in_dim3A_168 : vector<16xi32>
        %bitcast_convert_type3A_389 = tpu.bitcast %and3A_388 : vector<16xi32> -> vector<16xf32>
        %add3A_390 = arith.addf %bitcast_convert_type3A_369, %bitcast_convert_type3A_378 : vector<16xf32>
        %sub3A_391 = arith.subf %add3A_390, %bitcast_convert_type3A_387 : vector<16xf32>
        %abs3A_392 = math.absf %sub3A_391 : vector<16xf32>
        %add3A_393 = arith.addf %add3A_356, %abs3A_392 : vector<16xf32>
        %add3A_394 = arith.addf %bitcast_convert_type3A_371, %bitcast_convert_type3A_380 : vector<16xf32>
        %sub3A_395 = arith.subf %add3A_394, %bitcast_convert_type3A_389 : vector<16xf32>
        %abs3A_396 = math.absf %sub3A_395 : vector<16xf32>
        %add3A_397 = arith.addf %add3A_360, %abs3A_396 : vector<16xf32>
        %scan3A_398 = arith.constant 6 : i32
        %scan3A_399 = arith.addi %scan3A_181, %scan3A_398 : i32
        %add3A_400 = vector.broadcast %scan3A_399 : i32 to vector<16xi32>
        %add3A_401 = arith.addi %get3A_155, %add3A_400 : vector<16xi32>
        %gather3A_402 = tpu.vector_load_idx %arg14[%add3A_150, %add3A_401] : memref<128x128xi32, #tpu.memory_space<vmem>>[vector<16xi32>, vector<16xi32>], vector<16xi32>,
        %shift_left3A_403 = arith.constant 16 : i32
        %shift_left3A_404 = vector.broadcast %shift_left3A_403 : i32 to vector<16xi32>
        %shift_left3A_405 = arith.shli %gather3A_402, %shift_left3A_404 : vector<16xi32>
        %bitcast_convert_type3A_406 = tpu.bitcast %shift_left3A_405 : vector<16xi32> -> vector<16xf32>
        %and3A_407 = arith.andi %gather3A_402, %broadcast_in_dim3A_168 : vector<16xi32>
        %bitcast_convert_type3A_408 = tpu.bitcast %and3A_407 : vector<16xi32> -> vector<16xf32>
        %add3A_409 = vector.broadcast %scan3A_399 : i32 to vector<16xi32>
        %add3A_410 = arith.addi %get3A_161, %add3A_409 : vector<16xi32>
        %gather3A_411 = tpu.vector_load_idx %arg16[%add3A_150, %add3A_410] : memref<128x128xi32, #tpu.memory_space<vmem>>[vector<16xi32>, vector<16xi32>], vector<16xi32>,
        %shift_left3A_412 = arith.constant 16 : i32
        %shift_left3A_413 = vector.broadcast %shift_left3A_412 : i32 to vector<16xi32>
        %shift_left3A_414 = arith.shli %gather3A_411, %shift_left3A_413 : vector<16xi32>
        %bitcast_convert_type3A_415 = tpu.bitcast %shift_left3A_414 : vector<16xi32> -> vector<16xf32>
        %and3A_416 = arith.andi %gather3A_411, %broadcast_in_dim3A_168 : vector<16xi32>
        %bitcast_convert_type3A_417 = tpu.bitcast %and3A_416 : vector<16xi32> -> vector<16xf32>
        %add3A_418 = vector.broadcast %scan3A_399 : i32 to vector<16xi32>
        %add3A_419 = arith.addi %get3A_167, %add3A_418 : vector<16xi32>
        %gather3A_420 = tpu.vector_load_idx %arg18[%add3A_150, %add3A_419] : memref<128x128xi32, #tpu.memory_space<vmem>>[vector<16xi32>, vector<16xi32>], vector<16xi32>,
        %shift_left3A_421 = arith.constant 16 : i32
        %shift_left3A_422 = vector.broadcast %shift_left3A_421 : i32 to vector<16xi32>
        %shift_left3A_423 = arith.shli %gather3A_420, %shift_left3A_422 : vector<16xi32>
        %bitcast_convert_type3A_424 = tpu.bitcast %shift_left3A_423 : vector<16xi32> -> vector<16xf32>
        %and3A_425 = arith.andi %gather3A_420, %broadcast_in_dim3A_168 : vector<16xi32>
        %bitcast_convert_type3A_426 = tpu.bitcast %and3A_425 : vector<16xi32> -> vector<16xf32>
        %add3A_427 = arith.addf %bitcast_convert_type3A_406, %bitcast_convert_type3A_415 : vector<16xf32>
        %sub3A_428 = arith.subf %add3A_427, %bitcast_convert_type3A_424 : vector<16xf32>
        %abs3A_429 = math.absf %sub3A_428 : vector<16xf32>
        %add3A_430 = arith.addf %add3A_393, %abs3A_429 : vector<16xf32>
        %add3A_431 = arith.addf %bitcast_convert_type3A_408, %bitcast_convert_type3A_417 : vector<16xf32>
        %sub3A_432 = arith.subf %add3A_431, %bitcast_convert_type3A_426 : vector<16xf32>
        %abs3A_433 = math.absf %sub3A_432 : vector<16xf32>
        %add3A_434 = arith.addf %add3A_397, %abs3A_433 : vector<16xf32>
        %scan3A_435 = arith.constant 7 : i32
        %scan3A_436 = arith.addi %scan3A_181, %scan3A_435 : i32
        %add3A_437 = vector.broadcast %scan3A_436 : i32 to vector<16xi32>
        %add3A_438 = arith.addi %get3A_155, %add3A_437 : vector<16xi32>
        %gather3A_439 = tpu.vector_load_idx %arg14[%add3A_150, %add3A_438] : memref<128x128xi32, #tpu.memory_space<vmem>>[vector<16xi32>, vector<16xi32>], vector<16xi32>,
        %shift_left3A_440 = arith.constant 16 : i32
        %shift_left3A_441 = vector.broadcast %shift_left3A_440 : i32 to vector<16xi32>
        %shift_left3A_442 = arith.shli %gather3A_439, %shift_left3A_441 : vector<16xi32>
        %bitcast_convert_type3A_443 = tpu.bitcast %shift_left3A_442 : vector<16xi32> -> vector<16xf32>
        %and3A_444 = arith.andi %gather3A_439, %broadcast_in_dim3A_168 : vector<16xi32>
        %bitcast_convert_type3A_445 = tpu.bitcast %and3A_444 : vector<16xi32> -> vector<16xf32>
        %add3A_446 = vector.broadcast %scan3A_436 : i32 to vector<16xi32>
        %add3A_447 = arith.addi %get3A_161, %add3A_446 : vector<16xi32>
        %gather3A_448 = tpu.vector_load_idx %arg16[%add3A_150, %add3A_447] : memref<128x128xi32, #tpu.memory_space<vmem>>[vector<16xi32>, vector<16xi32>], vector<16xi32>,
        %shift_left3A_449 = arith.constant 16 : i32
        %shift_left3A_450 = vector.broadcast %shift_left3A_449 : i32 to vector<16xi32>
        %shift_left3A_451 = arith.shli %gather3A_448, %shift_left3A_450 : vector<16xi32>
        %bitcast_convert_type3A_452 = tpu.bitcast %shift_left3A_451 : vector<16xi32> -> vector<16xf32>
        %and3A_453 = arith.andi %gather3A_448, %broadcast_in_dim3A_168 : vector<16xi32>
        %bitcast_convert_type3A_454 = tpu.bitcast %and3A_453 : vector<16xi32> -> vector<16xf32>
        %add3A_455 = vector.broadcast %scan3A_436 : i32 to vector<16xi32>
        %add3A_456 = arith.addi %get3A_167, %add3A_455 : vector<16xi32>
        %gather3A_457 = tpu.vector_load_idx %arg18[%add3A_150, %add3A_456] : memref<128x128xi32, #tpu.memory_space<vmem>>[vector<16xi32>, vector<16xi32>], vector<16xi32>,
        %shift_left3A_458 = arith.constant 16 : i32
        %shift_left3A_459 = vector.broadcast %shift_left3A_458 : i32 to vector<16xi32>
        %shift_left3A_460 = arith.shli %gather3A_457, %shift_left3A_459 : vector<16xi32>
        %bitcast_convert_type3A_461 = tpu.bitcast %shift_left3A_460 : vector<16xi32> -> vector<16xf32>
        %and3A_462 = arith.andi %gather3A_457, %broadcast_in_dim3A_168 : vector<16xi32>
        %bitcast_convert_type3A_463 = tpu.bitcast %and3A_462 : vector<16xi32> -> vector<16xf32>
        %add3A_464 = arith.addf %bitcast_convert_type3A_443, %bitcast_convert_type3A_452 : vector<16xf32>
        %sub3A_465 = arith.subf %add3A_464, %bitcast_convert_type3A_461 : vector<16xf32>
        %abs3A_466 = math.absf %sub3A_465 : vector<16xf32>
        %add3A_467 = arith.addf %add3A_430, %abs3A_466 : vector<16xf32>
        %add3A_468 = arith.addf %bitcast_convert_type3A_445, %bitcast_convert_type3A_454 : vector<16xf32>
        %sub3A_469 = arith.subf %add3A_468, %bitcast_convert_type3A_463 : vector<16xf32>
        %abs3A_470 = math.absf %sub3A_469 : vector<16xf32>
        %add3A_471 = arith.addf %add3A_434, %abs3A_470 : vector<16xf32>
        scf.yield %add3A_467, %add3A_471 : vector<16xf32>, vector<16xf32>
      }
      %scan3A_176 = arith.constant 32 : i32
      %add3A_177 = arith.addf %scan3A_175#0, %scan3A_175#1 : vector<16xf32>
      %mul3A_178 = arith.constant 16 : i32
      %mul3A_179 = arith.muli %add3A_146, %mul3A_178 : i32
      %swap3A = arith.index_cast %mul3A_179 : i32 to index
      %swap3A_180 = tpu.vector_load %arg20[%swap3A] {strides = array<i32>} : memref<128xf32, #tpu.memory_space<vmem>>, vector<16xf32>,
      tpu.vector_store %arg20[%swap3A], %add3A_177 {strides = array<i32>} : memref<128xf32, #tpu.memory_space<vmem>>, vector<16xf32>,
    }
    %scan3A_123 = arith.constant 8 : i32
    "tpu.region"() ({
      %run_scoped3A = tpu.sem_alloc : memref<!tpu.dma_semaphore, #tpu.memory_space<semaphore_mem>>
      %dma_start3A_142 = tpu.memref_slice %arg5[%add3A_109] : memref<16384xf32, #tpu.memory_space<hbm>> -> memref<128xf32, #tpu.memory_space<hbm>>
      %dma_start3A_143 = tpu.memref_slice %arg5[%add3A_109] : memref<16384xf32, #tpu.memory_space<hbm>> -> memref<128xf32, #tpu.memory_space<hbm>>
      tpu.enqueue_dma source(%arg20 : memref<128xf32, #tpu.memory_space<vmem>>) target(%dma_start3A_143 : memref<128xf32, #tpu.memory_space<hbm>>) target_semaphore(%run_scoped3A : memref<!tpu.dma_semaphore, #tpu.memory_space<semaphore_mem>>)
      %dma_wait3A_144 = tpu.memref_slice %arg5[%add3A_109] : memref<16384xf32, #tpu.memory_space<hbm>> -> memref<128xf32, #tpu.memory_space<hbm>>
      %dma_wait3A_145 = tpu.memref_slice %arg5[%add3A_109] : memref<16384xf32, #tpu.memory_space<hbm>> -> memref<128xf32, #tpu.memory_space<hbm>>
      tpu.wait_dma2 semaphore(%run_scoped3A : memref<!tpu.dma_semaphore, #tpu.memory_space<semaphore_mem>>) src(%arg20 : memref<128xf32, #tpu.memory_space<vmem>>) dst(%dma_wait3A_145 : memref<128xf32, #tpu.memory_space<hbm>>)
      tpu.yield
    }) : () -> ()
    %mul3A_124 = arith.constant 512 : i32
    %mul3A_125 = arith.muli %add3A, %mul3A_124 : i32
    %add3A_126 = arith.constant 384 : i32
    %add3A_127 = arith.addi %mul3A_125, %add3A_126 : i32
    %dma_wait3A_128 = arith.constant 0 : i32
    %dma_wait3A_129 = arith.constant 0 : i32
    %dma_wait3A_130 = tpu.memref_slice %arg3[%dma_wait3A_128, %dma_wait3A_129] : memref<253952x128xi32, #tpu.memory_space<hbm>> -> memref<253952x128xi32, #tpu.memory_space<hbm>>
    tpu.wait_indirect_dma semaphore(%arg23 : memref<!tpu.dma_semaphore, #tpu.memory_space<semaphore_mem>>) src(%dma_wait3A_130 : memref<253952x128xi32, #tpu.memory_space<hbm>>) dst(%arg15 : memref<128x128xi32, #tpu.memory_space<vmem>>)
    %dma_wait3A_131 = arith.constant 0 : i32
    %dma_wait3A_132 = arith.constant 0 : i32
    %dma_wait3A_133 = tpu.memref_slice %arg4[%dma_wait3A_131, %dma_wait3A_132] : memref<253952x128xi32, #tpu.memory_space<hbm>> -> memref<253952x128xi32, #tpu.memory_space<hbm>>
    tpu.wait_indirect_dma semaphore(%arg25 : memref<!tpu.dma_semaphore, #tpu.memory_space<semaphore_mem>>) src(%dma_wait3A_133 : memref<253952x128xi32, #tpu.memory_space<hbm>>) dst(%arg17 : memref<128x128xi32, #tpu.memory_space<vmem>>)
    %dma_wait3A_134 = arith.constant 0 : i32
    %dma_wait3A_135 = arith.constant 0 : i32
    %dma_wait3A_136 = tpu.memref_slice %arg3[%dma_wait3A_134, %dma_wait3A_135] : memref<253952x128xi32, #tpu.memory_space<hbm>> -> memref<253952x128xi32, #tpu.memory_space<hbm>>
    tpu.wait_indirect_dma semaphore(%arg27 : memref<!tpu.dma_semaphore, #tpu.memory_space<semaphore_mem>>) src(%dma_wait3A_136 : memref<253952x128xi32, #tpu.memory_space<hbm>>) dst(%arg19 : memref<128x128xi32, #tpu.memory_space<vmem>>)
    %scan3A_137 = arith.constant 0 : i32
    %scan3A_138 = arith.constant 8 : i32
    %scan3A_139 = arith.addi %scan3A_137, %scan3A_138 : i32
    %scan3A_140 = arith.constant 1 : i32
    scf.for %scan3A_142 = %scan3A_137 to %scan3A_139 step %scan3A_140  : i32 {
      %mul3A_143 = arith.constant 1 : i32
      %mul3A_144 = arith.muli %scan3A_142, %mul3A_143 : i32
      %add3A_145 = arith.constant 0 : i32
      %add3A_146 = arith.addi %add3A_145, %mul3A_144 : i32
      %mul3A_147 = arith.constant 16 : i32
      %mul3A_148 = arith.muli %add3A_146, %mul3A_147 : i32
      %iota3A = tpu.iota {dimensions = array<i32: 0>} : vector<16xi32>
      %add3A_149 = vector.broadcast %mul3A_148 : i32 to vector<16xi32>
      %add3A_150 = arith.addi %add3A_149, %iota3A : vector<16xi32>
      %mul3A_151 = arith.constant 16 : i32
      %mul3A_152 = arith.muli %add3A_146, %mul3A_151 : i32
      %get3A = arith.constant 3 : i32
      %get3A_153 = arith.index_cast %get3A : i32 to index
      %get3A_154 = arith.index_cast %mul3A_152 : i32 to index
      %get3A_155 = tpu.vector_load %arg7[%get3A_153, %get3A_154] {strides = array<i32>} : memref<8x128xi32, #tpu.memory_space<vmem>>, vector<16xi32>,
      %mul3A_156 = arith.constant 16 : i32
      %mul3A_157 = arith.muli %add3A_146, %mul3A_156 : i32
      %get3A_158 = arith.constant 4 : i32
      %get3A_159 = arith.index_cast %get3A_158 : i32 to index
      %get3A_160 = arith.index_cast %mul3A_157 : i32 to index
      %get3A_161 = tpu.vector_load %arg7[%get3A_159, %get3A_160] {strides = array<i32>} : memref<8x128xi32, #tpu.memory_space<vmem>>, vector<16xi32>,
      %mul3A_162 = arith.constant 16 : i32
      %mul3A_163 = arith.muli %add3A_146, %mul3A_162 : i32
      %get3A_164 = arith.constant 5 : i32
      %get3A_165 = arith.index_cast %get3A_164 : i32 to index
      %get3A_166 = arith.index_cast %mul3A_163 : i32 to index
      %get3A_167 = tpu.vector_load %arg7[%get3A_165, %get3A_166] {strides = array<i32>} : memref<8x128xi32, #tpu.memory_space<vmem>>, vector<16xi32>,
      %broadcast_in_dim3A = arith.constant -65536 : i32
      %broadcast_in_dim3A_168 = vector.broadcast %broadcast_in_dim3A : i32 to vector<16xi32>
      %broadcast_in_dim3A_169 = arith.constant 0.000000e+00 : f32
      %broadcast_in_dim3A_170 = vector.broadcast %broadcast_in_dim3A_169 : f32 to vector<16xf32>
      %scan3A_171 = arith.constant 0 : i32
      %scan3A_172 = arith.constant 32 : i32
      %scan3A_173 = arith.addi %scan3A_171, %scan3A_172 : i32
      %scan3A_174 = arith.constant 8 : i32
      %scan3A_175:2 = scf.for %scan3A_181 = %scan3A_171 to %scan3A_173 step %scan3A_174 iter_args(%scan3A_182 = %broadcast_in_dim3A_170, %scan3A_183 = %broadcast_in_dim3A_170) -> (vector<16xf32>, vector<16xf32>)  : i32 {
        %add3A_184 = vector.broadcast %scan3A_181 : i32 to vector<16xi32>
        %add3A_185 = arith.addi %get3A_155, %add3A_184 : vector<16xi32>
        %gather3A = tpu.vector_load_idx %arg15[%add3A_150, %add3A_185] : memref<128x128xi32, #tpu.memory_space<vmem>>[vector<16xi32>, vector<16xi32>], vector<16xi32>,
        %shift_left3A = arith.constant 16 : i32
        %shift_left3A_186 = vector.broadcast %shift_left3A : i32 to vector<16xi32>
        %shift_left3A_187 = arith.shli %gather3A, %shift_left3A_186 : vector<16xi32>
        %bitcast_convert_type3A = tpu.bitcast %shift_left3A_187 : vector<16xi32> -> vector<16xf32>
        %and3A = arith.andi %gather3A, %broadcast_in_dim3A_168 : vector<16xi32>
        %bitcast_convert_type3A_188 = tpu.bitcast %and3A : vector<16xi32> -> vector<16xf32>
        %add3A_189 = vector.broadcast %scan3A_181 : i32 to vector<16xi32>
        %add3A_190 = arith.addi %get3A_161, %add3A_189 : vector<16xi32>
        %gather3A_191 = tpu.vector_load_idx %arg17[%add3A_150, %add3A_190] : memref<128x128xi32, #tpu.memory_space<vmem>>[vector<16xi32>, vector<16xi32>], vector<16xi32>,
        %shift_left3A_192 = arith.constant 16 : i32
        %shift_left3A_193 = vector.broadcast %shift_left3A_192 : i32 to vector<16xi32>
        %shift_left3A_194 = arith.shli %gather3A_191, %shift_left3A_193 : vector<16xi32>
        %bitcast_convert_type3A_195 = tpu.bitcast %shift_left3A_194 : vector<16xi32> -> vector<16xf32>
        %and3A_196 = arith.andi %gather3A_191, %broadcast_in_dim3A_168 : vector<16xi32>
        %bitcast_convert_type3A_197 = tpu.bitcast %and3A_196 : vector<16xi32> -> vector<16xf32>
        %add3A_198 = vector.broadcast %scan3A_181 : i32 to vector<16xi32>
        %add3A_199 = arith.addi %get3A_167, %add3A_198 : vector<16xi32>
        %gather3A_200 = tpu.vector_load_idx %arg19[%add3A_150, %add3A_199] : memref<128x128xi32, #tpu.memory_space<vmem>>[vector<16xi32>, vector<16xi32>], vector<16xi32>,
        %shift_left3A_201 = arith.constant 16 : i32
        %shift_left3A_202 = vector.broadcast %shift_left3A_201 : i32 to vector<16xi32>
        %shift_left3A_203 = arith.shli %gather3A_200, %shift_left3A_202 : vector<16xi32>
        %bitcast_convert_type3A_204 = tpu.bitcast %shift_left3A_203 : vector<16xi32> -> vector<16xf32>
        %and3A_205 = arith.andi %gather3A_200, %broadcast_in_dim3A_168 : vector<16xi32>
        %bitcast_convert_type3A_206 = tpu.bitcast %and3A_205 : vector<16xi32> -> vector<16xf32>
        %add3A_207 = arith.addf %bitcast_convert_type3A, %bitcast_convert_type3A_195 : vector<16xf32>
        %sub3A = arith.subf %add3A_207, %bitcast_convert_type3A_204 : vector<16xf32>
        %abs3A = math.absf %sub3A : vector<16xf32>
        %add3A_208 = arith.addf %scan3A_182, %abs3A : vector<16xf32>
        %add3A_209 = arith.addf %bitcast_convert_type3A_188, %bitcast_convert_type3A_197 : vector<16xf32>
        %sub3A_210 = arith.subf %add3A_209, %bitcast_convert_type3A_206 : vector<16xf32>
        %abs3A_211 = math.absf %sub3A_210 : vector<16xf32>
        %add3A_212 = arith.addf %scan3A_183, %abs3A_211 : vector<16xf32>
        %scan3A_213 = arith.constant 1 : i32
        %scan3A_214 = arith.addi %scan3A_181, %scan3A_213 : i32
        %add3A_215 = vector.broadcast %scan3A_214 : i32 to vector<16xi32>
        %add3A_216 = arith.addi %get3A_155, %add3A_215 : vector<16xi32>
        %gather3A_217 = tpu.vector_load_idx %arg15[%add3A_150, %add3A_216] : memref<128x128xi32, #tpu.memory_space<vmem>>[vector<16xi32>, vector<16xi32>], vector<16xi32>,
        %shift_left3A_218 = arith.constant 16 : i32
        %shift_left3A_219 = vector.broadcast %shift_left3A_218 : i32 to vector<16xi32>
        %shift_left3A_220 = arith.shli %gather3A_217, %shift_left3A_219 : vector<16xi32>
        %bitcast_convert_type3A_221 = tpu.bitcast %shift_left3A_220 : vector<16xi32> -> vector<16xf32>
        %and3A_222 = arith.andi %gather3A_217, %broadcast_in_dim3A_168 : vector<16xi32>
        %bitcast_convert_type3A_223 = tpu.bitcast %and3A_222 : vector<16xi32> -> vector<16xf32>
        %add3A_224 = vector.broadcast %scan3A_214 : i32 to vector<16xi32>
        %add3A_225 = arith.addi %get3A_161, %add3A_224 : vector<16xi32>
        %gather3A_226 = tpu.vector_load_idx %arg17[%add3A_150, %add3A_225] : memref<128x128xi32, #tpu.memory_space<vmem>>[vector<16xi32>, vector<16xi32>], vector<16xi32>,
        %shift_left3A_227 = arith.constant 16 : i32
        %shift_left3A_228 = vector.broadcast %shift_left3A_227 : i32 to vector<16xi32>
        %shift_left3A_229 = arith.shli %gather3A_226, %shift_left3A_228 : vector<16xi32>
        %bitcast_convert_type3A_230 = tpu.bitcast %shift_left3A_229 : vector<16xi32> -> vector<16xf32>
        %and3A_231 = arith.andi %gather3A_226, %broadcast_in_dim3A_168 : vector<16xi32>
        %bitcast_convert_type3A_232 = tpu.bitcast %and3A_231 : vector<16xi32> -> vector<16xf32>
        %add3A_233 = vector.broadcast %scan3A_214 : i32 to vector<16xi32>
        %add3A_234 = arith.addi %get3A_167, %add3A_233 : vector<16xi32>
        %gather3A_235 = tpu.vector_load_idx %arg19[%add3A_150, %add3A_234] : memref<128x128xi32, #tpu.memory_space<vmem>>[vector<16xi32>, vector<16xi32>], vector<16xi32>,
        %shift_left3A_236 = arith.constant 16 : i32
        %shift_left3A_237 = vector.broadcast %shift_left3A_236 : i32 to vector<16xi32>
        %shift_left3A_238 = arith.shli %gather3A_235, %shift_left3A_237 : vector<16xi32>
        %bitcast_convert_type3A_239 = tpu.bitcast %shift_left3A_238 : vector<16xi32> -> vector<16xf32>
        %and3A_240 = arith.andi %gather3A_235, %broadcast_in_dim3A_168 : vector<16xi32>
        %bitcast_convert_type3A_241 = tpu.bitcast %and3A_240 : vector<16xi32> -> vector<16xf32>
        %add3A_242 = arith.addf %bitcast_convert_type3A_221, %bitcast_convert_type3A_230 : vector<16xf32>
        %sub3A_243 = arith.subf %add3A_242, %bitcast_convert_type3A_239 : vector<16xf32>
        %abs3A_244 = math.absf %sub3A_243 : vector<16xf32>
        %add3A_245 = arith.addf %add3A_208, %abs3A_244 : vector<16xf32>
        %add3A_246 = arith.addf %bitcast_convert_type3A_223, %bitcast_convert_type3A_232 : vector<16xf32>
        %sub3A_247 = arith.subf %add3A_246, %bitcast_convert_type3A_241 : vector<16xf32>
        %abs3A_248 = math.absf %sub3A_247 : vector<16xf32>
        %add3A_249 = arith.addf %add3A_212, %abs3A_248 : vector<16xf32>
        %scan3A_250 = arith.constant 2 : i32
        %scan3A_251 = arith.addi %scan3A_181, %scan3A_250 : i32
        %add3A_252 = vector.broadcast %scan3A_251 : i32 to vector<16xi32>
        %add3A_253 = arith.addi %get3A_155, %add3A_252 : vector<16xi32>
        %gather3A_254 = tpu.vector_load_idx %arg15[%add3A_150, %add3A_253] : memref<128x128xi32, #tpu.memory_space<vmem>>[vector<16xi32>, vector<16xi32>], vector<16xi32>,
        %shift_left3A_255 = arith.constant 16 : i32
        %shift_left3A_256 = vector.broadcast %shift_left3A_255 : i32 to vector<16xi32>
        %shift_left3A_257 = arith.shli %gather3A_254, %shift_left3A_256 : vector<16xi32>
        %bitcast_convert_type3A_258 = tpu.bitcast %shift_left3A_257 : vector<16xi32> -> vector<16xf32>
        %and3A_259 = arith.andi %gather3A_254, %broadcast_in_dim3A_168 : vector<16xi32>
        %bitcast_convert_type3A_260 = tpu.bitcast %and3A_259 : vector<16xi32> -> vector<16xf32>
        %add3A_261 = vector.broadcast %scan3A_251 : i32 to vector<16xi32>
        %add3A_262 = arith.addi %get3A_161, %add3A_261 : vector<16xi32>
        %gather3A_263 = tpu.vector_load_idx %arg17[%add3A_150, %add3A_262] : memref<128x128xi32, #tpu.memory_space<vmem>>[vector<16xi32>, vector<16xi32>], vector<16xi32>,
        %shift_left3A_264 = arith.constant 16 : i32
        %shift_left3A_265 = vector.broadcast %shift_left3A_264 : i32 to vector<16xi32>
        %shift_left3A_266 = arith.shli %gather3A_263, %shift_left3A_265 : vector<16xi32>
        %bitcast_convert_type3A_267 = tpu.bitcast %shift_left3A_266 : vector<16xi32> -> vector<16xf32>
        %and3A_268 = arith.andi %gather3A_263, %broadcast_in_dim3A_168 : vector<16xi32>
        %bitcast_convert_type3A_269 = tpu.bitcast %and3A_268 : vector<16xi32> -> vector<16xf32>
        %add3A_270 = vector.broadcast %scan3A_251 : i32 to vector<16xi32>
        %add3A_271 = arith.addi %get3A_167, %add3A_270 : vector<16xi32>
        %gather3A_272 = tpu.vector_load_idx %arg19[%add3A_150, %add3A_271] : memref<128x128xi32, #tpu.memory_space<vmem>>[vector<16xi32>, vector<16xi32>], vector<16xi32>,
        %shift_left3A_273 = arith.constant 16 : i32
        %shift_left3A_274 = vector.broadcast %shift_left3A_273 : i32 to vector<16xi32>
        %shift_left3A_275 = arith.shli %gather3A_272, %shift_left3A_274 : vector<16xi32>
        %bitcast_convert_type3A_276 = tpu.bitcast %shift_left3A_275 : vector<16xi32> -> vector<16xf32>
        %and3A_277 = arith.andi %gather3A_272, %broadcast_in_dim3A_168 : vector<16xi32>
        %bitcast_convert_type3A_278 = tpu.bitcast %and3A_277 : vector<16xi32> -> vector<16xf32>
        %add3A_279 = arith.addf %bitcast_convert_type3A_258, %bitcast_convert_type3A_267 : vector<16xf32>
        %sub3A_280 = arith.subf %add3A_279, %bitcast_convert_type3A_276 : vector<16xf32>
        %abs3A_281 = math.absf %sub3A_280 : vector<16xf32>
        %add3A_282 = arith.addf %add3A_245, %abs3A_281 : vector<16xf32>
        %add3A_283 = arith.addf %bitcast_convert_type3A_260, %bitcast_convert_type3A_269 : vector<16xf32>
        %sub3A_284 = arith.subf %add3A_283, %bitcast_convert_type3A_278 : vector<16xf32>
        %abs3A_285 = math.absf %sub3A_284 : vector<16xf32>
        %add3A_286 = arith.addf %add3A_249, %abs3A_285 : vector<16xf32>
        %scan3A_287 = arith.constant 3 : i32
        %scan3A_288 = arith.addi %scan3A_181, %scan3A_287 : i32
        %add3A_289 = vector.broadcast %scan3A_288 : i32 to vector<16xi32>
        %add3A_290 = arith.addi %get3A_155, %add3A_289 : vector<16xi32>
        %gather3A_291 = tpu.vector_load_idx %arg15[%add3A_150, %add3A_290] : memref<128x128xi32, #tpu.memory_space<vmem>>[vector<16xi32>, vector<16xi32>], vector<16xi32>,
        %shift_left3A_292 = arith.constant 16 : i32
        %shift_left3A_293 = vector.broadcast %shift_left3A_292 : i32 to vector<16xi32>
        %shift_left3A_294 = arith.shli %gather3A_291, %shift_left3A_293 : vector<16xi32>
        %bitcast_convert_type3A_295 = tpu.bitcast %shift_left3A_294 : vector<16xi32> -> vector<16xf32>
        %and3A_296 = arith.andi %gather3A_291, %broadcast_in_dim3A_168 : vector<16xi32>
        %bitcast_convert_type3A_297 = tpu.bitcast %and3A_296 : vector<16xi32> -> vector<16xf32>
        %add3A_298 = vector.broadcast %scan3A_288 : i32 to vector<16xi32>
        %add3A_299 = arith.addi %get3A_161, %add3A_298 : vector<16xi32>
        %gather3A_300 = tpu.vector_load_idx %arg17[%add3A_150, %add3A_299] : memref<128x128xi32, #tpu.memory_space<vmem>>[vector<16xi32>, vector<16xi32>], vector<16xi32>,
        %shift_left3A_301 = arith.constant 16 : i32
        %shift_left3A_302 = vector.broadcast %shift_left3A_301 : i32 to vector<16xi32>
        %shift_left3A_303 = arith.shli %gather3A_300, %shift_left3A_302 : vector<16xi32>
        %bitcast_convert_type3A_304 = tpu.bitcast %shift_left3A_303 : vector<16xi32> -> vector<16xf32>
        %and3A_305 = arith.andi %gather3A_300, %broadcast_in_dim3A_168 : vector<16xi32>
        %bitcast_convert_type3A_306 = tpu.bitcast %and3A_305 : vector<16xi32> -> vector<16xf32>
        %add3A_307 = vector.broadcast %scan3A_288 : i32 to vector<16xi32>
        %add3A_308 = arith.addi %get3A_167, %add3A_307 : vector<16xi32>
        %gather3A_309 = tpu.vector_load_idx %arg19[%add3A_150, %add3A_308] : memref<128x128xi32, #tpu.memory_space<vmem>>[vector<16xi32>, vector<16xi32>], vector<16xi32>,
        %shift_left3A_310 = arith.constant 16 : i32
        %shift_left3A_311 = vector.broadcast %shift_left3A_310 : i32 to vector<16xi32>
        %shift_left3A_312 = arith.shli %gather3A_309, %shift_left3A_311 : vector<16xi32>
        %bitcast_convert_type3A_313 = tpu.bitcast %shift_left3A_312 : vector<16xi32> -> vector<16xf32>
        %and3A_314 = arith.andi %gather3A_309, %broadcast_in_dim3A_168 : vector<16xi32>
        %bitcast_convert_type3A_315 = tpu.bitcast %and3A_314 : vector<16xi32> -> vector<16xf32>
        %add3A_316 = arith.addf %bitcast_convert_type3A_295, %bitcast_convert_type3A_304 : vector<16xf32>
        %sub3A_317 = arith.subf %add3A_316, %bitcast_convert_type3A_313 : vector<16xf32>
        %abs3A_318 = math.absf %sub3A_317 : vector<16xf32>
        %add3A_319 = arith.addf %add3A_282, %abs3A_318 : vector<16xf32>
        %add3A_320 = arith.addf %bitcast_convert_type3A_297, %bitcast_convert_type3A_306 : vector<16xf32>
        %sub3A_321 = arith.subf %add3A_320, %bitcast_convert_type3A_315 : vector<16xf32>
        %abs3A_322 = math.absf %sub3A_321 : vector<16xf32>
        %add3A_323 = arith.addf %add3A_286, %abs3A_322 : vector<16xf32>
        %scan3A_324 = arith.constant 4 : i32
        %scan3A_325 = arith.addi %scan3A_181, %scan3A_324 : i32
        %add3A_326 = vector.broadcast %scan3A_325 : i32 to vector<16xi32>
        %add3A_327 = arith.addi %get3A_155, %add3A_326 : vector<16xi32>
        %gather3A_328 = tpu.vector_load_idx %arg15[%add3A_150, %add3A_327] : memref<128x128xi32, #tpu.memory_space<vmem>>[vector<16xi32>, vector<16xi32>], vector<16xi32>,
        %shift_left3A_329 = arith.constant 16 : i32
        %shift_left3A_330 = vector.broadcast %shift_left3A_329 : i32 to vector<16xi32>
        %shift_left3A_331 = arith.shli %gather3A_328, %shift_left3A_330 : vector<16xi32>
        %bitcast_convert_type3A_332 = tpu.bitcast %shift_left3A_331 : vector<16xi32> -> vector<16xf32>
        %and3A_333 = arith.andi %gather3A_328, %broadcast_in_dim3A_168 : vector<16xi32>
        %bitcast_convert_type3A_334 = tpu.bitcast %and3A_333 : vector<16xi32> -> vector<16xf32>
        %add3A_335 = vector.broadcast %scan3A_325 : i32 to vector<16xi32>
        %add3A_336 = arith.addi %get3A_161, %add3A_335 : vector<16xi32>
        %gather3A_337 = tpu.vector_load_idx %arg17[%add3A_150, %add3A_336] : memref<128x128xi32, #tpu.memory_space<vmem>>[vector<16xi32>, vector<16xi32>], vector<16xi32>,
        %shift_left3A_338 = arith.constant 16 : i32
        %shift_left3A_339 = vector.broadcast %shift_left3A_338 : i32 to vector<16xi32>
        %shift_left3A_340 = arith.shli %gather3A_337, %shift_left3A_339 : vector<16xi32>
        %bitcast_convert_type3A_341 = tpu.bitcast %shift_left3A_340 : vector<16xi32> -> vector<16xf32>
        %and3A_342 = arith.andi %gather3A_337, %broadcast_in_dim3A_168 : vector<16xi32>
        %bitcast_convert_type3A_343 = tpu.bitcast %and3A_342 : vector<16xi32> -> vector<16xf32>
        %add3A_344 = vector.broadcast %scan3A_325 : i32 to vector<16xi32>
        %add3A_345 = arith.addi %get3A_167, %add3A_344 : vector<16xi32>
        %gather3A_346 = tpu.vector_load_idx %arg19[%add3A_150, %add3A_345] : memref<128x128xi32, #tpu.memory_space<vmem>>[vector<16xi32>, vector<16xi32>], vector<16xi32>,
        %shift_left3A_347 = arith.constant 16 : i32
        %shift_left3A_348 = vector.broadcast %shift_left3A_347 : i32 to vector<16xi32>
        %shift_left3A_349 = arith.shli %gather3A_346, %shift_left3A_348 : vector<16xi32>
        %bitcast_convert_type3A_350 = tpu.bitcast %shift_left3A_349 : vector<16xi32> -> vector<16xf32>
        %and3A_351 = arith.andi %gather3A_346, %broadcast_in_dim3A_168 : vector<16xi32>
        %bitcast_convert_type3A_352 = tpu.bitcast %and3A_351 : vector<16xi32> -> vector<16xf32>
        %add3A_353 = arith.addf %bitcast_convert_type3A_332, %bitcast_convert_type3A_341 : vector<16xf32>
        %sub3A_354 = arith.subf %add3A_353, %bitcast_convert_type3A_350 : vector<16xf32>
        %abs3A_355 = math.absf %sub3A_354 : vector<16xf32>
        %add3A_356 = arith.addf %add3A_319, %abs3A_355 : vector<16xf32>
        %add3A_357 = arith.addf %bitcast_convert_type3A_334, %bitcast_convert_type3A_343 : vector<16xf32>
        %sub3A_358 = arith.subf %add3A_357, %bitcast_convert_type3A_352 : vector<16xf32>
        %abs3A_359 = math.absf %sub3A_358 : vector<16xf32>
        %add3A_360 = arith.addf %add3A_323, %abs3A_359 : vector<16xf32>
        %scan3A_361 = arith.constant 5 : i32
        %scan3A_362 = arith.addi %scan3A_181, %scan3A_361 : i32
        %add3A_363 = vector.broadcast %scan3A_362 : i32 to vector<16xi32>
        %add3A_364 = arith.addi %get3A_155, %add3A_363 : vector<16xi32>
        %gather3A_365 = tpu.vector_load_idx %arg15[%add3A_150, %add3A_364] : memref<128x128xi32, #tpu.memory_space<vmem>>[vector<16xi32>, vector<16xi32>], vector<16xi32>,
        %shift_left3A_366 = arith.constant 16 : i32
        %shift_left3A_367 = vector.broadcast %shift_left3A_366 : i32 to vector<16xi32>
        %shift_left3A_368 = arith.shli %gather3A_365, %shift_left3A_367 : vector<16xi32>
        %bitcast_convert_type3A_369 = tpu.bitcast %shift_left3A_368 : vector<16xi32> -> vector<16xf32>
        %and3A_370 = arith.andi %gather3A_365, %broadcast_in_dim3A_168 : vector<16xi32>
        %bitcast_convert_type3A_371 = tpu.bitcast %and3A_370 : vector<16xi32> -> vector<16xf32>
        %add3A_372 = vector.broadcast %scan3A_362 : i32 to vector<16xi32>
        %add3A_373 = arith.addi %get3A_161, %add3A_372 : vector<16xi32>
        %gather3A_374 = tpu.vector_load_idx %arg17[%add3A_150, %add3A_373] : memref<128x128xi32, #tpu.memory_space<vmem>>[vector<16xi32>, vector<16xi32>], vector<16xi32>,
        %shift_left3A_375 = arith.constant 16 : i32
        %shift_left3A_376 = vector.broadcast %shift_left3A_375 : i32 to vector<16xi32>
        %shift_left3A_377 = arith.shli %gather3A_374, %shift_left3A_376 : vector<16xi32>
        %bitcast_convert_type3A_378 = tpu.bitcast %shift_left3A_377 : vector<16xi32> -> vector<16xf32>
        %and3A_379 = arith.andi %gather3A_374, %broadcast_in_dim3A_168 : vector<16xi32>
        %bitcast_convert_type3A_380 = tpu.bitcast %and3A_379 : vector<16xi32> -> vector<16xf32>
        %add3A_381 = vector.broadcast %scan3A_362 : i32 to vector<16xi32>
        %add3A_382 = arith.addi %get3A_167, %add3A_381 : vector<16xi32>
        %gather3A_383 = tpu.vector_load_idx %arg19[%add3A_150, %add3A_382] : memref<128x128xi32, #tpu.memory_space<vmem>>[vector<16xi32>, vector<16xi32>], vector<16xi32>,
        %shift_left3A_384 = arith.constant 16 : i32
        %shift_left3A_385 = vector.broadcast %shift_left3A_384 : i32 to vector<16xi32>
        %shift_left3A_386 = arith.shli %gather3A_383, %shift_left3A_385 : vector<16xi32>
        %bitcast_convert_type3A_387 = tpu.bitcast %shift_left3A_386 : vector<16xi32> -> vector<16xf32>
        %and3A_388 = arith.andi %gather3A_383, %broadcast_in_dim3A_168 : vector<16xi32>
        %bitcast_convert_type3A_389 = tpu.bitcast %and3A_388 : vector<16xi32> -> vector<16xf32>
        %add3A_390 = arith.addf %bitcast_convert_type3A_369, %bitcast_convert_type3A_378 : vector<16xf32>
        %sub3A_391 = arith.subf %add3A_390, %bitcast_convert_type3A_387 : vector<16xf32>
        %abs3A_392 = math.absf %sub3A_391 : vector<16xf32>
        %add3A_393 = arith.addf %add3A_356, %abs3A_392 : vector<16xf32>
        %add3A_394 = arith.addf %bitcast_convert_type3A_371, %bitcast_convert_type3A_380 : vector<16xf32>
        %sub3A_395 = arith.subf %add3A_394, %bitcast_convert_type3A_389 : vector<16xf32>
        %abs3A_396 = math.absf %sub3A_395 : vector<16xf32>
        %add3A_397 = arith.addf %add3A_360, %abs3A_396 : vector<16xf32>
        %scan3A_398 = arith.constant 6 : i32
        %scan3A_399 = arith.addi %scan3A_181, %scan3A_398 : i32
        %add3A_400 = vector.broadcast %scan3A_399 : i32 to vector<16xi32>
        %add3A_401 = arith.addi %get3A_155, %add3A_400 : vector<16xi32>
        %gather3A_402 = tpu.vector_load_idx %arg15[%add3A_150, %add3A_401] : memref<128x128xi32, #tpu.memory_space<vmem>>[vector<16xi32>, vector<16xi32>], vector<16xi32>,
        %shift_left3A_403 = arith.constant 16 : i32
        %shift_left3A_404 = vector.broadcast %shift_left3A_403 : i32 to vector<16xi32>
        %shift_left3A_405 = arith.shli %gather3A_402, %shift_left3A_404 : vector<16xi32>
        %bitcast_convert_type3A_406 = tpu.bitcast %shift_left3A_405 : vector<16xi32> -> vector<16xf32>
        %and3A_407 = arith.andi %gather3A_402, %broadcast_in_dim3A_168 : vector<16xi32>
        %bitcast_convert_type3A_408 = tpu.bitcast %and3A_407 : vector<16xi32> -> vector<16xf32>
        %add3A_409 = vector.broadcast %scan3A_399 : i32 to vector<16xi32>
        %add3A_410 = arith.addi %get3A_161, %add3A_409 : vector<16xi32>
        %gather3A_411 = tpu.vector_load_idx %arg17[%add3A_150, %add3A_410] : memref<128x128xi32, #tpu.memory_space<vmem>>[vector<16xi32>, vector<16xi32>], vector<16xi32>,
        %shift_left3A_412 = arith.constant 16 : i32
        %shift_left3A_413 = vector.broadcast %shift_left3A_412 : i32 to vector<16xi32>
        %shift_left3A_414 = arith.shli %gather3A_411, %shift_left3A_413 : vector<16xi32>
        %bitcast_convert_type3A_415 = tpu.bitcast %shift_left3A_414 : vector<16xi32> -> vector<16xf32>
        %and3A_416 = arith.andi %gather3A_411, %broadcast_in_dim3A_168 : vector<16xi32>
        %bitcast_convert_type3A_417 = tpu.bitcast %and3A_416 : vector<16xi32> -> vector<16xf32>
        %add3A_418 = vector.broadcast %scan3A_399 : i32 to vector<16xi32>
        %add3A_419 = arith.addi %get3A_167, %add3A_418 : vector<16xi32>
        %gather3A_420 = tpu.vector_load_idx %arg19[%add3A_150, %add3A_419] : memref<128x128xi32, #tpu.memory_space<vmem>>[vector<16xi32>, vector<16xi32>], vector<16xi32>,
        %shift_left3A_421 = arith.constant 16 : i32
        %shift_left3A_422 = vector.broadcast %shift_left3A_421 : i32 to vector<16xi32>
        %shift_left3A_423 = arith.shli %gather3A_420, %shift_left3A_422 : vector<16xi32>
        %bitcast_convert_type3A_424 = tpu.bitcast %shift_left3A_423 : vector<16xi32> -> vector<16xf32>
        %and3A_425 = arith.andi %gather3A_420, %broadcast_in_dim3A_168 : vector<16xi32>
        %bitcast_convert_type3A_426 = tpu.bitcast %and3A_425 : vector<16xi32> -> vector<16xf32>
        %add3A_427 = arith.addf %bitcast_convert_type3A_406, %bitcast_convert_type3A_415 : vector<16xf32>
        %sub3A_428 = arith.subf %add3A_427, %bitcast_convert_type3A_424 : vector<16xf32>
        %abs3A_429 = math.absf %sub3A_428 : vector<16xf32>
        %add3A_430 = arith.addf %add3A_393, %abs3A_429 : vector<16xf32>
        %add3A_431 = arith.addf %bitcast_convert_type3A_408, %bitcast_convert_type3A_417 : vector<16xf32>
        %sub3A_432 = arith.subf %add3A_431, %bitcast_convert_type3A_426 : vector<16xf32>
        %abs3A_433 = math.absf %sub3A_432 : vector<16xf32>
        %add3A_434 = arith.addf %add3A_397, %abs3A_433 : vector<16xf32>
        %scan3A_435 = arith.constant 7 : i32
        %scan3A_436 = arith.addi %scan3A_181, %scan3A_435 : i32
        %add3A_437 = vector.broadcast %scan3A_436 : i32 to vector<16xi32>
        %add3A_438 = arith.addi %get3A_155, %add3A_437 : vector<16xi32>
        %gather3A_439 = tpu.vector_load_idx %arg15[%add3A_150, %add3A_438] : memref<128x128xi32, #tpu.memory_space<vmem>>[vector<16xi32>, vector<16xi32>], vector<16xi32>,
        %shift_left3A_440 = arith.constant 16 : i32
        %shift_left3A_441 = vector.broadcast %shift_left3A_440 : i32 to vector<16xi32>
        %shift_left3A_442 = arith.shli %gather3A_439, %shift_left3A_441 : vector<16xi32>
        %bitcast_convert_type3A_443 = tpu.bitcast %shift_left3A_442 : vector<16xi32> -> vector<16xf32>
        %and3A_444 = arith.andi %gather3A_439, %broadcast_in_dim3A_168 : vector<16xi32>
        %bitcast_convert_type3A_445 = tpu.bitcast %and3A_444 : vector<16xi32> -> vector<16xf32>
        %add3A_446 = vector.broadcast %scan3A_436 : i32 to vector<16xi32>
        %add3A_447 = arith.addi %get3A_161, %add3A_446 : vector<16xi32>
        %gather3A_448 = tpu.vector_load_idx %arg17[%add3A_150, %add3A_447] : memref<128x128xi32, #tpu.memory_space<vmem>>[vector<16xi32>, vector<16xi32>], vector<16xi32>,
        %shift_left3A_449 = arith.constant 16 : i32
        %shift_left3A_450 = vector.broadcast %shift_left3A_449 : i32 to vector<16xi32>
        %shift_left3A_451 = arith.shli %gather3A_448, %shift_left3A_450 : vector<16xi32>
        %bitcast_convert_type3A_452 = tpu.bitcast %shift_left3A_451 : vector<16xi32> -> vector<16xf32>
        %and3A_453 = arith.andi %gather3A_448, %broadcast_in_dim3A_168 : vector<16xi32>
        %bitcast_convert_type3A_454 = tpu.bitcast %and3A_453 : vector<16xi32> -> vector<16xf32>
        %add3A_455 = vector.broadcast %scan3A_436 : i32 to vector<16xi32>
        %add3A_456 = arith.addi %get3A_167, %add3A_455 : vector<16xi32>
        %gather3A_457 = tpu.vector_load_idx %arg19[%add3A_150, %add3A_456] : memref<128x128xi32, #tpu.memory_space<vmem>>[vector<16xi32>, vector<16xi32>], vector<16xi32>,
        %shift_left3A_458 = arith.constant 16 : i32
        %shift_left3A_459 = vector.broadcast %shift_left3A_458 : i32 to vector<16xi32>
        %shift_left3A_460 = arith.shli %gather3A_457, %shift_left3A_459 : vector<16xi32>
        %bitcast_convert_type3A_461 = tpu.bitcast %shift_left3A_460 : vector<16xi32> -> vector<16xf32>
        %and3A_462 = arith.andi %gather3A_457, %broadcast_in_dim3A_168 : vector<16xi32>
        %bitcast_convert_type3A_463 = tpu.bitcast %and3A_462 : vector<16xi32> -> vector<16xf32>
        %add3A_464 = arith.addf %bitcast_convert_type3A_443, %bitcast_convert_type3A_452 : vector<16xf32>
        %sub3A_465 = arith.subf %add3A_464, %bitcast_convert_type3A_461 : vector<16xf32>
        %abs3A_466 = math.absf %sub3A_465 : vector<16xf32>
        %add3A_467 = arith.addf %add3A_430, %abs3A_466 : vector<16xf32>
        %add3A_468 = arith.addf %bitcast_convert_type3A_445, %bitcast_convert_type3A_454 : vector<16xf32>
        %sub3A_469 = arith.subf %add3A_468, %bitcast_convert_type3A_463 : vector<16xf32>
        %abs3A_470 = math.absf %sub3A_469 : vector<16xf32>
        %add3A_471 = arith.addf %add3A_434, %abs3A_470 : vector<16xf32>
        scf.yield %add3A_467, %add3A_471 : vector<16xf32>, vector<16xf32>
      }
      %scan3A_176 = arith.constant 32 : i32
      %add3A_177 = arith.addf %scan3A_175#0, %scan3A_175#1 : vector<16xf32>
      %mul3A_178 = arith.constant 16 : i32
      %mul3A_179 = arith.muli %add3A_146, %mul3A_178 : i32
      %swap3A = arith.index_cast %mul3A_179 : i32 to index
      %swap3A_180 = tpu.vector_load %arg21[%swap3A] {strides = array<i32>} : memref<128xf32, #tpu.memory_space<vmem>>, vector<16xf32>,
      tpu.vector_store %arg21[%swap3A], %add3A_177 {strides = array<i32>} : memref<128xf32, #tpu.memory_space<vmem>>, vector<16xf32>,
    }
    %scan3A_141 = arith.constant 8 : i32
    "tpu.region"() ({
      %run_scoped3A = tpu.sem_alloc : memref<!tpu.dma_semaphore, #tpu.memory_space<semaphore_mem>>
      %dma_start3A_142 = tpu.memref_slice %arg5[%add3A_127] : memref<16384xf32, #tpu.memory_space<hbm>> -> memref<128xf32, #tpu.memory_space<hbm>>
      %dma_start3A_143 = tpu.memref_slice %arg5[%add3A_127] : memref<16384xf32, #tpu.memory_space<hbm>> -> memref<128xf32, #tpu.memory_space<hbm>>
      tpu.enqueue_dma source(%arg21 : memref<128xf32, #tpu.memory_space<vmem>>) target(%dma_start3A_143 : memref<128xf32, #tpu.memory_space<hbm>>) target_semaphore(%run_scoped3A : memref<!tpu.dma_semaphore, #tpu.memory_space<semaphore_mem>>)
      %dma_wait3A_144 = tpu.memref_slice %arg5[%add3A_127] : memref<16384xf32, #tpu.memory_space<hbm>> -> memref<128xf32, #tpu.memory_space<hbm>>
      %dma_wait3A_145 = tpu.memref_slice %arg5[%add3A_127] : memref<16384xf32, #tpu.memory_space<hbm>> -> memref<128xf32, #tpu.memory_space<hbm>>
      tpu.wait_dma2 semaphore(%run_scoped3A : memref<!tpu.dma_semaphore, #tpu.memory_space<semaphore_mem>>) src(%arg21 : memref<128xf32, #tpu.memory_space<vmem>>) dst(%dma_wait3A_145 : memref<128xf32, #tpu.memory_space<hbm>>)
      tpu.yield
    }) : () -> ()
    return
  }
}

module attributes {stable_mosaic.version = 14 : i64} {
  func.func @_conv_body(%arg0: i32, %arg1: memref<64x32768xf32, #tpu.memory_space<vmem>>, %arg2: memref<8192x128xi32, #tpu.memory_space<vmem>>) attributes {dimension_semantics = [#tpu.dimension_semantics<arbitrary>], iteration_bounds = array<i64: 31>, scalar_prefetch = 0 : i64, scratch_operands = 0 : i64, tpu.core_type = #tpu.core_type<tc>, window_params = [{transform_indices = @transform_0, window_bounds = array<i64: 64, 32768>}, {transform_indices = @transform_1, window_bounds = array<i64: 8192, 128>}]} {
    %get3A = arith.constant 0 : index
    %get3A_0 = arith.constant 0 : index
    %get3A_1 = vector.load %arg1[%get3A, %get3A_0] : memref<64x32768xf32, #tpu.memory_space<vmem>>, vector<64x32768xf32>
    %convert_element_type3A = arith.truncf %get3A_1 : vector<64x32768xf32> to vector<64x32768xbf16>
    %slice3A = vector.extract_strided_slice %convert_element_type3A {offsets = [0, 0], sizes = [64, 8192], strides = [1, 1]} : vector<64x32768xbf16> to vector<64x8192xbf16>
    %slice3A_2 = vector.extract_strided_slice %convert_element_type3A {offsets = [0, 8192], sizes = [64, 8192], strides = [1, 1]} : vector<64x32768xbf16> to vector<64x8192xbf16>
    %slice3A_3 = vector.extract_strided_slice %convert_element_type3A {offsets = [0, 16384], sizes = [64, 8192], strides = [1, 1]} : vector<64x32768xbf16> to vector<64x8192xbf16>
    %slice3A_4 = vector.extract_strided_slice %convert_element_type3A {offsets = [0, 24576], sizes = [64, 8192], strides = [1, 1]} : vector<64x32768xbf16> to vector<64x8192xbf16>
    %concatenate3A = tpu.concatenate %slice3A, %slice3A_2, %slice3A_3, %slice3A_4 in 0 : vector<64x8192xbf16>, vector<64x8192xbf16>, vector<64x8192xbf16>, vector<64x8192xbf16> -> vector<256x8192xbf16>
    %iota3A = tpu.iota {dimensions = array<i32: 0>} : vector<256x256xi32>
    %iota3A_5 = tpu.iota {dimensions = array<i32: 1>} : vector<256x256xi32>
    %and3A = arith.constant 127 : i32
    %and3A_6 = vector.broadcast %and3A : i32 to vector<256x256xi32>
    %and3A_7 = arith.andi %iota3A_5, %and3A_6 : vector<256x256xi32>
    %shift_right_arithmetic3A = arith.constant 5 : i32
    %shift_right_arithmetic3A_8 = vector.broadcast %shift_right_arithmetic3A : i32 to vector<256x256xi32>
    %shift_right_arithmetic3A_9 = arith.shrsi %and3A_7, %shift_right_arithmetic3A_8 : vector<256x256xi32>
    %shift_left3A = arith.constant 6 : i32
    %shift_left3A_10 = vector.broadcast %shift_left3A : i32 to vector<256x256xi32>
    %shift_left3A_11 = arith.shli %shift_right_arithmetic3A_9, %shift_left3A_10 : vector<256x256xi32>
    %and3A_12 = arith.constant 31 : i32
    %and3A_13 = vector.broadcast %and3A_12 : i32 to vector<256x256xi32>
    %and3A_14 = arith.andi %and3A_7, %and3A_13 : vector<256x256xi32>
    %shift_left3A_15 = arith.constant 1 : i32
    %shift_left3A_16 = vector.broadcast %shift_left3A_15 : i32 to vector<256x256xi32>
    %shift_left3A_17 = arith.shli %and3A_14, %shift_left3A_16 : vector<256x256xi32>
    %add3A = arith.addi %shift_left3A_11, %shift_left3A_17 : vector<256x256xi32>
    %shift_right_arithmetic3A_18 = arith.constant 7 : i32
    %shift_right_arithmetic3A_19 = vector.broadcast %shift_right_arithmetic3A_18 : i32 to vector<256x256xi32>
    %shift_right_arithmetic3A_20 = arith.shrsi %iota3A_5, %shift_right_arithmetic3A_19 : vector<256x256xi32>
    %add3A_21 = arith.addi %add3A, %shift_right_arithmetic3A_20 : vector<256x256xi32>
    %eq3A = arith.cmpi eq, %iota3A, %add3A_21 : vector<256x256xi32>
    %convert_element_type3A_22 = arith.extui %eq3A : vector<256x256xi1> to vector<256x256xi32>
    %convert_element_type3A_23 = arith.sitofp %convert_element_type3A_22 : vector<256x256xi32> to vector<256x256xf32>
    %convert_element_type3A_24 = arith.truncf %convert_element_type3A_23 : vector<256x256xf32> to vector<256x256xbf16>
    %dot_general3A = arith.constant dense<0.000000e+00> : vector<8192x256xf32>
    %dot_general3A_25 = tpu.matmul %concatenate3A, %convert_element_type3A_24, %dot_general3A {dimension_numbers = #tpu.dot_dimension_numbers<[0], [0], [1], [1], [0, 1, 1, 1], [], []>, transpose_lhs_hint = false} : vector<256x8192xbf16>, vector<256x256xbf16>, vector<8192x256xf32> -> vector<8192x256xf32>
    %bitcast_convert_type3A = tpu.bitcast %dot_general3A_25 : vector<8192x256xf32> -> vector<8192x256xi32>
    %slice3A_26 = vector.extract_strided_slice %bitcast_convert_type3A {offsets = [0, 0], sizes = [8192, 128], strides = [1, 1]} : vector<8192x256xi32> to vector<8192x128xi32>
    %shift_right_logical3A = arith.constant 16 : i32
    %shift_right_logical3A_27 = vector.broadcast %shift_right_logical3A : i32 to vector<8192x128xi32>
    %shift_right_logical3A_28 = arith.shrui %slice3A_26, %shift_right_logical3A_27 : vector<8192x128xi32>
    %slice3A_29 = vector.extract_strided_slice %bitcast_convert_type3A {offsets = [0, 128], sizes = [8192, 128], strides = [1, 1]} : vector<8192x256xi32> to vector<8192x128xi32>
    %or3A = arith.ori %slice3A_29, %shift_right_logical3A_28 : vector<8192x128xi32>
    %swap3A = arith.constant 0 : index
    %swap3A_30 = arith.constant 0 : index
    %swap3A_31 = vector.load %arg2[%swap3A, %swap3A_30] : memref<8192x128xi32, #tpu.memory_space<vmem>>, vector<8192x128xi32>
    tpu.vector_store %arg2[%swap3A, %swap3A_30], %or3A {strides = array<i32>} : memref<8192x128xi32, #tpu.memory_space<vmem>>, vector<8192x128xi32>,
    return
  }
  func.func @transform_0(%arg0: i32) -> (i32, i32) {
    %c0_i32 = arith.constant 0 : i32
    %c0_i32_0 = arith.constant 0 : i32
    return %c0_i32, %arg0 : i32, i32
  }
  func.func @transform_1(%arg0: i32) -> (i32, i32) {
    %c0_i32 = arith.constant 0 : i32
    %c0_i32_0 = arith.constant 0 : i32
    return %arg0, %c0_i32 : i32, i32
  }
}

</mosaic_0001>

<sc_bundles>
// kernel: kernel.5.cloned.1.call-start
scs
__scs_entry_jumppad:
0x0: {  	(pc) =	sbr.rel $0x88, $3  }
0x1: {  	(tag) =	ssettag $0x0;
	lr =	simm.s32 $0x1  }
0x2: {  	[smem:$0x3F9E] =	sst lr;
	_ =	strace $0xD0000000  }
0x3: {  	_ = 	snop  }
0x4: {  	_ = 	snop  }
0x5: {  	_ = 	snop  }
0x6: {  	_ = 	snop  }
0x7: {  	_ = 	snop  }
__scs_overlays_trampoline_lowered:
0x8: {  	[smem:$0x3FAD] =	sst s0  }
0x9: {  	[smem:$0x3FAE] =	sst s1  }
0xa: {  	[smem:$0x3FAF] =	sst s2  }
0xb: {  	[smem:$0x3FB0] =	sst s3  }
0xc: {  	[smem:$0x3FB1] =	sst s4  }
0xd: {  	[smem:$0x3FB2] =	sst s5  }
0xe: {  	[smem:$0x3FB3] =	sst s6  }
0xf: {  	[smem:$0x3FB4] =	sst s7  }
0x10: {  	[smem:$0x3FB5] =	sst s8  }
0x11: {  	[smem:$0x3FB6] =	sst s9;
	s0 =	simm.s32 @!p0 $0x0  }
0x12: {  	s1 =	sld [smem:$0x3F9C];
	s0 =	simm.s32 @p0 $0x1  }
0x13: {  	[smem:$0x3FB7] =	sst s0;
	s0 =	simm.s32 @!p1 $0x0  }
0x14: {  	s2 =	sld [smem:$0x3F9B];
	s0 =	simm.s32 @p1 $0x1  }
0x15: {  	[smem:$0x3FB8] =	sst s0;
	s0 =	simm.s32 @!p2 $0x0  }
0x16: {  	s3 =	sld [smem:$0x3FDB];
	s0 =	simm.s32 @p2 $0x1  }
0x17: {  	s4 =	simm.s32 $0x1BF5;
	[smem:$0x3FBA] =	sst s0  }
0x18: {  	s0 =	sld [smem:$0x3F9D];
	_ =	swait.ge [sflag:s4], $0x0  }
0x19: {  	s7 =	sld [smem:$0x3F9E]  }
0x1a: {  	s8 =	sadd.s32 $0xFFFFE003, lr  }
0x1b: {  	s9 =	sadd.s32 $0xFFFFFEF7, lr;
	s5 =	simm.s32 $0xFFFFFFFF;
	p2 =	slt.u32 s8, $0xFFFFF086  }
0x1c: {  	p1 =	slt.u32 s9, $0xF7A;
	s5 =	simm.s32 @!p2 $0x0  }
0x1d: {  	s5 =	simm.s32 @p1 $0x1;
	p0 =	seq.s32 s7, s2  }
0x1e: {  	s7 =	smul.u32 @!p0 $0xF7A, s2;
	p2 =	seq.s32 @!p0 s5, $0x0  }
0x1f: {  	s9 =	smul.u32 $0xF7A, s1;
	s8 =	simm.s32 @!p0 $0x1BF5;
	p2 =	por !p2, p0  }
0x20: {  	[sflag:s8] =	ssyncset.s32 @!p0 $0xFFFFF086;
	s6 =	sadd.s32 @!p0 s3, s7;
	s7 =	simm.s32 @!p0 $0x108  }
0x21: {  	s3 =	sadd.s32 s3, s9;
	s6 =	sadd.s32 @!p0 $0x88, s6;
	s7 =	simm.s32 @p2 $0x1082  }
0x22: {  	[simem:s7], [sflag:s8] =	dma.local @!p0 [hbm:s6], $0xF7A  }
0x23: {  	s9 =	sor.u32 $0xD0000000, s2;
	s6 =	simm.s32 $0x108;
	_ =	swait.ge @!p0 [sflag:s8], $0x0  }
0x24: {  	s3 =	sadd.s32 $0x88, s3;
	s6 =	simm.s32 @!p1 $0x1082;
	[sflag:s4] =	ssyncset.s32 $0xFFFFF086  }
0x25: {  	[simem:s6], [sflag:s4] =	dma.local [hbm:s3], $0xF7A  }
0x26: {  	[smem:$0x3F9E] =	sst s1;
	(tag) =	ssettag s2;
	_ =	strace s9  }
0x27: {  	s1 =	sld [smem:$0x3FAE]  }
0x28: {  	s2 =	sld [smem:$0x3FAF]  }
0x29: {  	s4 =	sld [smem:$0x3FB1]  }
0x2a: {  	p0 =	seq.s32 s5, $0x0;
	s5 =	sld [smem:$0x3FB2]  }
0x2b: {  	s6 =	sld [smem:$0x3FB3]  }
0x2c: {  	s7 =	sld [smem:$0x3FB4]  }
0x2d: {  	s3 =	simm.s32 $0x108;
	s8 =	sld [smem:$0x3FB5]  }
0x2e: {  	s3 =	simm.s32 @!p0 $0x1082;
	s9 =	sld [smem:$0x3FB6]  }
0x2f: {  	lr =	sadd.s32 s0, s3;
	s0 =	sld [smem:$0x3FAD]  }
0x30: {  	s3 =	sld [smem:$0x3FB0]  }
0x31: {  	[smem:$0x3FB9] =	sst s10  }
0x32: {  	s10 =	sld [smem:$0x3FB7];
	_ =	sdelay $0x3  }
0x33: {  	p0 =	seq.s32 s10, $0x1;
	s10 =	sld [smem:$0x3FB9];
	_ =	sdelay $0x3  }
0x34: {  	[smem:$0x3FB9] =	sst s10  }
0x35: {  	s10 =	sld [smem:$0x3FB8];
	_ =	sdelay $0x3  }
0x36: {  	p1 =	seq.s32 s10, $0x1;
	s10 =	sld [smem:$0x3FB9];
	_ =	sdelay $0x3  }
0x37: {  	[smem:$0x3FB9] =	sst s10  }
0x38: {  	s10 =	sld [smem:$0x3FBA]  }
0x39: {  	_ = 	snop;
	(pc) =	sbr.ind lr, $3  }
0x3a: {  	_ = 	snop  }
0x3b: {  	_ = 	snop  }
0x3c: {  	p2 =	seq.s32 s10, $0x1;
	s10 =	sld [smem:$0x3FB9]  }
0x3d: {  	_ =	shalt  }
0x3e: {  	_ =	shalt  }
0x3f: {  	_ =	shalt  }
0x40: {  	_ =	shalt  }
0x41: {  	_ =	shalt  }
0x42: {  	_ =	shalt  }
0x43: {  	_ =	shalt  }
0x44: {  	_ =	shalt  }
0x45: {  	_ =	shalt  }
0x46: {  	_ =	shalt  }
0x47: {  	_ =	shalt  }
0x48: {  	_ =	shalt  }
0x49: {  	_ =	shalt  }
0x4a: {  	_ =	shalt  }
0x4b: {  	_ =	shalt  }
0x4c: {  	_ =	shalt  }
0x4d: {  	_ =	shalt  }
0x4e: {  	_ =	shalt  }
0x4f: {  	_ =	shalt  }
0x50: {  	_ =	shalt  }
0x51: {  	_ =	shalt  }
0x52: {  	_ =	shalt  }
0x53: {  	_ =	shalt  }
0x54: {  	_ =	shalt  }
0x55: {  	_ =	shalt  }
0x56: {  	_ =	shalt  }
0x57: {  	_ =	shalt  }
0x58: {  	_ =	shalt  }
0x59: {  	_ =	shalt  }
0x5a: {  	_ =	shalt  }
0x5b: {  	_ =	shalt  }
0x5c: {  	_ =	shalt  }
0x5d: {  	_ =	shalt  }
0x5e: {  	_ =	shalt  }
0x5f: {  	_ =	shalt  }
0x60: {  	_ =	shalt  }
0x61: {  	_ =	shalt  }
0x62: {  	_ =	shalt  }
0x63: {  	_ =	shalt  }
0x64: {  	_ =	shalt  }
0x65: {  	_ =	shalt  }
0x66: {  	_ =	shalt  }
0x67: {  	_ =	shalt  }
0x68: {  	_ =	shalt  }
0x69: {  	_ =	shalt  }
0x6a: {  	_ =	shalt  }
0x6b: {  	_ =	shalt  }
0x6c: {  	_ =	shalt  }
0x6d: {  	_ =	shalt  }
0x6e: {  	_ =	shalt  }
0x6f: {  	_ =	shalt  }
0x70: {  	_ =	shalt  }
0x71: {  	_ =	shalt  }
0x72: {  	_ =	shalt  }
0x73: {  	_ =	shalt  }
0x74: {  	_ =	shalt  }
0x75: {  	_ =	shalt  }
0x76: {  	_ =	shalt  }
0x77: {  	_ =	shalt  }
0x78: {  	_ =	shalt  }
0x79: {  	_ =	shalt  }
0x7a: {  	_ =	shalt  }
0x7b: {  	_ =	shalt  }
0x7c: {  	_ =	shalt  }
0x7d: {  	_ =	shalt  }
0x7e: {  	_ =	shalt  }
0x7f: {  	_ =	shalt  }
0x80: {  	_ =	shalt  }
0x81: {  	_ =	shalt  }
0x82: {  	_ =	shalt  }
0x83: {  	_ =	shalt  }
0x84: {  	_ =	shalt  }
0x85: {  	_ =	shalt  }
0x86: {  	_ =	shalt  }
0x87: {  	_ =	shalt  }
.Lfunc_end0:
.L_simem_size_0:
called_computation_lowered:
.L_overlay_start_0:
0x88: {  	s2 =	sld [smem:$0x3FD9]  }
0x89: {  	s3 =	sld [smem:$0x3FFE];
	_ =	sdelay $0x1  }
0x8a: {  	s1 =	srdreg.scid  }
0x8b: {  	s0 =	sand.u32 $0x1, s1  }
0x8c: {  	s17 =	sshll.u32 s0, $0xA;
	s2 =	sadd.s32 s3, s2  }
0x8d: {  	s2 =	sadd.s32 s2, s17  }
0x8e: {  	[smem:$0x3FC5] =	sst s2  }
0x8f: {  	_ = 	snop  }
0x90: {  	s2 =	sld [smem:$0x3FD0];
	(tm) =	ssettm $0x1  }
0x91: {  	s18 =	sld [smem:$0x3FFB];
	_ =	sdelay $0x3  }
0x92: {  	_ =	strace s18  }
0x93: {  	s3 =	sld [smem:$0x3FFC];
	_ =	sdelay $0x3  }
0x94: {  	_ =	strace s3  }
0x95: {  	s3 =	sld [smem:$0x3FFD];
	_ =	sdelay $0x3  }
0x96: {  	_ =	strace s3  }
0x97: {  	_ =	strace $0x8FFFFFFF  }
0x98: {  	s19 =	sld [smem:$0x3FDB];
	_ =	sdelay $0x1  }
0x99: {  	s4 =	simm.s32 $_scs_section_size  }
0x9a: {  	s5 =	simm.s32 $_size__tile_overlayer_lowered;
	s6 =	simm.s32 $_tile_overlayer_lowered  }
0x9b: {  	s22 =	simm.s32 $0x1BFF;
	s21 =	sshll.u32 s6, $0x1;
	s3 =	sadd.s32 s4, s19  }
0x9c: {  	s7 =	simm.s32 $0x0;
	s20 =	sshll.u32 s5, $0x1;
	s5 =	sadd.s32 s21, s3  }
0x9d: {  	[timem:s7], [sflag:s22] =	dma.local [hbm:s5], s20  }
0x9e: {  	_ =	swait.ge [sflag:s22], s20  }
0x9f: {  	s4 =	ssub.s32 $0x0, s20;
	[sflag:s22] =	ssyncset.done $0x0  }
0xa0: {  	[sflag:s22] =	ssyncadd.s32 s4;
	_ =	sdelay $0x1  }
0xa1: {  	s23 =	simm.s32 $0x1B8B  }
0xa2: {  	_ =	swait.ge [sflag:s23], $0x1  }
0xa3: {  	[sflag:s23] =	ssyncset.done $0x0  }
0xa4: {  	s25 =	simm.s32 $0x1B8E;
	s24 =	sld [smem:$0x3FFE];
	[sflag:s23] =	ssyncadd.s32 $0xFFFFFFFF  }
0xa5: {  	s26 =	simm.s32 $execute0_lowered;
	[smem:$0x3FD2] =	sst s25  }
0xa6: {  	s5 =	sshll.u32 s26, $0x1;
	_ =	strace $0x80000046;
	[dreg:$0x1] =	wrdreg $0xFFFFFFFF  }
0xa7: {  	s28 =	simm.s32 $_size_execute0_lowered;
	s3 =	sadd.s32 s3, s5;
	[dreg:$0x0] =	wrdreg $0x0  }
0xa8: {  	s5 =	sshll.u32 s28, $0x1;
	[dreg:$0x2] =	wrdreg s3  }
0xa9: {  	[dreg:$0x3] =	wrdreg s5  }
0xaa: {  	[dreg:$0x4] =	wrdreg $0xC0  }
0xab: {  	_ =	task [dreg:s7], $0x5FFFF  }
0xac: {  	[dreg:$0x1] =	wrdreg $0xFFFFFFFF  }
0xad: {  	[dreg:$0x0] =	wrdreg $0x60  }
0xae: {  	[dreg:$0x2] =	wrdreg s24  }
0xaf: {  	[dreg:$0x3] =	wrdreg s2  }
0xb0: {  	[dreg:$0x4] =	wrdreg $0x9  }
0xb1: {  	_ =	task.clear_ibuf [dreg:s7], $0x5FFFF;
	_ =	strace $0x90000046  }
0xb2: {  	s29 =	simm.s32 $0x9;
	_ =	strace $0x80000048  }
0xb3: {  	_ =	swait.ge [sflag:s29], $0x1  }
0xb4: {  	[sflag:s29] =	ssyncadd.s32 $0xFFFFFFFF  }
0xb5: {  	_ =	strace $0x90000048  }
0xb6: {  	_ =	sfence  }
0xb7: {  	s30 =	sld [smem:$0x0];
	_ =	sdelay $0x2  }
0xb8: {  	s31 =	sshll.u32 s1, $0xD;
	s1 =	sshrl.u32 s1, $0x2  }
0xb9: {  	s3 =	sand.u32 $0x4000, s31;
	s1 =	sadd.s32 s1, s30  }
0xba: {  	s0 =	sor.u32 s3, s0;
	s1 =	sshll.u32 s1, $0x11  }
0xbb: {  	s0 =	sor.u32 s1, s0  }
0xbc: {  	s0 =	sadd.s32 $0x8F2B, s0  }
0xbd: {  	[sflag:s0] =	ssyncadd.remote.s32 $0x1  }
0xbe: {  	_ =	sfence.sel $0xFFFF  }
0xbf: {  	[dreg:$0x0] =	wrdreg $0xFFFFFFFF;
	(pc) =	sbr.abs _section_cstart, $3  }
0xc0: {  	[dreg:$0x1] =	wrdreg $0xFFFFFFFF  }
0xc1: {  	_ =	task.clear_ibuf [dreg:s7], $0x2FFFF;
	_ =	strace $0x9FFFFFFF  }
0xc2: {  	(tm) =	ssettm $0x7FFFFFFF  }
0xc3: {  	_ =	shalt  }
tec
execute0_lowered:
.L_overlay_start_1:
0x0: {  	(tag) =	ssettag $0x1  }
0x1: {  	s0 =	rddreg [dreg:$0x0]  }
0x2: {  	s1 =	rddreg [dreg:$0x1]  }
0x3: {  	s2 =	simm.s32 $0x0;
	s3 =	srdreg.scid;
	s4 =	stileid.u32  }
0x4: {  	s14 =	simm.s32 $0x7;
	s15 =	simm.s32 $0x80;
	s17 =	simm.s32 $0xB00  }
0x5: {  	s19 =	simm.s32 $0x8B00;
	s29 =	simm.s32 $0x14B00;
	s30 =	simm.s32 $0x1  }
0x6: {  	s31 =	simm.s32 $0x3;
	s16 =	simm.s32 $0x2;
	s18 =	simm.s32 $0x4  }
0x7: {  	[smem:$0x7FF] =	sst s2;
	s3 =	sand.u32 $0x1, s3;
	s4 =	sshll.u32 s4, $0xA  }
0x8: {  	s10 =	sadd.s32 $0xC00, s0;
	_ =	strace $0x80000047;
	s5 =	sshll.u32 s3, $0x9  }
0x9: {  	s6 =	ssub.s32 $0x2, s3;
	s3 =	sadd.s32 $0x4C00, s0;
	s7 =	sor.u32 s5, s4  }
0xa: {  	s20 =	sshrl.u32 s6, $0x1;
	s4 =	sadd.s32 $0x3E4C00, s0;
	s0 =	simm.s32 $0x5  }
0xb: {  	s8 =	sshrl.u32 s7, $0x7;
	s21 =	ssub.s32 s6, s20;
	s22 =	sadd.s32 s10, s7  }
0xc: {  	s7 =	sshrl.u32 s7, $0x3;
	s20 =	simm.s32 $0x6;
	s9 =	sor.u32 $0x1, s8  }
0xd: {  	[dreg:$0x3] =	wrdreg s22;
	s25 =	sadd.s32 s1, s7;
	s11 =	sor.u32 $0x2, s8  }
0xe: {  	s13 =	sor.u32 $0x3, s8;
	s7 =	simm.s32 $0x800;
	s23 =	sshll.u32 s9, $0x7  }
0xf: {  	[dreg:$0x5] =	wrdreg s25;
	s12 =	sshll.u32 s11, $0x7;
	s9 =	sshll.u32 s9, $0x4  }
0x10: {  	s26 =	sshll.u32 s13, $0x7;
	s11 =	sshll.u32 s11, $0x4;
	s28 =	sshll.u32 s13, $0x4  }
0x11: {  	s13 =	smax.u32 s21, $0x1;
	s21 =	simm.s32 $0x10B00;
	s24 =	sadd.s32 s10, s23  }
0x12: {  	s8 =	sadd.s32 s10, s12;
	s9 =	sadd.s32 s1, s9;
	s10 =	sadd.s32 s10, s26  }
0x13: {  	v0 =	vlaneseq.u32;
	s11 =	sadd.s32 s1, s11;
	s12 =	sadd.s32 s1, s28;
	s26 =	simm.s32 $0xCB00  }
0x14: {  	v0 =	vmul.u32 $0x80, v0;
	s23 =	simm.s32 $0x0;
	[dreg:$0x4] =	wrdreg s24;
	s24 =	simm.s32 $0x4B00  }
.LBB2_1:
0x15: {  	s1 =	rddreg [dreg:$0x3]  }
0x16: {  	[tilespmem:s2], [sflag:$0x7] =	stream.linear.gather [hbm4b:s1+s2], $0x400, $0x38;
	[tilespmem:$0x18C00] =	vst v63  }
0x17: {  	_ =	swait.ge [sflag:s14], $0x400  }
0x18: {  	[sflag:s14] =	ssyncset.done $0x0  }
0x19: {  	[sflag:s14] =	ssyncadd.s32 $0xFFFFFC00  }
0x1a: {  	v1 =	vld [tilespmem:$0x0]  }
0x1b: {  	v2 =	vld [tilespmem:$0x80]  }
0x1c: {  	v3 =	vld [tilespmem:$0x100]  }
0x1d: {  	v4 =	vld [tilespmem:$0x10]  }
0x1e: {  	v5 =	vld [tilespmem:$0x90]  }
0x1f: {  	v48 =	vld [tilespmem:$0x120];
	[tilespmem:$0x800] =	vst v1  }
0x20: {  	v1 =	vld [tilespmem:$0x110];
	[tilespmem:$0x900] =	vst v2  }
0x21: {  	v2 =	vld [tilespmem:$0x20];
	[tilespmem:$0xA00] =	vst v3  }
0x22: {  	v3 =	vld [tilespmem:$0xA0];
	[tilespmem:$0x810] =	vst v4  }
0x23: {  	v49 =	vld [tilespmem:$0x30];
	[tilespmem:$0x910] =	vst v5  }
0x24: {  	v50 =	vld [tilespmem:$0xC0];
	[tilespmem:$0xA20] =	vst v48  }
0x25: {  	[tilespmem:$0xA10] =	vst v1;
	v1 =	vld [tilespmem:$0xB0]  }
0x26: {  	[tilespmem:$0x820] =	vst v2;
	v2 =	vld [tilespmem:$0x130]  }
0x27: {  	[tilespmem:$0x920] =	vst v3;
	v3 =	vld [tilespmem:$0x40]  }
0x28: {  	v51 =	vld [tilespmem:$0x140];
	[tilespmem:$0x830] =	vst v49  }
0x29: {  	v52 =	vld [tilespmem:$0x60];
	[tilespmem:$0x940] =	vst v50  }
0x2a: {  	[tilespmem:$0x930] =	vst v1;
	v1 =	vld [tilespmem:$0x50]  }
0x2b: {  	[tilespmem:$0xA30] =	vst v2;
	v2 =	vld [tilespmem:$0xD0]  }
0x2c: {  	[tilespmem:$0x840] =	vst v3;
	v3 =	vld [tilespmem:$0x150]  }
0x2d: {  	v53 =	vld [tilespmem:$0xE0];
	[tilespmem:$0xA40] =	vst v51  }
0x2e: {  	v54 =	vld [tilespmem:$0x170];
	[tilespmem:$0x860] =	vst v52  }
0x2f: {  	[tilespmem:$0x850] =	vst v1;
	v1 =	vld [tilespmem:$0x160]  }
0x30: {  	[tilespmem:$0x950] =	vst v2;
	v2 =	vld [tilespmem:$0x70]  }
0x31: {  	[tilespmem:$0xA50] =	vst v3;
	v3 =	vld [tilespmem:$0xF0]  }
0x32: {  	[tilespmem:$0x960] =	vst v53  }
0x33: {  	[tilespmem:$0xA70] =	vst v54  }
0x34: {  	[tilespmem:$0xA60] =	vst v1  }
0x35: {  	[tilespmem:$0x870] =	vst v2  }
0x36: {  	[tilespmem:$0x970] =	vst v3  }
0x37: {  	[tilespmem:s17], [sflag:$0x1] =	stream.indirect.gather [hbm4b:s3+s15], $0x80, s7, s15, $0xb8;
	[tilespmem:$0x18C00] =	vst v63  }
0x38: {  	s28 =	simm.s32 $0x900  }
0x39: {  	[tilespmem:s19], [sflag:$0x3] =	stream.indirect.gather [hbm4b:s4+s15], $0x80, s28, s15, $0xb8;
	[tilespmem:$0x18C00] =	vst v63  }
0x3a: {  	s5 =	simm.s32 $0xA00  }
0x3b: {  	[tilespmem:s21], [sflag:$0x5] =	stream.indirect.gather [hbm4b:s3+s15], $0x80, s5, s15, $0xb8;
	[tilespmem:$0x18C00] =	vst v63  }
0x3c: {  	s6 =	rddreg [dreg:$0x4];
	s5 =	simm.s32 $0x400  }
0x3d: {  	[tilespmem:s5], [sflag:$0x7] =	stream.linear.gather [hbm4b:s6+s2], $0x400, $0x38;
	[tilespmem:$0x18C00] =	vst v63  }
0x3e: {  	_ =	swait.ge [sflag:s14], $0x400  }
0x3f: {  	[sflag:s14] =	ssyncset.done $0x0  }
0x40: {  	[sflag:s14] =	ssyncadd.s32 $0xFFFFFC00  }
0x41: {  	v1 =	vld [tilespmem:$0x400]  }
0x42: {  	v2 =	vld [tilespmem:$0x480]  }
0x43: {  	v3 =	vld [tilespmem:$0x500]  }
0x44: {  	v55 =	vld [tilespmem:$0x410]  }
0x45: {  	v56 =	vld [tilespmem:$0x490]  }
0x46: {  	v57 =	vld [tilespmem:$0x520];
	[tilespmem:$0x880] =	vst v1  }
0x47: {  	v1 =	vld [tilespmem:$0x510];
	[tilespmem:$0x980] =	vst v2  }
0x48: {  	v2 =	vld [tilespmem:$0x420];
	[tilespmem:$0xA80] =	vst v3  }
0x49: {  	v3 =	vld [tilespmem:$0x4A0];
	[tilespmem:$0x890] =	vst v55  }
0x4a: {  	v58 =	vld [tilespmem:$0x430];
	[tilespmem:$0x990] =	vst v56  }
0x4b: {  	v59 =	vld [tilespmem:$0x4C0];
	[tilespmem:$0xAA0] =	vst v57  }
0x4c: {  	[tilespmem:$0xA90] =	vst v1;
	v1 =	vld [tilespmem:$0x4B0]  }
0x4d: {  	[tilespmem:$0x8A0] =	vst v2;
	v2 =	vld [tilespmem:$0x530]  }
0x4e: {  	[tilespmem:$0x9A0] =	vst v3;
	v3 =	vld [tilespmem:$0x440]  }
0x4f: {  	v60 =	vld [tilespmem:$0x540];
	[tilespmem:$0x8B0] =	vst v58  }
0x50: {  	v61 =	vld [tilespmem:$0x460];
	[tilespmem:$0x9C0] =	vst v59  }
0x51: {  	[tilespmem:$0x9B0] =	vst v1;
	v1 =	vld [tilespmem:$0x450]  }
0x52: {  	[tilespmem:$0xAB0] =	vst v2;
	v2 =	vld [tilespmem:$0x4D0]  }
0x53: {  	[tilespmem:$0x8C0] =	vst v3;
	v3 =	vld [tilespmem:$0x550]  }
0x54: {  	v62 =	vld [tilespmem:$0x4E0];
	[tilespmem:$0xAC0] =	vst v60  }
0x55: {  	v63 =	vld [tilespmem:$0x570];
	[tilespmem:$0x8E0] =	vst v61  }
0x56: {  	[tilespmem:$0x8D0] =	vst v1;
	v1 =	vld [tilespmem:$0x560]  }
0x57: {  	[tilespmem:$0x9D0] =	vst v2;
	v2 =	vld [tilespmem:$0x470]  }
0x58: {  	[tilespmem:$0xAD0] =	vst v3;
	v3 =	vld [tilespmem:$0x4F0]  }
0x59: {  	[tilespmem:$0x9E0] =	vst v62  }
0x5a: {  	[tilespmem:$0xAF0] =	vst v63  }
0x5b: {  	[tilespmem:$0xAE0] =	vst v1  }
0x5c: {  	[tilespmem:$0x8F0] =	vst v2  }
0x5d: {  	s22 =	simm.s32 $0x880;
	[tilespmem:$0x9F0] =	vst v3  }
0x5e: {  	[tilespmem:s24], [sflag:$0x2] =	stream.indirect.gather [hbm4b:s3+s15], $0x80, s22, s15, $0xb8;
	[tilespmem:$0x18C00] =	vst v63  }
0x5f: {  	s25 =	simm.s32 $0x980  }
0x60: {  	[tilespmem:s26], [sflag:$0x4] =	stream.indirect.gather [hbm4b:s4+s15], $0x80, s25, s15, $0xb8;
	[tilespmem:$0x18C00] =	vst v63  }
0x61: {  	s28 =	simm.s32 $0xA80  }
0x62: {  	[tilespmem:s29], [sflag:$0x6] =	stream.indirect.gather [hbm4b:s3+s15], $0x80, s28, s15, $0xb8;
	[tilespmem:$0x18C00] =	vst v63  }
0x63: {  	_ =	swait.ge [sflag:s30], $0x4000  }
0x64: {  	[sflag:s30] =	ssyncset.done $0x0  }
0x65: {  	[sflag:s30] =	ssyncadd.s32 $0xFFFFC000  }
0x66: {  	_ =	swait.ge [sflag:s31], $0x4000  }
0x67: {  	[sflag:s31] =	ssyncset.done $0x0  }
0x68: {  	[sflag:s31] =	ssyncadd.s32 $0xFFFFC000  }
0x69: {  	_ =	swait.ge [sflag:s0], $0x4000  }
0x6a: {  	[sflag:s0] =	ssyncset.done $0x0  }
0x6b: {  	s25 =	simm.s32 $0x0;
	[sflag:s0] =	ssyncadd.s32 $0xFFFFC000  }
.LBB2_2:
0x6c: {  	s28 =	sshll.u32 s25, $0x4  }
0x6d: {  	v2 =	vld [tilespmem:s28+$0x180]  }
0x6e: {  	v3 =	vld [tilespmem:s28+$0x280]  }
0x6f: {  	v4 =	vld [tilespmem:s28+$0x200]  }
0x70: {  	v1 =	vmov s28  }
0x71: {  	v1 =	vshll.u32 v1, $0x7  }
0x72: {  	s1 =	simm.s32 $0x0;
	v5 =	vor.u32 v0, v1  }
0x73: {  	s22 =	simm.s32 $0x7;
	s5 =	simm.s32 $0x6;
	v1 =	vimm.f32 $0.0e+00;
	v6 =	vadd.s32 s1, v3;
	v7 =	vadd.s32 s1, v2  }
0x74: {  	v8 =	vadd.s32 s1, v4;
	v9 =	vadd.s32 s22, v3;
	v10 =	vadd.s32 s5, v3  }
0x75: {  	s6 =	simm.s32 $0x4;
	v11 =	vadd.s32 s22, v2;
	v12 =	vadd.s32 s22, v4;
	v14 =	vadd.s32 s5, v2  }
0x76: {  	s1 =	simm.s32 $0x5;
	v15 =	vadd.s32 s5, v4;
	v16 =	vadd.s32 s6, v3;
	v20 =	vadd.s32 s6, v2  }
0x77: {  	s5 =	simm.s32 $0x3;
	v21 =	vadd.s32 s6, v4;
	v13 =	vadd.s32 s1, v3;
	v17 =	vadd.s32 s1, v2  }
0x78: {  	s6 =	simm.s32 $0x1;
	v18 =	vadd.s32 s1, v4;
	v19 =	vadd.s32 s5, v3;
	v23 =	vadd.s32 s5, v2  }
0x79: {  	v24 =	vadd.s32 s5, v4;
	v25 =	vand.u32 $0x7F, v6;
	v26 =	vadd.s32 s6, v3  }
0x7a: {  	v28 =	vand.u32 $0x7F, v7;
	v6 =	vand.u32 $0xFFFFFF80, v6;
	v30 =	vand.u32 $0x7F, v8  }
0x7b: {  	v31 =	vadd.s32 s6, v2;
	v32 =	vadd.s32 s6, v4;
	v7 =	vand.u32 $0xFFFFFF80, v7  }
0x7c: {  	v8 =	vand.u32 $0xFFFFFF80, v8;
	v33 =	vand.u32 $0x7F, v9;
	v34 =	vand.u32 $0x7F, v10  }
0x7d: {  	v35 =	vand.u32 $0x7F, v11;
	v9 =	vand.u32 $0xFFFFFF80, v9;
	v10 =	vand.u32 $0xFFFFFF80, v10  }
0x7e: {  	v11 =	vand.u32 $0xFFFFFF80, v11;
	v36 =	vand.u32 $0x7F, v12;
	v38 =	vand.u32 $0x7F, v14  }
0x7f: {  	v12 =	vand.u32 $0xFFFFFF80, v12;
	v14 =	vand.u32 $0xFFFFFF80, v14;
	v39 =	vand.u32 $0x7F, v15  }
0x80: {  	v40 =	vand.u32 $0x7F, v16;
	v15 =	vand.u32 $0xFFFFFF80, v15;
	v16 =	vand.u32 $0xFFFFFF80, v16  }
0x81: {  	s1 =	simm.s32 $0x2;
	v44 =	vand.u32 $0x7F, v20;
	v20 =	vand.u32 $0xFFFFFF80, v20;
	v45 =	vand.u32 $0x7F, v21  }
0x82: {  	v21 =	vand.u32 $0xFFFFFF80, v21;
	v22 =	vadd.s32 s1, v3;
	v27 =	vadd.s32 s1, v2  }
0x83: {  	v29 =	vadd.s32 s1, v4;
	v37 =	vand.u32 $0x7F, v13;
	v13 =	vand.u32 $0xFFFFFF80, v13  }
0x84: {  	v41 =	vand.u32 $0x7F, v17;
	v17 =	vand.u32 $0xFFFFFF80, v17;
	v42 =	vand.u32 $0x7F, v18  }
0x85: {  	v43 =	vand.u32 $0x7F, v19;
	v18 =	vand.u32 $0xFFFFFF80, v18;
	v19 =	vand.u32 $0xFFFFFF80, v19  }
0x86: {  	v47 =	vand.u32 $0x7F, v23;
	v23 =	vand.u32 $0xFFFFFF80, v23;
	v48 =	vand.u32 $0x7F, v24  }
0x87: {  	v49 =	vand.u32 $0x7F, v26;
	v24 =	vand.u32 $0xFFFFFF80, v24;
	v6 =	vadd.s32 v5, v6  }
0x88: {  	v26 =	vand.u32 $0xFFFFFF80, v26;
	v7 =	vadd.s32 v5, v7;
	v8 =	vadd.s32 v5, v8  }
0x89: {  	v9 =	vadd.s32 v5, v9;
	v10 =	vadd.s32 v5, v10;
	v11 =	vadd.s32 v5, v11  }
0x8a: {  	v12 =	vadd.s32 v5, v12;
	v21 =	vadd.s32 v5, v21;
	v6 =	vor.u32 v25, v6  }
0x8b: {  	v46 =	vand.u32 $0x7F, v22;
	v22 =	vand.u32 $0xFFFFFF80, v22;
	v7 =	vor.u32 v28, v7  }
0x8c: {  	v50 =	vand.u32 $0x7F, v27;
	v51 =	vand.u32 $0x7F, v29;
	v8 =	vor.u32 v30, v8  }
0x8d: {  	v25 =	vand.u32 $0xFFFFFF80, v27;
	v27 =	vand.u32 $0xFFFFFF80, v29;
	v11 =	vor.u32 v35, v11  }
0x8e: {  	v29 =	vand.u32 $0x7F, v31;
	v30 =	vand.u32 $0x7F, v32;
	v12 =	vor.u32 v36, v12  }
0x8f: {  	v9 =	vor.u32 v33, v9;
	v28 =	vand.u32 $0xFFFFFF80, v31;
	v60 =	vor.u32 v45, v21;
	v6 =	vld.idx.msk [tilespmem:v6+s21+$0x0], $0xffff  }
0x90: {  	v10 =	vor.u32 v34, v10;
	v31 =	vand.u32 $0xFFFFFF80, v32;
	v13 =	vadd.s32 v5, v13;
	v55 =	vld.idx.msk [tilespmem:v7+s17+$0x0], $0xffff  }
0x91: {  	v19 =	vadd.s32 v5, v19;
	v7 =	vadd.s32 v5, v14;
	v14 =	vadd.s32 v5, v16;
	v16 =	vld.idx.msk [tilespmem:v8+s19+$0x0], $0xffff  }
0x92: {  	v26 =	vadd.s32 v5, v26;
	v13 =	vor.u32 v37, v13;
	v25 =	vadd.s32 v5, v25;
	v56 =	vld.idx.msk [tilespmem:v11+s17+$0x0], $0xffff  }
0x93: {  	v59 =	vadd.s32 v5, v28;
	v63 =	vor.u32 v50, v25;
	v8 =	vadd.s32 v5, v15;
	v57 =	vld.idx.msk [tilespmem:v12+s19+$0x0], $0xffff  }
0x94: {  	v15 =	vadd.s32 v5, v17;
	v17 =	vadd.s32 v5, v18;
	v35 =	vld.idx.msk [tilespmem:v60+s19+$0x0], $0xffff;
	v18 =	vor.u32 v38, v7  }
0x95: {  	v27 =	vadd.s32 v5, v27;
	v7 =	vld.idx.msk [tilespmem:v9+s21+$0x0], $0xffff;
	v9 =	vadd.s32 v5, v20;
	v20 =	vor.u32 v39, v8  }
0x96: {  	v31 =	vadd.s32 v5, v31;
	v11 =	vadd.s32 v5, v23;
	v8 =	vld.idx.msk [tilespmem:v10+s21+$0x0], $0xffff;
	v15 =	vor.u32 v41, v15  }
0x97: {  	v23 =	vadd.s32 v5, v24;
	v24 =	vor.u32 v42, v17;
	v58 =	vor.u32 v44, v9;
	v9 =	vld.idx.msk [tilespmem:v13+s21+$0x0], $0xffff  }
0x98: {  	v34 =	vor.u32 v51, v27;
	v10 =	vadd.s32 v5, v22;
	v61 =	vor.u32 v47, v11;
	v36 =	vld.idx.msk [tilespmem:v63+s17+$0x0], $0xffff  }
0x99: {  	v17 =	vor.u32 v40, v14;
	v62 =	vor.u32 v48, v23;
	v12 =	vor.u32 v46, v10;
	v22 =	vld.idx.msk [tilespmem:v18+s17+$0x0], $0xffff  }
0x9a: {  	v13 =	vor.u32 v49, v26;
	v26 =	vor.u32 v29, v59;
	v10 =	vshll.u32 v6, $0x10;
	v21 =	vld.idx.msk [tilespmem:v20+s19+$0x0], $0xffff  }
0x9b: {  	v23 =	vshll.u32 v55, $0x10;
	v11 =	vand.u32 $0xFFFF0000, v6;
	v29 =	vshll.u32 v16, $0x10;
	v28 =	vld.idx.msk [tilespmem:v15+s17+$0x0], $0xffff  }
0x9c: {  	v25 =	vand.u32 $0xFFFF0000, v56;
	v38 =	vshll.u32 v57, $0x10;
	v32 =	vand.u32 $0xFFFF0000, v57;
	v27 =	vld.idx.msk [tilespmem:v24+s19+$0x0], $0xffff  }
0x9d: {  	v6 =	vimm.f32 $0.0e+00;
	v18 =	vor.u32 v43, v19;
	v19 =	vor.u32 v30, v31;
	v31 =	vld.idx.msk [tilespmem:v58+s17+$0x0], $0xffff  }
0x9e: {  	v20 =	vand.u32 $0xFFFF0000, v55;
	v24 =	vand.u32 $0xFFFF0000, v16;
	v37 =	vld.idx.msk [tilespmem:v61+s17+$0x0], $0xffff;
	v15 =	vshll.u32 v7, $0x10  }
0x9f: {  	s1 =	simm.s32 $0x8;
	v14 =	vshll.u32 v8, $0x10;
	v33 =	vld.idx.msk [tilespmem:v62+s19+$0x0], $0xffff;
	v30 =	vshll.u32 v56, $0x10;
	v16 =	vshll.u32 v9, $0x10  }
.LBB2_3:
0xa0: {  	p0 =	slt.u32 s1, $0x18;
	v39 =	vshll.u32 v22, $0x10;
	v22 =	vand.u32 $0xFFFF0000, v22;
	v40 =	vshll.u32 v21, $0x10  }
0xa1: {  	v41 =	vshll.u32 v28, $0x10;
	v28 =	vand.u32 $0xFFFF0000, v28;
	v21 =	vand.u32 $0xFFFF0000, v21;
	v34 =	vld.idx.msk [tilespmem:v34+s19+$0x0], $0xffff  }
0xa2: {  	v42 =	vshll.u32 v31, $0x10;
	v43 =	vshll.u32 v27, $0x10;
	v27 =	vand.u32 $0xFFFF0000, v27  }
0xa3: {  	v31 =	vand.u32 $0xFFFF0000, v31;
	v44 =	vshll.u32 v35, $0x10;
	v35 =	vand.u32 $0xFFFF0000, v35;
	v26 =	vld.idx.msk [tilespmem:v26+s17+$0x0], $0xffff  }
0xa4: {  	v45 =	vshll.u32 v37, $0x10;
	v37 =	vand.u32 $0xFFFF0000, v37;
	v46 =	vshll.u32 v33, $0x10  }
0xa5: {  	v23 =	vadd.f32 v29, v23;
	v33 =	vand.u32 $0xFFFF0000, v33;
	v29 =	vshll.u32 v36, $0x10;
	v19 =	vld.idx.msk [tilespmem:v19+s19+$0x0], $0xffff  }
0xa6: {  	v20 =	vadd.f32 v24, v20;
	v30 =	vadd.f32 v38, v30;
	v24 =	vand.u32 $0xFFFF0000, v36  }
0xa7: {  	v25 =	vadd.f32 v32, v25;
	v38 =	vadd.f32 v40, v39;
	v36 =	vshll.u32 v34, $0x10;
	v17 =	vld.idx.msk [tilespmem:v17+s21+$0x0], $0xffff  }
0xa8: {  	v21 =	vadd.f32 v21, v22;
	v32 =	vand.u32 $0xFFFF0000, v34;
	v34 =	vadd.f32 v43, v41;
	v18 =	vld.idx.msk [tilespmem:v18+s21+$0x0], $0xffff  }
0xa9: {  	v27 =	vadd.f32 v27, v28;
	v39 =	vadd.f32 v44, v42;
	v22 =	vshll.u32 v26, $0x10;
	v12 =	vld.idx.msk [tilespmem:v12+s21+$0x0], $0xffff  }
0xaa: {  	v31 =	vadd.f32 v35, v31;
	v28 =	vadd.f32 v46, v45;
	v26 =	vand.u32 $0xFFFF0000, v26;
	v13 =	vld.idx.msk [tilespmem:v13+s21+$0x0], $0xffff  }
0xab: {  	v33 =	vadd.f32 v33, v37;
	v29 =	vadd.f32 v36, v29;
	v35 =	vshll.u32 v19, $0x10  }
0xac: {  	v24 =	vadd.f32 v32, v24;
	v19 =	vand.u32 $0xFFFF0000, v19;
	v22 =	vadd.f32 v35, v22  }
0xad: {  	v10 =	vsub.f32 v23, v10;
	v19 =	vadd.f32 v19, v26;
	v23 =	vshll.u32 v17, $0x10  }
0xae: {  	v11 =	vsub.f32 v20, v11;
	v15 =	vsub.f32 v30, v15;
	v20 =	vshll.u32 v18, $0x10  }
0xaf: {  	v14 =	vsub.f32 v38, v14;
	v16 =	vsub.f32 v34, v16;
	v26 =	vshll.u32 v12, $0x10  }
0xb0: {  	v23 =	vsub.f32 v39, v23;
	v20 =	vsub.f32 v28, v20;
	v30 =	vshll.u32 v13, $0x10  }
0xb1: {  	v13 =	vand.u32 $0xFFFF0000, v13;
	v26 =	vsub.f32 v29, v26;
	v22 =	vsub.f32 v22, v30  }
0xb2: {  	v10 =	vand.u32 $0x7FFFFFFF, v10;
	v11 =	vand.u32 $0x7FFFFFFF, v11;
	v13 =	vsub.f32 v19, v13  }
0xb3: {  	v1 =	vadd.f32 v10, v1;
	v6 =	vadd.f32 v11, v6;
	v10 =	vand.u32 $0xFFFF0000, v12  }
0xb4: {  	v10 =	vsub.f32 v24, v10;
	v11 =	vand.u32 $0x7FFFFFFF, v22;
	v12 =	vand.u32 $0x7FFFFFFF, v13  }
0xb5: {  	v1 =	vadd.f32 v11, v1;
	v6 =	vadd.f32 v12, v6;
	v11 =	vand.u32 $0xFFFF0000, v18  }
0xb6: {  	v10 =	vand.u32 $0x7FFFFFFF, v10;
	v12 =	vand.u32 $0x7FFFFFFF, v26;
	v11 =	vsub.f32 v33, v11  }
0xb7: {  	v1 =	vadd.f32 v12, v1;
	v6 =	vadd.f32 v10, v6;
	v10 =	vand.u32 $0xFFFF0000, v17  }
0xb8: {  	v12 =	vand.u32 $0x7FFFFFFF, v20;
	v11 =	vand.u32 $0x7FFFFFFF, v11;
	v10 =	vsub.f32 v31, v10  }
0xb9: {  	v9 =	vand.u32 $0xFFFF0000, v9;
	v1 =	vadd.f32 v12, v1;
	v6 =	vadd.f32 v11, v6  }
0xba: {  	v9 =	vsub.f32 v27, v9;
	v11 =	vand.u32 $0x7FFFFFFF, v23;
	v10 =	vand.u32 $0x7FFFFFFF, v10  }
0xbb: {  	v8 =	vand.u32 $0xFFFF0000, v8;
	v1 =	vadd.f32 v11, v1;
	v6 =	vadd.f32 v10, v6  }
0xbc: {  	v8 =	vsub.f32 v21, v8;
	v9 =	vand.u32 $0x7FFFFFFF, v9;
	v10 =	vand.u32 $0x7FFFFFFF, v16  }
0xbd: {  	v7 =	vand.u32 $0xFFFF0000, v7;
	v1 =	vadd.f32 v10, v1;
	v6 =	vadd.f32 v9, v6  }
0xbe: {  	v7 =	vsub.f32 v25, v7;
	v8 =	vand.u32 $0x7FFFFFFF, v8;
	v9 =	vand.u32 $0x7FFFFFFF, v14  }
0xbf: {  	v1 =	vadd.f32 v9, v1;
	v6 =	vadd.f32 v8, v6  }
0xc0: {  	v7 =	vand.u32 $0x7FFFFFFF, v7;
	v8 =	vand.u32 $0x7FFFFFFF, v15  }
0xc1: {  	s5 =	sadd.s32 $0x7, s1;
	v9 =	vadd.s32 s1, v3;
	v1 =	vadd.f32 v8, v1;
	v6 =	vadd.f32 v7, v6  }
0xc2: {  	s22 =	sadd.s32 $0x6, s1;
	v10 =	vadd.s32 s5, v3;
	v7 =	vadd.s32 s1, v2;
	v8 =	vadd.s32 s1, v4  }
0xc3: {  	s6 =	sadd.s32 $0x5, s1;
	v13 =	vadd.s32 s5, v4;
	v12 =	vadd.s32 s5, v2;
	v11 =	vadd.s32 s22, v3  }
0xc4: {  	v16 =	vadd.s32 s22, v4;
	s5 =	sadd.s32 $0x4, s1;
	v14 =	vadd.s32 s6, v3;
	v15 =	vadd.s32 s22, v2  }
0xc5: {  	v19 =	vadd.s32 s6, v4;
	v18 =	vadd.s32 s6, v2;
	v17 =	vadd.s32 s5, v3;
	s22 =	sadd.s32 $0x3, s1  }
0xc6: {  	s6 =	sadd.s32 $0x2, s1;
	v21 =	vadd.s32 s5, v2;
	v22 =	vadd.s32 s5, v4;
	v20 =	vadd.s32 s22, v3  }
0xc7: {  	s5 =	sadd.s32 $0x1, s1;
	v23 =	vadd.s32 s6, v3;
	v24 =	vadd.s32 s22, v2;
	v25 =	vadd.s32 s22, v4  }
0xc8: {  	v28 =	vadd.s32 s6, v2;
	v27 =	vadd.s32 s5, v3;
	v26 =	vand.u32 $0x7F, v9  }
0xc9: {  	v30 =	vadd.s32 s6, v4;
	v9 =	vand.u32 $0xFFFFFF80, v9;
	v29 =	vand.u32 $0x7F, v7  }
0xca: {  	v32 =	vadd.s32 s5, v2;
	v33 =	vadd.s32 s5, v4;
	v31 =	vand.u32 $0x7F, v8  }
0xcb: {  	v34 =	vand.u32 $0x7F, v10;
	v7 =	vand.u32 $0xFFFFFF80, v7;
	v8 =	vand.u32 $0xFFFFFF80, v8  }
0xcc: {  	v36 =	vand.u32 $0x7F, v12;
	v35 =	vand.u32 $0x7F, v11;
	v10 =	vand.u32 $0xFFFFFF80, v10  }
0xcd: {  	v37 =	vand.u32 $0x7F, v13;
	v12 =	vand.u32 $0xFFFFFF80, v12;
	v11 =	vand.u32 $0xFFFFFF80, v11  }
0xce: {  	v13 =	vand.u32 $0xFFFFFF80, v13;
	v38 =	vand.u32 $0x7F, v14;
	v39 =	vand.u32 $0x7F, v15  }
0xcf: {  	v40 =	vand.u32 $0x7F, v16;
	v14 =	vand.u32 $0xFFFFFF80, v14;
	v15 =	vand.u32 $0xFFFFFF80, v15  }
0xd0: {  	v42 =	vand.u32 $0x7F, v18;
	v16 =	vand.u32 $0xFFFFFF80, v16;
	v41 =	vand.u32 $0x7F, v17  }
0xd1: {  	v43 =	vand.u32 $0x7F, v19;
	v18 =	vand.u32 $0xFFFFFF80, v18;
	v17 =	vand.u32 $0xFFFFFF80, v17  }
0xd2: {  	v19 =	vand.u32 $0xFFFFFF80, v19;
	v45 =	vand.u32 $0x7F, v21;
	v44 =	vand.u32 $0x7F, v20  }
0xd3: {  	v21 =	vand.u32 $0xFFFFFF80, v21;
	v46 =	vand.u32 $0x7F, v22;
	v20 =	vand.u32 $0xFFFFFF80, v20  }
0xd4: {  	v47 =	vand.u32 $0x7F, v23;
	v22 =	vand.u32 $0xFFFFFF80, v22;
	v48 =	vand.u32 $0x7F, v24  }
0xd5: {  	v23 =	vand.u32 $0xFFFFFF80, v23;
	v24 =	vand.u32 $0xFFFFFF80, v24;
	v49 =	vand.u32 $0x7F, v25  }
0xd6: {  	v51 =	vand.u32 $0x7F, v28;
	v50 =	vand.u32 $0x7F, v27;
	v25 =	vand.u32 $0xFFFFFF80, v25  }
0xd7: {  	v52 =	vand.u32 $0x7F, v30;
	v27 =	vand.u32 $0xFFFFFF80, v27;
	v9 =	vadd.s32 v5, v9  }
0xd8: {  	v9 =	vor.u32 v26, v9;
	v26 =	vand.u32 $0xFFFFFF80, v28;
	v7 =	vadd.s32 v5, v7  }
0xd9: {  	v28 =	vand.u32 $0xFFFFFF80, v30;
	v8 =	vadd.s32 v5, v8;
	v7 =	vor.u32 v29, v7  }
0xda: {  	v10 =	vadd.s32 v5, v10;
	v8 =	vor.u32 v31, v8;
	v29 =	vand.u32 $0x7F, v32  }
0xdb: {  	v11 =	vadd.s32 v5, v11;
	v10 =	vor.u32 v34, v10;
	v30 =	vand.u32 $0x7F, v33  }
0xdc: {  	v12 =	vadd.s32 v5, v12;
	v11 =	vor.u32 v35, v11;
	v31 =	vand.u32 $0xFFFFFF80, v32  }
0xdd: {  	v33 =	vand.u32 $0xFFFFFF80, v33;
	v32 =	vld.idx.msk [tilespmem:v9+s21+$0x0], $0xffff;
	v9 =	vor.u32 v36, v12;
	v12 =	vadd.s32 v5, v13  }
0xde: {  	v13 =	vadd.s32 v5, v15;
	v35 =	vld.idx.msk [tilespmem:v7+s17+$0x0], $0xffff;
	v7 =	vadd.s32 v5, v14;
	v12 =	vor.u32 v37, v12  }
0xdf: {  	v15 =	vadd.s32 v5, v17;
	v14 =	vld.idx.msk [tilespmem:v8+s19+$0x0], $0xffff;
	v17 =	vor.u32 v38, v7;
	v8 =	vadd.s32 v5, v16  }
0xe0: {  	v13 =	vor.u32 v39, v13;
	v16 =	vadd.s32 v5, v18;
	v18 =	vadd.s32 v5, v19;
	v7 =	vld.idx.msk [tilespmem:v10+s21+$0x0], $0xffff  }
0xe1: {  	v19 =	vadd.s32 v5, v21;
	v10 =	vadd.s32 v5, v20;
	v20 =	vor.u32 v40, v8;
	v8 =	vld.idx.msk [tilespmem:v11+s21+$0x0], $0xffff  }
0xe2: {  	v21 =	vadd.s32 v5, v22;
	v16 =	vor.u32 v42, v16;
	v11 =	vadd.s32 v5, v23;
	v36 =	vld.idx.msk [tilespmem:v9+s17+$0x0], $0xffff  }
0xe3: {  	v23 =	vadd.s32 v5, v24;
	v24 =	vadd.s32 v5, v25;
	v25 =	vor.u32 v43, v18;
	v39 =	vld.idx.msk [tilespmem:v12+s19+$0x0], $0xffff  }
0xe4: {  	v27 =	vadd.s32 v5, v27;
	v26 =	vadd.s32 v5, v26;
	v37 =	vor.u32 v45, v19;
	v9 =	vld.idx.msk [tilespmem:v17+s21+$0x0], $0xffff  }
0xe5: {  	v19 =	vadd.s32 v5, v31;
	v31 =	vadd.s32 v5, v28;
	v38 =	vor.u32 v46, v21;
	v22 =	vld.idx.msk [tilespmem:v13+s17+$0x0], $0xffff  }
0xe6: {  	v33 =	vadd.s32 v5, v33;
	v40 =	vor.u32 v48, v23;
	v17 =	vor.u32 v41, v15;
	v21 =	vld.idx.msk [tilespmem:v20+s19+$0x0], $0xffff  }
0xe7: {  	v18 =	vor.u32 v44, v10;
	v12 =	vor.u32 v47, v11;
	v41 =	vor.u32 v49, v24;
	v28 =	vld.idx.msk [tilespmem:v16+s17+$0x0], $0xffff  }
0xe8: {  	v34 =	vor.u32 v52, v31;
	v13 =	vor.u32 v50, v27;
	v16 =	vor.u32 v51, v26;
	v27 =	vld.idx.msk [tilespmem:v25+s19+$0x0], $0xffff  }
.Ltmp0:
0xe9: {  	v10 =	vshll.u32 v32, $0x10;
	v26 =	vor.u32 v29, v19;
	v19 =	vor.u32 v30, v33;
	v31 =	vld.idx.msk [tilespmem:v37+s17+$0x0], $0xffff;
	(pc) =	sbr.rel @p0 .LBB2_3-.Ltmp0, $4  }
0xea: {  	v23 =	vshll.u32 v35, $0x10;
	v11 =	vand.u32 $0xFFFF0000, v32;
	v20 =	vand.u32 $0xFFFF0000, v35;
	v35 =	vld.idx.msk [tilespmem:v38+s19+$0x0], $0xffff  }
0xeb: {  	v24 =	vand.u32 $0xFFFF0000, v14;
	v15 =	vshll.u32 v7, $0x10;
	v29 =	vshll.u32 v14, $0x10;
	v37 =	vld.idx.msk [tilespmem:v40+s17+$0x0], $0xffff  }
0xec: {  	v14 =	vshll.u32 v8, $0x10;
	v30 =	vshll.u32 v36, $0x10;
	v25 =	vand.u32 $0xFFFF0000, v36;
	v33 =	vld.idx.msk [tilespmem:v41+s19+$0x0], $0xffff  }
0xed: {  	s1 =	sadd.s32 $0x8, s1;
	v32 =	vand.u32 $0xFFFF0000, v39;
	v38 =	vshll.u32 v39, $0x10;
	v36 =	vld.idx.msk [tilespmem:v16+s17+$0x0], $0xffff;
	v16 =	vshll.u32 v9, $0x10  }
0xee: {  	v2 =	vshll.u32 v22, $0x10;
	v3 =	vand.u32 $0xFFFF0000, v22;
	v4 =	vshll.u32 v21, $0x10  }
0xef: {  	v5 =	vshll.u32 v28, $0x10;
	v52 =	vand.u32 $0xFFFF0000, v28;
	v53 =	vand.u32 $0xFFFF0000, v21  }
0xf0: {  	v55 =	vshll.u32 v31, $0x10;
	v39 =	vshll.u32 v27, $0x10;
	v23 =	vadd.f32 v29, v23  }
0xf1: {  	v56 =	vand.u32 $0xFFFF0000, v27;
	v20 =	vadd.f32 v24, v20;
	v30 =	vadd.f32 v38, v30  }
0xf2: {  	v57 =	vand.u32 $0xFFFF0000, v31;
	v2 =	vadd.f32 v4, v2;
	v4 =	vadd.f32 v32, v25  }
0xf3: {  	v40 =	vshll.u32 v35, $0x10;
	v5 =	vadd.f32 v39, v5;
	v3 =	vadd.f32 v53, v3  }
0xf4: {  	v54 =	vld.idx.msk [tilespmem:v34+s19+$0x0], $0xffff;
	v58 =	vand.u32 $0xFFFF0000, v35;
	v22 =	vadd.f32 v56, v52;
	v44 =	vadd.f32 v40, v55  }
0xf5: {  	v26 =	vld.idx.msk [tilespmem:v26+s17+$0x0], $0xffff;
	v41 =	vshll.u32 v37, $0x10;
	v31 =	vadd.f32 v58, v57;
	v10 =	vsub.f32 v23, v10  }
0xf6: {  	v19 =	vld.idx.msk [tilespmem:v19+s19+$0x0], $0xffff;
	v59 =	vand.u32 $0xFFFF0000, v37;
	v11 =	vsub.f32 v20, v11;
	v15 =	vsub.f32 v30, v15  }
0xf7: {  	v17 =	vld.idx.msk [tilespmem:v17+s21+$0x0], $0xffff;
	v42 =	vshll.u32 v33, $0x10;
	v61 =	vand.u32 $0xFFFF0000, v33;
	v5 =	vsub.f32 v5, v16  }
0xf8: {  	v18 =	vld.idx.msk [tilespmem:v18+s21+$0x0], $0xffff;
	v2 =	vsub.f32 v2, v14;
	v60 =	vshll.u32 v36, $0x10;
	v62 =	vand.u32 $0xFFFF0000, v36  }
0xf9: {  	v13 =	vld.idx.msk [tilespmem:v13+s21+$0x0], $0xffff;
	v45 =	vadd.f32 v42, v41;
	v33 =	vadd.f32 v61, v59;
	v10 =	vand.u32 $0x7FFFFFFF, v10  }
0xfa: {  	v11 =	vand.u32 $0x7FFFFFFF, v11;
	v63 =	vshll.u32 v54, $0x10;
	v38 =	vand.u32 $0xFFFF0000, v54  }
0xfb: {  	v12 =	vld.idx.msk [tilespmem:v12+s21+$0x0], $0xffff;
	v43 =	vshll.u32 v26, $0x10;
	v26 =	vand.u32 $0xFFFF0000, v26;
	v46 =	vshll.u32 v19, $0x10  }
0xfc: {  	v19 =	vand.u32 $0xFFFF0000, v19;
	v47 =	vshll.u32 v17, $0x10;
	v1 =	vadd.f32 v10, v1  }
0xfd: {  	v48 =	vshll.u32 v18, $0x10;
	v6 =	vadd.f32 v11, v6;
	v29 =	vadd.f32 v63, v60  }
0xfe: {  	v50 =	vshll.u32 v13, $0x10;
	v21 =	vadd.f32 v46, v43;
	v19 =	vadd.f32 v19, v26  }
0xff: {  	v13 =	vand.u32 $0xFFFF0000, v13;
	v24 =	vadd.f32 v38, v62;
	v51 =	vsub.f32 v45, v48  }
0x100: {  	v49 =	vshll.u32 v12, $0x10;
	v14 =	vsub.f32 v21, v50;
	v13 =	vsub.f32 v19, v13  }
0x101: {  	v54 =	vand.u32 $0xFFFF0000, v12;
	v52 =	vsub.f32 v44, v47;
	v53 =	vsub.f32 v29, v49  }
0x102: {  	v10 =	vsub.f32 v24, v54;
	v55 =	vand.u32 $0x7FFFFFFF, v14;
	v56 =	vand.u32 $0x7FFFFFFF, v13  }
0x103: {  	v57 =	vand.u32 $0xFFFF0000, v18;
	v1 =	vadd.f32 v55, v1;
	v6 =	vadd.f32 v56, v6  }
0x104: {  	v11 =	vsub.f32 v33, v57;
	v58 =	vand.u32 $0x7FFFFFFF, v53;
	v10 =	vand.u32 $0x7FFFFFFF, v10  }
0x105: {  	v59 =	vand.u32 $0xFFFF0000, v17;
	v1 =	vadd.f32 v58, v1;
	v6 =	vadd.f32 v10, v6  }
0x106: {  	v60 =	vand.u32 $0x7FFFFFFF, v51;
	v11 =	vand.u32 $0x7FFFFFFF, v11;
	v10 =	vsub.f32 v31, v59  }
0x107: {  	v9 =	vand.u32 $0xFFFF0000, v9;
	v1 =	vadd.f32 v60, v1;
	v6 =	vadd.f32 v11, v6  }
0x108: {  	v9 =	vsub.f32 v22, v9;
	v61 =	vand.u32 $0x7FFFFFFF, v52;
	v10 =	vand.u32 $0x7FFFFFFF, v10  }
0x109: {  	v8 =	vand.u32 $0xFFFF0000, v8;
	v1 =	vadd.f32 v61, v1;
	v6 =	vadd.f32 v10, v6  }
0x10a: {  	v3 =	vsub.f32 v3, v8;
	v5 =	vand.u32 $0x7FFFFFFF, v5;
	v9 =	vand.u32 $0x7FFFFFFF, v9  }
0x10b: {  	v63 =	vand.u32 $0xFFFF0000, v7;
	v1 =	vadd.f32 v5, v1;
	v62 =	vadd.f32 v9, v6  }
0x10c: {  	v2 =	vand.u32 $0x7FFFFFFF, v2;
	v3 =	vand.u32 $0x7FFFFFFF, v3;
	v4 =	vsub.f32 v4, v63  }
0x10d: {  	s25 =	sadd.s32 $0x1, s25;
	v1 =	vadd.f32 v2, v1;
	v2 =	vadd.f32 v3, v62  }
0x10e: {  	p0 =	sne.s32 s25, $0x8;
	v4 =	vand.u32 $0x7FFFFFFF, v4;
	v3 =	vand.u32 $0x7FFFFFFF, v15  }
.Ltmp1:
0x10f: {  	v1 =	vadd.f32 v3, v1;
	v2 =	vadd.f32 v4, v2;
	(pc) =	sbr.rel @p0 .LBB2_2-.Ltmp1, $3  }
0x110: {  	_ = 	snop  }
0x111: {  	v1 =	vadd.f32 v2, v1;
	_ =	sdelay $0x1  }
0x112: {  	[tilespmem:s28+$0x18B00] =	vst v1  }
0x113: {  	s25 =	simm.s32 $0x0;
	s1 =	rddreg [dreg:$0x5];
	s5 =	simm.s32 $0x18B00  }
0x114: {  	[hbm4b:s1+s25] =	stream.linear.scatter [tilespmem:s5], [sflag:$0x7], $0x80, $0x38;
	[tilespmem:$0x18C00] =	vst v63  }
0x115: {  	_ =	swait.ge [sflag:s14], $0x80  }
0x116: {  	[sflag:s14] =	ssyncset.done $0x0  }
0x117: {  	[sflag:s14] =	ssyncadd.s32 $0xFFFFFF80  }
0x118: {  	[tilespmem:s25], [sflag:$0x7] =	stream.linear.gather [hbm4b:s8+s25], $0x400, $0x38;
	[tilespmem:$0x18C00] =	vst v63  }
0x119: {  	_ =	swait.ge [sflag:s14], $0x400  }
0x11a: {  	[sflag:s14] =	ssyncset.done $0x0  }
0x11b: {  	[sflag:s14] =	ssyncadd.s32 $0xFFFFFC00  }
0x11c: {  	v1 =	vld [tilespmem:$0x0]  }
0x11d: {  	v2 =	vld [tilespmem:$0x80]  }
0x11e: {  	v3 =	vld [tilespmem:$0x100]  }
0x11f: {  	v4 =	vld [tilespmem:$0x10]  }
0x120: {  	v5 =	vld [tilespmem:$0x90]  }
0x121: {  	v57 =	vld [tilespmem:$0x120];
	[tilespmem:$0x800] =	vst v1  }
0x122: {  	v1 =	vld [tilespmem:$0x110];
	[tilespmem:$0x900] =	vst v2  }
0x123: {  	v2 =	vld [tilespmem:$0x20];
	[tilespmem:$0xA00] =	vst v3  }
0x124: {  	v3 =	vld [tilespmem:$0xA0];
	[tilespmem:$0x810] =	vst v4  }
0x125: {  	v58 =	vld [tilespmem:$0x30];
	[tilespmem:$0x910] =	vst v5  }
0x126: {  	v59 =	vld [tilespmem:$0xC0];
	[tilespmem:$0xA20] =	vst v57  }
0x127: {  	[tilespmem:$0xA10] =	vst v1;
	v1 =	vld [tilespmem:$0xB0]  }
0x128: {  	[tilespmem:$0x820] =	vst v2;
	v2 =	vld [tilespmem:$0x130]  }
0x129: {  	[tilespmem:$0x920] =	vst v3;
	v3 =	vld [tilespmem:$0x40]  }
0x12a: {  	v60 =	vld [tilespmem:$0x140];
	[tilespmem:$0x830] =	vst v58  }
0x12b: {  	v61 =	vld [tilespmem:$0x60];
	[tilespmem:$0x940] =	vst v59  }
0x12c: {  	[tilespmem:$0x930] =	vst v1;
	v1 =	vld [tilespmem:$0x50]  }
0x12d: {  	[tilespmem:$0xA30] =	vst v2;
	v2 =	vld [tilespmem:$0xD0]  }
0x12e: {  	[tilespmem:$0x840] =	vst v3;
	v3 =	vld [tilespmem:$0x150]  }
0x12f: {  	v62 =	vld [tilespmem:$0xE0];
	[tilespmem:$0xA40] =	vst v60  }
0x130: {  	v63 =	vld [tilespmem:$0x170];
	[tilespmem:$0x860] =	vst v61  }
0x131: {  	[tilespmem:$0x850] =	vst v1;
	v1 =	vld [tilespmem:$0x160]  }
0x132: {  	[tilespmem:$0x950] =	vst v2;
	v2 =	vld [tilespmem:$0x70]  }
0x133: {  	[tilespmem:$0xA50] =	vst v3;
	v3 =	vld [tilespmem:$0xF0]  }
0x134: {  	[tilespmem:$0x960] =	vst v62  }
0x135: {  	[tilespmem:$0xA70] =	vst v63  }
0x136: {  	[tilespmem:$0xA60] =	vst v1  }
0x137: {  	[tilespmem:$0x870] =	vst v2  }
0x138: {  	[tilespmem:$0x970] =	vst v3  }
0x139: {  	[tilespmem:s17], [sflag:$0x1] =	stream.indirect.gather [hbm4b:s3+s15], $0x80, s7, s15, $0xb8;
	[tilespmem:$0x18C00] =	vst v63  }
0x13a: {  	s7 =	simm.s32 $0x900  }
0x13b: {  	[tilespmem:s19], [sflag:$0x3] =	stream.indirect.gather [hbm4b:s4+s15], $0x80, s7, s15, $0xb8;
	[tilespmem:$0x18C00] =	vst v63  }
0x13c: {  	s22 =	simm.s32 $0xA00  }
0x13d: {  	[tilespmem:s21], [sflag:$0x5] =	stream.indirect.gather [hbm4b:s3+s15], $0x80, s22, s15, $0xb8;
	[tilespmem:$0x18C00] =	vst v63  }
0x13e: {  	_ =	swait.ge [sflag:s16], $0x4000  }
0x13f: {  	[sflag:s16] =	ssyncset.done $0x0  }
0x140: {  	[sflag:s16] =	ssyncadd.s32 $0xFFFFC000  }
0x141: {  	_ =	swait.ge [sflag:s18], $0x4000  }
0x142: {  	[sflag:s18] =	ssyncset.done $0x0  }
0x143: {  	[sflag:s18] =	ssyncadd.s32 $0xFFFFC000  }
0x144: {  	_ =	swait.ge [sflag:s20], $0x4000  }
0x145: {  	[sflag:s20] =	ssyncset.done $0x0  }
0x146: {  	s28 =	simm.s32 $0x0;
	[sflag:s20] =	ssyncadd.s32 $0xFFFFC000  }
.LBB2_6:
0x147: {  	s1 =	sshll.u32 s28, $0x4  }
0x148: {  	v2 =	vld [tilespmem:s1+$0x580]  }
0x149: {  	v3 =	vld [tilespmem:s1+$0x680]  }
0x14a: {  	v4 =	vld [tilespmem:s1+$0x600]  }
0x14b: {  	v1 =	vmov s1  }
0x14c: {  	v1 =	vshll.u32 v1, $0x7  }
0x14d: {  	v5 =	vor.u32 v0, v1  }
0x14e: {  	s5 =	simm.s32 $0x7;
	s6 =	simm.s32 $0x6;
	v1 =	vimm.f32 $0.0e+00;
	v6 =	vadd.s32 s25, v3;
	v7 =	vadd.s32 s25, v2  }
0x14f: {  	s22 =	simm.s32 $0x5;
	v8 =	vadd.s32 s25, v4;
	v9 =	vadd.s32 s5, v3;
	v10 =	vadd.s32 s6, v3  }
0x150: {  	s7 =	simm.s32 $0x4;
	v11 =	vadd.s32 s5, v2;
	v12 =	vadd.s32 s5, v4;
	v13 =	vadd.s32 s22, v3  }
0x151: {  	v14 =	vadd.s32 s6, v2;
	v15 =	vadd.s32 s6, v4;
	v16 =	vadd.s32 s7, v3  }
0x152: {  	s6 =	simm.s32 $0x3;
	v17 =	vadd.s32 s22, v2;
	v18 =	vadd.s32 s22, v4;
	s22 =	simm.s32 $0x2;
	v20 =	vadd.s32 s7, v2  }
0x153: {  	v21 =	vadd.s32 s7, v4;
	v19 =	vadd.s32 s6, v3;
	v22 =	vadd.s32 s22, v3  }
0x154: {  	s7 =	simm.s32 $0x1;
	v23 =	vadd.s32 s6, v2;
	v24 =	vadd.s32 s6, v4;
	v25 =	vand.u32 $0x7F, v6  }
0x155: {  	v26 =	vadd.s32 s7, v3;
	v27 =	vadd.s32 s22, v2;
	v28 =	vand.u32 $0x7F, v7  }
0x156: {  	v6 =	vand.u32 $0xFFFFFF80, v6;
	v29 =	vadd.s32 s22, v4;
	v30 =	vand.u32 $0x7F, v8  }
0x157: {  	v31 =	vadd.s32 s7, v2;
	v32 =	vadd.s32 s7, v4;
	v7 =	vand.u32 $0xFFFFFF80, v7  }
0x158: {  	v8 =	vand.u32 $0xFFFFFF80, v8;
	v33 =	vand.u32 $0x7F, v9;
	v34 =	vand.u32 $0x7F, v10  }
0x159: {  	v35 =	vand.u32 $0x7F, v11;
	v9 =	vand.u32 $0xFFFFFF80, v9;
	v10 =	vand.u32 $0xFFFFFF80, v10  }
0x15a: {  	v11 =	vand.u32 $0xFFFFFF80, v11;
	v36 =	vand.u32 $0x7F, v12;
	v37 =	vand.u32 $0x7F, v13  }
0x15b: {  	v38 =	vand.u32 $0x7F, v14;
	v12 =	vand.u32 $0xFFFFFF80, v12;
	v13 =	vand.u32 $0xFFFFFF80, v13  }
0x15c: {  	v14 =	vand.u32 $0xFFFFFF80, v14;
	v39 =	vand.u32 $0x7F, v15;
	v40 =	vand.u32 $0x7F, v16  }
0x15d: {  	v41 =	vand.u32 $0x7F, v17;
	v15 =	vand.u32 $0xFFFFFF80, v15;
	v16 =	vand.u32 $0xFFFFFF80, v16  }
0x15e: {  	v17 =	vand.u32 $0xFFFFFF80, v17;
	v42 =	vand.u32 $0x7F, v18;
	v44 =	vand.u32 $0x7F, v20  }
0x15f: {  	v18 =	vand.u32 $0xFFFFFF80, v18;
	v20 =	vand.u32 $0xFFFFFF80, v20;
	v45 =	vand.u32 $0x7F, v21  }
0x160: {  	v21 =	vand.u32 $0xFFFFFF80, v21;
	v43 =	vand.u32 $0x7F, v19;
	v19 =	vand.u32 $0xFFFFFF80, v19  }
0x161: {  	v46 =	vand.u32 $0x7F, v22;
	v47 =	vand.u32 $0x7F, v23;
	v22 =	vand.u32 $0xFFFFFF80, v22  }
0x162: {  	v23 =	vand.u32 $0xFFFFFF80, v23;
	v48 =	vand.u32 $0x7F, v24;
	v49 =	vand.u32 $0x7F, v26  }
0x163: {  	v50 =	vand.u32 $0x7F, v27;
	v24 =	vand.u32 $0xFFFFFF80, v24;
	v6 =	vadd.s32 v5, v6  }
0x164: {  	v26 =	vand.u32 $0xFFFFFF80, v26;
	v51 =	vand.u32 $0x7F, v29;
	v7 =	vadd.s32 v5, v7  }
0x165: {  	v8 =	vadd.s32 v5, v8;
	v9 =	vadd.s32 v5, v9;
	v6 =	vor.u32 v25, v6  }
0x166: {  	v10 =	vadd.s32 v5, v10;
	v11 =	vadd.s32 v5, v11;
	v7 =	vor.u32 v28, v7  }
0x167: {  	v12 =	vadd.s32 v5, v12;
	v13 =	vadd.s32 v5, v13;
	v8 =	vor.u32 v30, v8  }
0x168: {  	v21 =	vadd.s32 v5, v21;
	v25 =	vand.u32 $0xFFFFFF80, v27;
	v11 =	vor.u32 v35, v11  }
0x169: {  	v27 =	vand.u32 $0xFFFFFF80, v29;
	v29 =	vand.u32 $0x7F, v31;
	v12 =	vor.u32 v36, v12  }
0x16a: {  	v30 =	vand.u32 $0x7F, v32;
	v9 =	vor.u32 v33, v9;
	v60 =	vor.u32 v45, v21;
	v6 =	vld.idx.msk [tilespmem:v6+s29+$0x0], $0xffff  }
0x16b: {  	v28 =	vand.u32 $0xFFFFFF80, v31;
	v10 =	vor.u32 v34, v10;
	v31 =	vand.u32 $0xFFFFFF80, v32;
	v55 =	vld.idx.msk [tilespmem:v7+s24+$0x0], $0xffff  }
0x16c: {  	v13 =	vor.u32 v37, v13;
	v7 =	vadd.s32 v5, v14;
	v14 =	vadd.s32 v5, v16;
	v16 =	vld.idx.msk [tilespmem:v8+s26+$0x0], $0xffff  }
0x16d: {  	v19 =	vadd.s32 v5, v19;
	v26 =	vadd.s32 v5, v26;
	v25 =	vadd.s32 v5, v25;
	v56 =	vld.idx.msk [tilespmem:v11+s24+$0x0], $0xffff  }
0x16e: {  	v59 =	vadd.s32 v5, v28;
	v63 =	vor.u32 v50, v25;
	v8 =	vadd.s32 v5, v15;
	v57 =	vld.idx.msk [tilespmem:v12+s26+$0x0], $0xffff  }
0x16f: {  	v15 =	vadd.s32 v5, v17;
	v17 =	vadd.s32 v5, v18;
	v35 =	vld.idx.msk [tilespmem:v60+s26+$0x0], $0xffff;
	v18 =	vor.u32 v38, v7  }
0x170: {  	v27 =	vadd.s32 v5, v27;
	v7 =	vld.idx.msk [tilespmem:v9+s29+$0x0], $0xffff;
	v9 =	vadd.s32 v5, v20;
	v20 =	vor.u32 v39, v8  }
0x171: {  	v31 =	vadd.s32 v5, v31;
	v11 =	vadd.s32 v5, v23;
	v8 =	vld.idx.msk [tilespmem:v10+s29+$0x0], $0xffff;
	v15 =	vor.u32 v41, v15  }
0x172: {  	v23 =	vadd.s32 v5, v24;
	v24 =	vor.u32 v42, v17;
	v58 =	vor.u32 v44, v9;
	v9 =	vld.idx.msk [tilespmem:v13+s29+$0x0], $0xffff  }
0x173: {  	v34 =	vor.u32 v51, v27;
	v10 =	vadd.s32 v5, v22;
	v61 =	vor.u32 v47, v11;
	v36 =	vld.idx.msk [tilespmem:v63+s24+$0x0], $0xffff  }
0x174: {  	v17 =	vor.u32 v40, v14;
	v62 =	vor.u32 v48, v23;
	v12 =	vor.u32 v46, v10;
	v22 =	vld.idx.msk [tilespmem:v18+s24+$0x0], $0xffff  }
0x175: {  	v13 =	vor.u32 v49, v26;
	v26 =	vor.u32 v29, v59;
	v10 =	vshll.u32 v6, $0x10;
	v21 =	vld.idx.msk [tilespmem:v20+s26+$0x0], $0xffff  }
0x176: {  	v23 =	vshll.u32 v55, $0x10;
	v11 =	vand.u32 $0xFFFF0000, v6;
	v29 =	vshll.u32 v16, $0x10;
	v28 =	vld.idx.msk [tilespmem:v15+s24+$0x0], $0xffff  }
0x177: {  	v25 =	vand.u32 $0xFFFF0000, v56;
	v38 =	vshll.u32 v57, $0x10;
	v32 =	vand.u32 $0xFFFF0000, v57;
	v27 =	vld.idx.msk [tilespmem:v24+s26+$0x0], $0xffff  }
0x178: {  	v6 =	vimm.f32 $0.0e+00;
	v18 =	vor.u32 v43, v19;
	v19 =	vor.u32 v30, v31;
	v31 =	vld.idx.msk [tilespmem:v58+s24+$0x0], $0xffff  }
0x179: {  	v20 =	vand.u32 $0xFFFF0000, v55;
	v24 =	vand.u32 $0xFFFF0000, v16;
	v37 =	vld.idx.msk [tilespmem:v61+s24+$0x0], $0xffff;
	v15 =	vshll.u32 v7, $0x10  }
0x17a: {  	s22 =	simm.s32 $0x8;
	v14 =	vshll.u32 v8, $0x10;
	v33 =	vld.idx.msk [tilespmem:v62+s26+$0x0], $0xffff;
	v30 =	vshll.u32 v56, $0x10;
	v16 =	vshll.u32 v9, $0x10  }
.LBB2_7:
0x17b: {  	p0 =	slt.u32 s22, $0x18;
	v39 =	vshll.u32 v22, $0x10;
	v22 =	vand.u32 $0xFFFF0000, v22;
	v40 =	vshll.u32 v21, $0x10  }
0x17c: {  	v41 =	vshll.u32 v28, $0x10;
	v28 =	vand.u32 $0xFFFF0000, v28;
	v21 =	vand.u32 $0xFFFF0000, v21;
	v34 =	vld.idx.msk [tilespmem:v34+s26+$0x0], $0xffff  }
0x17d: {  	v42 =	vshll.u32 v31, $0x10;
	v43 =	vshll.u32 v27, $0x10;
	v27 =	vand.u32 $0xFFFF0000, v27  }
0x17e: {  	v31 =	vand.u32 $0xFFFF0000, v31;
	v44 =	vshll.u32 v35, $0x10;
	v35 =	vand.u32 $0xFFFF0000, v35;
	v26 =	vld.idx.msk [tilespmem:v26+s24+$0x0], $0xffff  }
0x17f: {  	v45 =	vshll.u32 v37, $0x10;
	v37 =	vand.u32 $0xFFFF0000, v37;
	v46 =	vshll.u32 v33, $0x10  }
0x180: {  	v23 =	vadd.f32 v29, v23;
	v33 =	vand.u32 $0xFFFF0000, v33;
	v29 =	vshll.u32 v36, $0x10;
	v19 =	vld.idx.msk [tilespmem:v19+s26+$0x0], $0xffff  }
0x181: {  	v20 =	vadd.f32 v24, v20;
	v30 =	vadd.f32 v38, v30;
	v24 =	vand.u32 $0xFFFF0000, v36  }
0x182: {  	v25 =	vadd.f32 v32, v25;
	v38 =	vadd.f32 v40, v39;
	v36 =	vshll.u32 v34, $0x10;
	v17 =	vld.idx.msk [tilespmem:v17+s29+$0x0], $0xffff  }
0x183: {  	v21 =	vadd.f32 v21, v22;
	v32 =	vand.u32 $0xFFFF0000, v34;
	v34 =	vadd.f32 v43, v41;
	v18 =	vld.idx.msk [tilespmem:v18+s29+$0x0], $0xffff  }
0x184: {  	v27 =	vadd.f32 v27, v28;
	v39 =	vadd.f32 v44, v42;
	v22 =	vshll.u32 v26, $0x10;
	v12 =	vld.idx.msk [tilespmem:v12+s29+$0x0], $0xffff  }
0x185: {  	v31 =	vadd.f32 v35, v31;
	v28 =	vadd.f32 v46, v45;
	v26 =	vand.u32 $0xFFFF0000, v26;
	v13 =	vld.idx.msk [tilespmem:v13+s29+$0x0], $0xffff  }
0x186: {  	v33 =	vadd.f32 v33, v37;
	v29 =	vadd.f32 v36, v29;
	v35 =	vshll.u32 v19, $0x10  }
0x187: {  	v24 =	vadd.f32 v32, v24;
	v19 =	vand.u32 $0xFFFF0000, v19;
	v22 =	vadd.f32 v35, v22  }
0x188: {  	v10 =	vsub.f32 v23, v10;
	v19 =	vadd.f32 v19, v26;
	v23 =	vshll.u32 v17, $0x10  }
0x189: {  	v11 =	vsub.f32 v20, v11;
	v15 =	vsub.f32 v30, v15;
	v20 =	vshll.u32 v18, $0x10  }
0x18a: {  	v14 =	vsub.f32 v38, v14;
	v16 =	vsub.f32 v34, v16;
	v26 =	vshll.u32 v12, $0x10  }
0x18b: {  	v23 =	vsub.f32 v39, v23;
	v20 =	vsub.f32 v28, v20;
	v30 =	vshll.u32 v13, $0x10  }
0x18c: {  	v13 =	vand.u32 $0xFFFF0000, v13;
	v26 =	vsub.f32 v29, v26;
	v22 =	vsub.f32 v22, v30  }
0x18d: {  	v10 =	vand.u32 $0x7FFFFFFF, v10;
	v11 =	vand.u32 $0x7FFFFFFF, v11;
	v13 =	vsub.f32 v19, v13  }
0x18e: {  	v1 =	vadd.f32 v10, v1;
	v6 =	vadd.f32 v11, v6;
	v10 =	vand.u32 $0xFFFF0000, v12  }
0x18f: {  	v10 =	vsub.f32 v24, v10;
	v11 =	vand.u32 $0x7FFFFFFF, v22;
	v12 =	vand.u32 $0x7FFFFFFF, v13  }
0x190: {  	v1 =	vadd.f32 v11, v1;
	v6 =	vadd.f32 v12, v6;
	v11 =	vand.u32 $0xFFFF0000, v18  }
0x191: {  	v10 =	vand.u32 $0x7FFFFFFF, v10;
	v12 =	vand.u32 $0x7FFFFFFF, v26;
	v11 =	vsub.f32 v33, v11  }
0x192: {  	v1 =	vadd.f32 v12, v1;
	v6 =	vadd.f32 v10, v6;
	v10 =	vand.u32 $0xFFFF0000, v17  }
0x193: {  	v12 =	vand.u32 $0x7FFFFFFF, v20;
	v11 =	vand.u32 $0x7FFFFFFF, v11;
	v10 =	vsub.f32 v31, v10  }
0x194: {  	v9 =	vand.u32 $0xFFFF0000, v9;
	v1 =	vadd.f32 v12, v1;
	v6 =	vadd.f32 v11, v6  }
0x195: {  	v9 =	vsub.f32 v27, v9;
	v11 =	vand.u32 $0x7FFFFFFF, v23;
	v10 =	vand.u32 $0x7FFFFFFF, v10  }
0x196: {  	v8 =	vand.u32 $0xFFFF0000, v8;
	v1 =	vadd.f32 v11, v1;
	v6 =	vadd.f32 v10, v6  }
0x197: {  	v8 =	vsub.f32 v21, v8;
	v9 =	vand.u32 $0x7FFFFFFF, v9;
	v10 =	vand.u32 $0x7FFFFFFF, v16  }
0x198: {  	v7 =	vand.u32 $0xFFFF0000, v7;
	v1 =	vadd.f32 v10, v1;
	v6 =	vadd.f32 v9, v6  }
0x199: {  	v7 =	vsub.f32 v25, v7;
	v8 =	vand.u32 $0x7FFFFFFF, v8;
	v9 =	vand.u32 $0x7FFFFFFF, v14  }
0x19a: {  	v1 =	vadd.f32 v9, v1;
	v6 =	vadd.f32 v8, v6  }
0x19b: {  	v7 =	vand.u32 $0x7FFFFFFF, v7;
	v8 =	vand.u32 $0x7FFFFFFF, v15  }
0x19c: {  	s5 =	sadd.s32 $0x7, s22;
	v9 =	vadd.s32 s22, v3;
	v1 =	vadd.f32 v8, v1;
	v6 =	vadd.f32 v7, v6  }
0x19d: {  	s6 =	sadd.s32 $0x6, s22;
	v10 =	vadd.s32 s5, v3;
	v7 =	vadd.s32 s22, v2;
	v8 =	vadd.s32 s22, v4  }
0x19e: {  	s7 =	sadd.s32 $0x5, s22;
	v13 =	vadd.s32 s5, v4;
	v12 =	vadd.s32 s5, v2;
	v11 =	vadd.s32 s6, v3  }
0x19f: {  	v16 =	vadd.s32 s6, v4;
	s5 =	sadd.s32 $0x4, s22;
	v14 =	vadd.s32 s7, v3;
	v15 =	vadd.s32 s6, v2  }
0x1a0: {  	v19 =	vadd.s32 s7, v4;
	v18 =	vadd.s32 s7, v2;
	v17 =	vadd.s32 s5, v3;
	s6 =	sadd.s32 $0x3, s22  }
0x1a1: {  	s7 =	sadd.s32 $0x2, s22;
	v21 =	vadd.s32 s5, v2;
	v22 =	vadd.s32 s5, v4;
	v20 =	vadd.s32 s6, v3  }
0x1a2: {  	s5 =	sadd.s32 $0x1, s22;
	v23 =	vadd.s32 s7, v3;
	v24 =	vadd.s32 s6, v2;
	v25 =	vadd.s32 s6, v4  }
0x1a3: {  	v28 =	vadd.s32 s7, v2;
	v27 =	vadd.s32 s5, v3;
	v26 =	vand.u32 $0x7F, v9  }
0x1a4: {  	v30 =	vadd.s32 s7, v4;
	v9 =	vand.u32 $0xFFFFFF80, v9;
	v29 =	vand.u32 $0x7F, v7  }
0x1a5: {  	v32 =	vadd.s32 s5, v2;
	v33 =	vadd.s32 s5, v4;
	v31 =	vand.u32 $0x7F, v8  }
0x1a6: {  	v34 =	vand.u32 $0x7F, v10;
	v7 =	vand.u32 $0xFFFFFF80, v7;
	v8 =	vand.u32 $0xFFFFFF80, v8  }
0x1a7: {  	v36 =	vand.u32 $0x7F, v12;
	v35 =	vand.u32 $0x7F, v11;
	v10 =	vand.u32 $0xFFFFFF80, v10  }
0x1a8: {  	v37 =	vand.u32 $0x7F, v13;
	v12 =	vand.u32 $0xFFFFFF80, v12;
	v11 =	vand.u32 $0xFFFFFF80, v11  }
0x1a9: {  	v13 =	vand.u32 $0xFFFFFF80, v13;
	v38 =	vand.u32 $0x7F, v14;
	v39 =	vand.u32 $0x7F, v15  }
0x1aa: {  	v40 =	vand.u32 $0x7F, v16;
	v14 =	vand.u32 $0xFFFFFF80, v14;
	v15 =	vand.u32 $0xFFFFFF80, v15  }
0x1ab: {  	v42 =	vand.u32 $0x7F, v18;
	v16 =	vand.u32 $0xFFFFFF80, v16;
	v41 =	vand.u32 $0x7F, v17  }
0x1ac: {  	v43 =	vand.u32 $0x7F, v19;
	v18 =	vand.u32 $0xFFFFFF80, v18;
	v17 =	vand.u32 $0xFFFFFF80, v17  }
0x1ad: {  	v19 =	vand.u32 $0xFFFFFF80, v19;
	v45 =	vand.u32 $0x7F, v21;
	v44 =	vand.u32 $0x7F, v20  }
0x1ae: {  	v21 =	vand.u32 $0xFFFFFF80, v21;
	v46 =	vand.u32 $0x7F, v22;
	v20 =	vand.u32 $0xFFFFFF80, v20  }
0x1af: {  	v47 =	vand.u32 $0x7F, v23;
	v22 =	vand.u32 $0xFFFFFF80, v22;
	v48 =	vand.u32 $0x7F, v24  }
0x1b0: {  	v23 =	vand.u32 $0xFFFFFF80, v23;
	v24 =	vand.u32 $0xFFFFFF80, v24;
	v49 =	vand.u32 $0x7F, v25  }
0x1b1: {  	v51 =	vand.u32 $0x7F, v28;
	v50 =	vand.u32 $0x7F, v27;
	v25 =	vand.u32 $0xFFFFFF80, v25  }
0x1b2: {  	v52 =	vand.u32 $0x7F, v30;
	v27 =	vand.u32 $0xFFFFFF80, v27;
	v9 =	vadd.s32 v5, v9  }
0x1b3: {  	v9 =	vor.u32 v26, v9;
	v26 =	vand.u32 $0xFFFFFF80, v28;
	v7 =	vadd.s32 v5, v7  }
0x1b4: {  	v28 =	vand.u32 $0xFFFFFF80, v30;
	v8 =	vadd.s32 v5, v8;
	v7 =	vor.u32 v29, v7  }
0x1b5: {  	v10 =	vadd.s32 v5, v10;
	v8 =	vor.u32 v31, v8;
	v29 =	vand.u32 $0x7F, v32  }
0x1b6: {  	v11 =	vadd.s32 v5, v11;
	v10 =	vor.u32 v34, v10;
	v30 =	vand.u32 $0x7F, v33  }
0x1b7: {  	v12 =	vadd.s32 v5, v12;
	v11 =	vor.u32 v35, v11;
	v31 =	vand.u32 $0xFFFFFF80, v32  }
0x1b8: {  	v33 =	vand.u32 $0xFFFFFF80, v33;
	v32 =	vld.idx.msk [tilespmem:v9+s29+$0x0], $0xffff;
	v9 =	vor.u32 v36, v12;
	v12 =	vadd.s32 v5, v13  }
0x1b9: {  	v13 =	vadd.s32 v5, v15;
	v35 =	vld.idx.msk [tilespmem:v7+s24+$0x0], $0xffff;
	v7 =	vadd.s32 v5, v14;
	v12 =	vor.u32 v37, v12  }
0x1ba: {  	v15 =	vadd.s32 v5, v17;
	v14 =	vld.idx.msk [tilespmem:v8+s26+$0x0], $0xffff;
	v17 =	vor.u32 v38, v7;
	v8 =	vadd.s32 v5, v16  }
0x1bb: {  	v13 =	vor.u32 v39, v13;
	v16 =	vadd.s32 v5, v18;
	v18 =	vadd.s32 v5, v19;
	v7 =	vld.idx.msk [tilespmem:v10+s29+$0x0], $0xffff  }
0x1bc: {  	v19 =	vadd.s32 v5, v21;
	v10 =	vadd.s32 v5, v20;
	v20 =	vor.u32 v40, v8;
	v8 =	vld.idx.msk [tilespmem:v11+s29+$0x0], $0xffff  }
0x1bd: {  	v21 =	vadd.s32 v5, v22;
	v16 =	vor.u32 v42, v16;
	v11 =	vadd.s32 v5, v23;
	v36 =	vld.idx.msk [tilespmem:v9+s24+$0x0], $0xffff  }
0x1be: {  	v23 =	vadd.s32 v5, v24;
	v24 =	vadd.s32 v5, v25;
	v25 =	vor.u32 v43, v18;
	v39 =	vld.idx.msk [tilespmem:v12+s26+$0x0], $0xffff  }
0x1bf: {  	v27 =	vadd.s32 v5, v27;
	v26 =	vadd.s32 v5, v26;
	v37 =	vor.u32 v45, v19;
	v9 =	vld.idx.msk [tilespmem:v17+s29+$0x0], $0xffff  }
0x1c0: {  	v19 =	vadd.s32 v5, v31;
	v31 =	vadd.s32 v5, v28;
	v38 =	vor.u32 v46, v21;
	v22 =	vld.idx.msk [tilespmem:v13+s24+$0x0], $0xffff  }
0x1c1: {  	v33 =	vadd.s32 v5, v33;
	v40 =	vor.u32 v48, v23;
	v17 =	vor.u32 v41, v15;
	v21 =	vld.idx.msk [tilespmem:v20+s26+$0x0], $0xffff  }
0x1c2: {  	v18 =	vor.u32 v44, v10;
	v12 =	vor.u32 v47, v11;
	v41 =	vor.u32 v49, v24;
	v28 =	vld.idx.msk [tilespmem:v16+s24+$0x0], $0xffff  }
0x1c3: {  	v34 =	vor.u32 v52, v31;
	v13 =	vor.u32 v50, v27;
	v16 =	vor.u32 v51, v26;
	v27 =	vld.idx.msk [tilespmem:v25+s26+$0x0], $0xffff  }
.Ltmp2:
0x1c4: {  	v10 =	vshll.u32 v32, $0x10;
	v26 =	vor.u32 v29, v19;
	v19 =	vor.u32 v30, v33;
	v31 =	vld.idx.msk [tilespmem:v37+s24+$0x0], $0xffff;
	(pc) =	sbr.rel @p0 .LBB2_7-.Ltmp2, $4  }
0x1c5: {  	v23 =	vshll.u32 v35, $0x10;
	v11 =	vand.u32 $0xFFFF0000, v32;
	v20 =	vand.u32 $0xFFFF0000, v35;
	v35 =	vld.idx.msk [tilespmem:v38+s26+$0x0], $0xffff  }
0x1c6: {  	v24 =	vand.u32 $0xFFFF0000, v14;
	v15 =	vshll.u32 v7, $0x10;
	v29 =	vshll.u32 v14, $0x10;
	v37 =	vld.idx.msk [tilespmem:v40+s24+$0x0], $0xffff  }
0x1c7: {  	v14 =	vshll.u32 v8, $0x10;
	v30 =	vshll.u32 v36, $0x10;
	v25 =	vand.u32 $0xFFFF0000, v36;
	v33 =	vld.idx.msk [tilespmem:v41+s26+$0x0], $0xffff  }
0x1c8: {  	s22 =	sadd.s32 $0x8, s22;
	v32 =	vand.u32 $0xFFFF0000, v39;
	v38 =	vshll.u32 v39, $0x10;
	v36 =	vld.idx.msk [tilespmem:v16+s24+$0x0], $0xffff;
	v16 =	vshll.u32 v9, $0x10  }
0x1c9: {  	v2 =	vshll.u32 v22, $0x10;
	v3 =	vand.u32 $0xFFFF0000, v22;
	v4 =	vshll.u32 v21, $0x10  }
0x1ca: {  	v5 =	vshll.u32 v28, $0x10;
	v52 =	vand.u32 $0xFFFF0000, v28;
	v53 =	vand.u32 $0xFFFF0000, v21  }
0x1cb: {  	v55 =	vshll.u32 v31, $0x10;
	v39 =	vshll.u32 v27, $0x10;
	v23 =	vadd.f32 v29, v23  }
0x1cc: {  	v56 =	vand.u32 $0xFFFF0000, v27;
	v20 =	vadd.f32 v24, v20;
	v30 =	vadd.f32 v38, v30  }
0x1cd: {  	v57 =	vand.u32 $0xFFFF0000, v31;
	v2 =	vadd.f32 v4, v2;
	v4 =	vadd.f32 v32, v25  }
0x1ce: {  	v40 =	vshll.u32 v35, $0x10;
	v5 =	vadd.f32 v39, v5;
	v3 =	vadd.f32 v53, v3  }
0x1cf: {  	v54 =	vld.idx.msk [tilespmem:v34+s26+$0x0], $0xffff;
	v58 =	vand.u32 $0xFFFF0000, v35;
	v22 =	vadd.f32 v56, v52;
	v44 =	vadd.f32 v40, v55  }
0x1d0: {  	v26 =	vld.idx.msk [tilespmem:v26+s24+$0x0], $0xffff;
	v41 =	vshll.u32 v37, $0x10;
	v31 =	vadd.f32 v58, v57;
	v10 =	vsub.f32 v23, v10  }
0x1d1: {  	v19 =	vld.idx.msk [tilespmem:v19+s26+$0x0], $0xffff;
	v59 =	vand.u32 $0xFFFF0000, v37;
	v11 =	vsub.f32 v20, v11;
	v15 =	vsub.f32 v30, v15  }
0x1d2: {  	v17 =	vld.idx.msk [tilespmem:v17+s29+$0x0], $0xffff;
	v42 =	vshll.u32 v33, $0x10;
	v61 =	vand.u32 $0xFFFF0000, v33;
	v5 =	vsub.f32 v5, v16  }
0x1d3: {  	v18 =	vld.idx.msk [tilespmem:v18+s29+$0x0], $0xffff;
	v2 =	vsub.f32 v2, v14;
	v60 =	vshll.u32 v36, $0x10;
	v62 =	vand.u32 $0xFFFF0000, v36  }
0x1d4: {  	v13 =	vld.idx.msk [tilespmem:v13+s29+$0x0], $0xffff;
	v45 =	vadd.f32 v42, v41;
	v33 =	vadd.f32 v61, v59;
	v10 =	vand.u32 $0x7FFFFFFF, v10  }
0x1d5: {  	v11 =	vand.u32 $0x7FFFFFFF, v11;
	v63 =	vshll.u32 v54, $0x10;
	v38 =	vand.u32 $0xFFFF0000, v54  }
0x1d6: {  	v12 =	vld.idx.msk [tilespmem:v12+s29+$0x0], $0xffff;
	v43 =	vshll.u32 v26, $0x10;
	v26 =	vand.u32 $0xFFFF0000, v26;
	v46 =	vshll.u32 v19, $0x10  }
0x1d7: {  	v19 =	vand.u32 $0xFFFF0000, v19;
	v47 =	vshll.u32 v17, $0x10;
	v1 =	vadd.f32 v10, v1  }
0x1d8: {  	v48 =	vshll.u32 v18, $0x10;
	v6 =	vadd.f32 v11, v6;
	v29 =	vadd.f32 v63, v60  }
0x1d9: {  	v50 =	vshll.u32 v13, $0x10;
	v21 =	vadd.f32 v46, v43;
	v19 =	vadd.f32 v19, v26  }
0x1da: {  	v13 =	vand.u32 $0xFFFF0000, v13;
	v24 =	vadd.f32 v38, v62;
	v51 =	vsub.f32 v45, v48  }
0x1db: {  	v49 =	vshll.u32 v12, $0x10;
	v14 =	vsub.f32 v21, v50;
	v13 =	vsub.f32 v19, v13  }
0x1dc: {  	v54 =	vand.u32 $0xFFFF0000, v12;
	v52 =	vsub.f32 v44, v47;
	v53 =	vsub.f32 v29, v49  }
0x1dd: {  	v10 =	vsub.f32 v24, v54;
	v55 =	vand.u32 $0x7FFFFFFF, v14;
	v56 =	vand.u32 $0x7FFFFFFF, v13  }
0x1de: {  	v57 =	vand.u32 $0xFFFF0000, v18;
	v1 =	vadd.f32 v55, v1;
	v6 =	vadd.f32 v56, v6  }
0x1df: {  	v11 =	vsub.f32 v33, v57;
	v58 =	vand.u32 $0x7FFFFFFF, v53;
	v10 =	vand.u32 $0x7FFFFFFF, v10  }
0x1e0: {  	v59 =	vand.u32 $0xFFFF0000, v17;
	v1 =	vadd.f32 v58, v1;
	v6 =	vadd.f32 v10, v6  }
0x1e1: {  	v60 =	vand.u32 $0x7FFFFFFF, v51;
	v11 =	vand.u32 $0x7FFFFFFF, v11;
	v10 =	vsub.f32 v31, v59  }
0x1e2: {  	v9 =	vand.u32 $0xFFFF0000, v9;
	v1 =	vadd.f32 v60, v1;
	v6 =	vadd.f32 v11, v6  }
0x1e3: {  	v9 =	vsub.f32 v22, v9;
	v61 =	vand.u32 $0x7FFFFFFF, v52;
	v10 =	vand.u32 $0x7FFFFFFF, v10  }
0x1e4: {  	v8 =	vand.u32 $0xFFFF0000, v8;
	v1 =	vadd.f32 v61, v1;
	v6 =	vadd.f32 v10, v6  }
0x1e5: {  	v3 =	vsub.f32 v3, v8;
	v5 =	vand.u32 $0x7FFFFFFF, v5;
	v9 =	vand.u32 $0x7FFFFFFF, v9  }
0x1e6: {  	v63 =	vand.u32 $0xFFFF0000, v7;
	v1 =	vadd.f32 v5, v1;
	v62 =	vadd.f32 v9, v6  }
0x1e7: {  	v2 =	vand.u32 $0x7FFFFFFF, v2;
	v3 =	vand.u32 $0x7FFFFFFF, v3;
	v4 =	vsub.f32 v4, v63  }
0x1e8: {  	s28 =	sadd.s32 $0x1, s28;
	v1 =	vadd.f32 v2, v1;
	v2 =	vadd.f32 v3, v62  }
0x1e9: {  	p0 =	sne.s32 s28, $0x8;
	v4 =	vand.u32 $0x7FFFFFFF, v4;
	v3 =	vand.u32 $0x7FFFFFFF, v15  }
.Ltmp3:
0x1ea: {  	v1 =	vadd.f32 v3, v1;
	v2 =	vadd.f32 v4, v2;
	(pc) =	sbr.rel @p0 .LBB2_6-.Ltmp3, $3  }
0x1eb: {  	_ = 	snop  }
0x1ec: {  	v1 =	vadd.f32 v2, v1;
	_ =	sdelay $0x1  }
0x1ed: {  	[tilespmem:s1+$0x18B80] =	vst v1  }
0x1ee: {  	s25 =	simm.s32 $0x0;
	s1 =	simm.s32 $0x18B80  }
0x1ef: {  	[hbm4b:s9+s25] =	stream.linear.scatter [tilespmem:s1], [sflag:$0x7], $0x80, $0x38;
	[tilespmem:$0x18C00] =	vst v63  }
0x1f0: {  	_ =	swait.ge [sflag:s14], $0x80  }
0x1f1: {  	[sflag:s14] =	ssyncset.done $0x0  }
0x1f2: {  	s5 =	simm.s32 $0x400;
	[sflag:s14] =	ssyncadd.s32 $0xFFFFFF80  }
0x1f3: {  	[tilespmem:s5], [sflag:$0x7] =	stream.linear.gather [hbm4b:s10+s25], $0x400, $0x38;
	[tilespmem:$0x18C00] =	vst v63  }
0x1f4: {  	_ =	swait.ge [sflag:s14], $0x400  }
0x1f5: {  	[sflag:s14] =	ssyncset.done $0x0  }
0x1f6: {  	[sflag:s14] =	ssyncadd.s32 $0xFFFFFC00  }
0x1f7: {  	v1 =	vld [tilespmem:$0x400]  }
0x1f8: {  	v2 =	vld [tilespmem:$0x480]  }
0x1f9: {  	v3 =	vld [tilespmem:$0x500]  }
0x1fa: {  	v4 =	vld [tilespmem:$0x410]  }
0x1fb: {  	v5 =	vld [tilespmem:$0x490]  }
0x1fc: {  	v57 =	vld [tilespmem:$0x520];
	[tilespmem:$0x880] =	vst v1  }
0x1fd: {  	v1 =	vld [tilespmem:$0x510];
	[tilespmem:$0x980] =	vst v2  }
0x1fe: {  	v2 =	vld [tilespmem:$0x420];
	[tilespmem:$0xA80] =	vst v3  }
0x1ff: {  	v3 =	vld [tilespmem:$0x4A0];
	[tilespmem:$0x890] =	vst v4  }
0x200: {  	v58 =	vld [tilespmem:$0x430];
	[tilespmem:$0x990] =	vst v5  }
0x201: {  	v59 =	vld [tilespmem:$0x4C0];
	[tilespmem:$0xAA0] =	vst v57  }
0x202: {  	[tilespmem:$0xA90] =	vst v1;
	v1 =	vld [tilespmem:$0x4B0]  }
0x203: {  	[tilespmem:$0x8A0] =	vst v2;
	v2 =	vld [tilespmem:$0x530]  }
0x204: {  	[tilespmem:$0x9A0] =	vst v3;
	v3 =	vld [tilespmem:$0x440]  }
0x205: {  	v60 =	vld [tilespmem:$0x540];
	[tilespmem:$0x8B0] =	vst v58  }
0x206: {  	v61 =	vld [tilespmem:$0x460];
	[tilespmem:$0x9C0] =	vst v59  }
0x207: {  	[tilespmem:$0x9B0] =	vst v1;
	v1 =	vld [tilespmem:$0x450]  }
0x208: {  	[tilespmem:$0xAB0] =	vst v2;
	v2 =	vld [tilespmem:$0x4D0]  }
0x209: {  	[tilespmem:$0x8C0] =	vst v3;
	v3 =	vld [tilespmem:$0x550]  }
0x20a: {  	v62 =	vld [tilespmem:$0x4E0];
	[tilespmem:$0xAC0] =	vst v60  }
0x20b: {  	v63 =	vld [tilespmem:$0x570];
	[tilespmem:$0x8E0] =	vst v61  }
0x20c: {  	[tilespmem:$0x8D0] =	vst v1;
	v1 =	vld [tilespmem:$0x560]  }
0x20d: {  	[tilespmem:$0x9D0] =	vst v2;
	v2 =	vld [tilespmem:$0x470]  }
0x20e: {  	[tilespmem:$0xAD0] =	vst v3;
	v3 =	vld [tilespmem:$0x4F0]  }
0x20f: {  	[tilespmem:$0x9E0] =	vst v62  }
0x210: {  	[tilespmem:$0xAF0] =	vst v63  }
0x211: {  	[tilespmem:$0xAE0] =	vst v1  }
0x212: {  	[tilespmem:$0x8F0] =	vst v2  }
0x213: {  	s6 =	simm.s32 $0x880;
	[tilespmem:$0x9F0] =	vst v3  }
0x214: {  	[tilespmem:s24], [sflag:$0x2] =	stream.indirect.gather [hbm4b:s3+s15], $0x80, s6, s15, $0xb8;
	[tilespmem:$0x18C00] =	vst v63  }
0x215: {  	s7 =	simm.s32 $0x980  }
0x216: {  	[tilespmem:s26], [sflag:$0x4] =	stream.indirect.gather [hbm4b:s4+s15], $0x80, s7, s15, $0xb8;
	[tilespmem:$0x18C00] =	vst v63  }
0x217: {  	s22 =	simm.s32 $0xA80  }
0x218: {  	[tilespmem:s29], [sflag:$0x6] =	stream.indirect.gather [hbm4b:s3+s15], $0x80, s22, s15, $0xb8;
	[tilespmem:$0x18C00] =	vst v63  }
0x219: {  	_ =	swait.ge [sflag:s30], $0x4000  }
0x21a: {  	[sflag:s30] =	ssyncset.done $0x0  }
0x21b: {  	[sflag:s30] =	ssyncadd.s32 $0xFFFFC000  }
0x21c: {  	_ =	swait.ge [sflag:s31], $0x4000  }
0x21d: {  	[sflag:s31] =	ssyncset.done $0x0  }
0x21e: {  	[sflag:s31] =	ssyncadd.s32 $0xFFFFC000  }
0x21f: {  	_ =	swait.ge [sflag:s0], $0x4000  }
0x220: {  	[sflag:s0] =	ssyncset.done $0x0  }
0x221: {  	s28 =	simm.s32 $0x0;
	[sflag:s0] =	ssyncadd.s32 $0xFFFFC000  }
.LBB2_10:
0x222: {  	s1 =	sshll.u32 s28, $0x4  }
0x223: {  	v2 =	vld [tilespmem:s1+$0x180]  }
0x224: {  	v3 =	vld [tilespmem:s1+$0x280]  }
0x225: {  	v4 =	vld [tilespmem:s1+$0x200]  }
0x226: {  	v1 =	vmov s1  }
0x227: {  	v1 =	vshll.u32 v1, $0x7  }
0x228: {  	v5 =	vor.u32 v0, v1  }
0x229: {  	s5 =	simm.s32 $0x7;
	s6 =	simm.s32 $0x6;
	v1 =	vimm.f32 $0.0e+00;
	v6 =	vadd.s32 s25, v3;
	v7 =	vadd.s32 s25, v2  }
0x22a: {  	s7 =	simm.s32 $0x5;
	v8 =	vadd.s32 s25, v4;
	v9 =	vadd.s32 s5, v3;
	v10 =	vadd.s32 s6, v3  }
0x22b: {  	s22 =	simm.s32 $0x4;
	v11 =	vadd.s32 s5, v2;
	v12 =	vadd.s32 s5, v4;
	v13 =	vadd.s32 s7, v3  }
0x22c: {  	v14 =	vadd.s32 s6, v2;
	v15 =	vadd.s32 s6, v4;
	v16 =	vadd.s32 s22, v3  }
0x22d: {  	s6 =	simm.s32 $0x3;
	v17 =	vadd.s32 s7, v2;
	v18 =	vadd.s32 s7, v4;
	s7 =	simm.s32 $0x2;
	v20 =	vadd.s32 s22, v2  }
0x22e: {  	v21 =	vadd.s32 s22, v4;
	v19 =	vadd.s32 s6, v3;
	v22 =	vadd.s32 s7, v3  }
0x22f: {  	s22 =	simm.s32 $0x1;
	v23 =	vadd.s32 s6, v2;
	v24 =	vadd.s32 s6, v4;
	v25 =	vand.u32 $0x7F, v6  }
0x230: {  	v26 =	vadd.s32 s22, v3;
	v27 =	vadd.s32 s7, v2;
	v28 =	vand.u32 $0x7F, v7  }
0x231: {  	v6 =	vand.u32 $0xFFFFFF80, v6;
	v29 =	vadd.s32 s7, v4;
	v30 =	vand.u32 $0x7F, v8  }
0x232: {  	v31 =	vadd.s32 s22, v2;
	v32 =	vadd.s32 s22, v4;
	v7 =	vand.u32 $0xFFFFFF80, v7  }
0x233: {  	v8 =	vand.u32 $0xFFFFFF80, v8;
	v33 =	vand.u32 $0x7F, v9;
	v34 =	vand.u32 $0x7F, v10  }
0x234: {  	v35 =	vand.u32 $0x7F, v11;
	v9 =	vand.u32 $0xFFFFFF80, v9;
	v10 =	vand.u32 $0xFFFFFF80, v10  }
0x235: {  	v11 =	vand.u32 $0xFFFFFF80, v11;
	v36 =	vand.u32 $0x7F, v12;
	v37 =	vand.u32 $0x7F, v13  }
0x236: {  	v38 =	vand.u32 $0x7F, v14;
	v12 =	vand.u32 $0xFFFFFF80, v12;
	v13 =	vand.u32 $0xFFFFFF80, v13  }
0x237: {  	v14 =	vand.u32 $0xFFFFFF80, v14;
	v39 =	vand.u32 $0x7F, v15;
	v40 =	vand.u32 $0x7F, v16  }
0x238: {  	v41 =	vand.u32 $0x7F, v17;
	v15 =	vand.u32 $0xFFFFFF80, v15;
	v16 =	vand.u32 $0xFFFFFF80, v16  }
0x239: {  	v17 =	vand.u32 $0xFFFFFF80, v17;
	v42 =	vand.u32 $0x7F, v18;
	v44 =	vand.u32 $0x7F, v20  }
0x23a: {  	v18 =	vand.u32 $0xFFFFFF80, v18;
	v20 =	vand.u32 $0xFFFFFF80, v20;
	v45 =	vand.u32 $0x7F, v21  }
0x23b: {  	v21 =	vand.u32 $0xFFFFFF80, v21;
	v43 =	vand.u32 $0x7F, v19;
	v19 =	vand.u32 $0xFFFFFF80, v19  }
0x23c: {  	v46 =	vand.u32 $0x7F, v22;
	v47 =	vand.u32 $0x7F, v23;
	v22 =	vand.u32 $0xFFFFFF80, v22  }
0x23d: {  	v23 =	vand.u32 $0xFFFFFF80, v23;
	v48 =	vand.u32 $0x7F, v24;
	v49 =	vand.u32 $0x7F, v26  }
0x23e: {  	v50 =	vand.u32 $0x7F, v27;
	v24 =	vand.u32 $0xFFFFFF80, v24;
	v6 =	vadd.s32 v5, v6  }
0x23f: {  	v26 =	vand.u32 $0xFFFFFF80, v26;
	v51 =	vand.u32 $0x7F, v29;
	v7 =	vadd.s32 v5, v7  }
0x240: {  	v8 =	vadd.s32 v5, v8;
	v9 =	vadd.s32 v5, v9;
	v6 =	vor.u32 v25, v6  }
0x241: {  	v10 =	vadd.s32 v5, v10;
	v11 =	vadd.s32 v5, v11;
	v7 =	vor.u32 v28, v7  }
0x242: {  	v12 =	vadd.s32 v5, v12;
	v13 =	vadd.s32 v5, v13;
	v8 =	vor.u32 v30, v8  }
0x243: {  	v21 =	vadd.s32 v5, v21;
	v25 =	vand.u32 $0xFFFFFF80, v27;
	v11 =	vor.u32 v35, v11  }
0x244: {  	v27 =	vand.u32 $0xFFFFFF80, v29;
	v29 =	vand.u32 $0x7F, v31;
	v12 =	vor.u32 v36, v12  }
0x245: {  	v30 =	vand.u32 $0x7F, v32;
	v9 =	vor.u32 v33, v9;
	v60 =	vor.u32 v45, v21;
	v6 =	vld.idx.msk [tilespmem:v6+s21+$0x0], $0xffff  }
0x246: {  	v28 =	vand.u32 $0xFFFFFF80, v31;
	v10 =	vor.u32 v34, v10;
	v31 =	vand.u32 $0xFFFFFF80, v32;
	v55 =	vld.idx.msk [tilespmem:v7+s17+$0x0], $0xffff  }
0x247: {  	v13 =	vor.u32 v37, v13;
	v7 =	vadd.s32 v5, v14;
	v14 =	vadd.s32 v5, v16;
	v16 =	vld.idx.msk [tilespmem:v8+s19+$0x0], $0xffff  }
0x248: {  	v19 =	vadd.s32 v5, v19;
	v26 =	vadd.s32 v5, v26;
	v25 =	vadd.s32 v5, v25;
	v56 =	vld.idx.msk [tilespmem:v11+s17+$0x0], $0xffff  }
0x249: {  	v59 =	vadd.s32 v5, v28;
	v63 =	vor.u32 v50, v25;
	v8 =	vadd.s32 v5, v15;
	v57 =	vld.idx.msk [tilespmem:v12+s19+$0x0], $0xffff  }
0x24a: {  	v15 =	vadd.s32 v5, v17;
	v17 =	vadd.s32 v5, v18;
	v35 =	vld.idx.msk [tilespmem:v60+s19+$0x0], $0xffff;
	v18 =	vor.u32 v38, v7  }
0x24b: {  	v27 =	vadd.s32 v5, v27;
	v7 =	vld.idx.msk [tilespmem:v9+s21+$0x0], $0xffff;
	v9 =	vadd.s32 v5, v20;
	v20 =	vor.u32 v39, v8  }
0x24c: {  	v31 =	vadd.s32 v5, v31;
	v11 =	vadd.s32 v5, v23;
	v8 =	vld.idx.msk [tilespmem:v10+s21+$0x0], $0xffff;
	v15 =	vor.u32 v41, v15  }
0x24d: {  	v23 =	vadd.s32 v5, v24;
	v24 =	vor.u32 v42, v17;
	v58 =	vor.u32 v44, v9;
	v9 =	vld.idx.msk [tilespmem:v13+s21+$0x0], $0xffff  }
0x24e: {  	v34 =	vor.u32 v51, v27;
	v10 =	vadd.s32 v5, v22;
	v61 =	vor.u32 v47, v11;
	v36 =	vld.idx.msk [tilespmem:v63+s17+$0x0], $0xffff  }
0x24f: {  	v17 =	vor.u32 v40, v14;
	v62 =	vor.u32 v48, v23;
	v12 =	vor.u32 v46, v10;
	v22 =	vld.idx.msk [tilespmem:v18+s17+$0x0], $0xffff  }
0x250: {  	v13 =	vor.u32 v49, v26;
	v26 =	vor.u32 v29, v59;
	v10 =	vshll.u32 v6, $0x10;
	v21 =	vld.idx.msk [tilespmem:v20+s19+$0x0], $0xffff  }
0x251: {  	v23 =	vshll.u32 v55, $0x10;
	v11 =	vand.u32 $0xFFFF0000, v6;
	v29 =	vshll.u32 v16, $0x10;
	v28 =	vld.idx.msk [tilespmem:v15+s17+$0x0], $0xffff  }
0x252: {  	v25 =	vand.u32 $0xFFFF0000, v56;
	v38 =	vshll.u32 v57, $0x10;
	v32 =	vand.u32 $0xFFFF0000, v57;
	v27 =	vld.idx.msk [tilespmem:v24+s19+$0x0], $0xffff  }
0x253: {  	v6 =	vimm.f32 $0.0e+00;
	v18 =	vor.u32 v43, v19;
	v19 =	vor.u32 v30, v31;
	v31 =	vld.idx.msk [tilespmem:v58+s17+$0x0], $0xffff  }
0x254: {  	v20 =	vand.u32 $0xFFFF0000, v55;
	v24 =	vand.u32 $0xFFFF0000, v16;
	v37 =	vld.idx.msk [tilespmem:v61+s17+$0x0], $0xffff;
	v15 =	vshll.u32 v7, $0x10  }
0x255: {  	s22 =	simm.s32 $0x8;
	v14 =	vshll.u32 v8, $0x10;
	v33 =	vld.idx.msk [tilespmem:v62+s19+$0x0], $0xffff;
	v30 =	vshll.u32 v56, $0x10;
	v16 =	vshll.u32 v9, $0x10  }
.LBB2_11:
0x256: {  	p0 =	slt.u32 s22, $0x18;
	v39 =	vshll.u32 v22, $0x10;
	v22 =	vand.u32 $0xFFFF0000, v22;
	v40 =	vshll.u32 v21, $0x10  }
0x257: {  	v41 =	vshll.u32 v28, $0x10;
	v28 =	vand.u32 $0xFFFF0000, v28;
	v21 =	vand.u32 $0xFFFF0000, v21;
	v34 =	vld.idx.msk [tilespmem:v34+s19+$0x0], $0xffff  }
0x258: {  	v42 =	vshll.u32 v31, $0x10;
	v43 =	vshll.u32 v27, $0x10;
	v27 =	vand.u32 $0xFFFF0000, v27  }
0x259: {  	v31 =	vand.u32 $0xFFFF0000, v31;
	v44 =	vshll.u32 v35, $0x10;
	v35 =	vand.u32 $0xFFFF0000, v35;
	v26 =	vld.idx.msk [tilespmem:v26+s17+$0x0], $0xffff  }
0x25a: {  	v45 =	vshll.u32 v37, $0x10;
	v37 =	vand.u32 $0xFFFF0000, v37;
	v46 =	vshll.u32 v33, $0x10  }
0x25b: {  	v23 =	vadd.f32 v29, v23;
	v33 =	vand.u32 $0xFFFF0000, v33;
	v29 =	vshll.u32 v36, $0x10;
	v19 =	vld.idx.msk [tilespmem:v19+s19+$0x0], $0xffff  }
0x25c: {  	v20 =	vadd.f32 v24, v20;
	v30 =	vadd.f32 v38, v30;
	v24 =	vand.u32 $0xFFFF0000, v36  }
0x25d: {  	v25 =	vadd.f32 v32, v25;
	v38 =	vadd.f32 v40, v39;
	v36 =	vshll.u32 v34, $0x10;
	v17 =	vld.idx.msk [tilespmem:v17+s21+$0x0], $0xffff  }
0x25e: {  	v21 =	vadd.f32 v21, v22;
	v32 =	vand.u32 $0xFFFF0000, v34;
	v34 =	vadd.f32 v43, v41;
	v18 =	vld.idx.msk [tilespmem:v18+s21+$0x0], $0xffff  }
0x25f: {  	v27 =	vadd.f32 v27, v28;
	v39 =	vadd.f32 v44, v42;
	v22 =	vshll.u32 v26, $0x10;
	v12 =	vld.idx.msk [tilespmem:v12+s21+$0x0], $0xffff  }
0x260: {  	v31 =	vadd.f32 v35, v31;
	v28 =	vadd.f32 v46, v45;
	v26 =	vand.u32 $0xFFFF0000, v26;
	v13 =	vld.idx.msk [tilespmem:v13+s21+$0x0], $0xffff  }
0x261: {  	v33 =	vadd.f32 v33, v37;
	v29 =	vadd.f32 v36, v29;
	v35 =	vshll.u32 v19, $0x10  }
0x262: {  	v24 =	vadd.f32 v32, v24;
	v19 =	vand.u32 $0xFFFF0000, v19;
	v22 =	vadd.f32 v35, v22  }
0x263: {  	v10 =	vsub.f32 v23, v10;
	v19 =	vadd.f32 v19, v26;
	v23 =	vshll.u32 v17, $0x10  }
0x264: {  	v11 =	vsub.f32 v20, v11;
	v15 =	vsub.f32 v30, v15;
	v20 =	vshll.u32 v18, $0x10  }
0x265: {  	v14 =	vsub.f32 v38, v14;
	v16 =	vsub.f32 v34, v16;
	v26 =	vshll.u32 v12, $0x10  }
0x266: {  	v23 =	vsub.f32 v39, v23;
	v20 =	vsub.f32 v28, v20;
	v30 =	vshll.u32 v13, $0x10  }
0x267: {  	v13 =	vand.u32 $0xFFFF0000, v13;
	v26 =	vsub.f32 v29, v26;
	v22 =	vsub.f32 v22, v30  }
0x268: {  	v10 =	vand.u32 $0x7FFFFFFF, v10;
	v11 =	vand.u32 $0x7FFFFFFF, v11;
	v13 =	vsub.f32 v19, v13  }
0x269: {  	v1 =	vadd.f32 v10, v1;
	v6 =	vadd.f32 v11, v6;
	v10 =	vand.u32 $0xFFFF0000, v12  }
0x26a: {  	v10 =	vsub.f32 v24, v10;
	v11 =	vand.u32 $0x7FFFFFFF, v22;
	v12 =	vand.u32 $0x7FFFFFFF, v13  }
0x26b: {  	v1 =	vadd.f32 v11, v1;
	v6 =	vadd.f32 v12, v6;
	v11 =	vand.u32 $0xFFFF0000, v18  }
0x26c: {  	v10 =	vand.u32 $0x7FFFFFFF, v10;
	v12 =	vand.u32 $0x7FFFFFFF, v26;
	v11 =	vsub.f32 v33, v11  }
0x26d: {  	v1 =	vadd.f32 v12, v1;
	v6 =	vadd.f32 v10, v6;
	v10 =	vand.u32 $0xFFFF0000, v17  }
0x26e: {  	v12 =	vand.u32 $0x7FFFFFFF, v20;
	v11 =	vand.u32 $0x7FFFFFFF, v11;
	v10 =	vsub.f32 v31, v10  }
0x26f: {  	v9 =	vand.u32 $0xFFFF0000, v9;
	v1 =	vadd.f32 v12, v1;
	v6 =	vadd.f32 v11, v6  }
0x270: {  	v9 =	vsub.f32 v27, v9;
	v11 =	vand.u32 $0x7FFFFFFF, v23;
	v10 =	vand.u32 $0x7FFFFFFF, v10  }
0x271: {  	v8 =	vand.u32 $0xFFFF0000, v8;
	v1 =	vadd.f32 v11, v1;
	v6 =	vadd.f32 v10, v6  }
0x272: {  	v8 =	vsub.f32 v21, v8;
	v9 =	vand.u32 $0x7FFFFFFF, v9;
	v10 =	vand.u32 $0x7FFFFFFF, v16  }
0x273: {  	v7 =	vand.u32 $0xFFFF0000, v7;
	v1 =	vadd.f32 v10, v1;
	v6 =	vadd.f32 v9, v6  }
0x274: {  	v7 =	vsub.f32 v25, v7;
	v8 =	vand.u32 $0x7FFFFFFF, v8;
	v9 =	vand.u32 $0x7FFFFFFF, v14  }
0x275: {  	v1 =	vadd.f32 v9, v1;
	v6 =	vadd.f32 v8, v6  }
0x276: {  	v7 =	vand.u32 $0x7FFFFFFF, v7;
	v8 =	vand.u32 $0x7FFFFFFF, v15  }
0x277: {  	s5 =	sadd.s32 $0x7, s22;
	v9 =	vadd.s32 s22, v3;
	v1 =	vadd.f32 v8, v1;
	v6 =	vadd.f32 v7, v6  }
0x278: {  	s6 =	sadd.s32 $0x6, s22;
	v10 =	vadd.s32 s5, v3;
	v7 =	vadd.s32 s22, v2;
	v8 =	vadd.s32 s22, v4  }
0x279: {  	s7 =	sadd.s32 $0x5, s22;
	v13 =	vadd.s32 s5, v4;
	v12 =	vadd.s32 s5, v2;
	v11 =	vadd.s32 s6, v3  }
0x27a: {  	v16 =	vadd.s32 s6, v4;
	s5 =	sadd.s32 $0x4, s22;
	v14 =	vadd.s32 s7, v3;
	v15 =	vadd.s32 s6, v2  }
0x27b: {  	v19 =	vadd.s32 s7, v4;
	v18 =	vadd.s32 s7, v2;
	v17 =	vadd.s32 s5, v3;
	s6 =	sadd.s32 $0x3, s22  }
0x27c: {  	s7 =	sadd.s32 $0x2, s22;
	v21 =	vadd.s32 s5, v2;
	v22 =	vadd.s32 s5, v4;
	v20 =	vadd.s32 s6, v3  }
0x27d: {  	s5 =	sadd.s32 $0x1, s22;
	v23 =	vadd.s32 s7, v3;
	v24 =	vadd.s32 s6, v2;
	v25 =	vadd.s32 s6, v4  }
0x27e: {  	v28 =	vadd.s32 s7, v2;
	v27 =	vadd.s32 s5, v3;
	v26 =	vand.u32 $0x7F, v9  }
0x27f: {  	v30 =	vadd.s32 s7, v4;
	v9 =	vand.u32 $0xFFFFFF80, v9;
	v29 =	vand.u32 $0x7F, v7  }
0x280: {  	v32 =	vadd.s32 s5, v2;
	v33 =	vadd.s32 s5, v4;
	v31 =	vand.u32 $0x7F, v8  }
0x281: {  	v34 =	vand.u32 $0x7F, v10;
	v7 =	vand.u32 $0xFFFFFF80, v7;
	v8 =	vand.u32 $0xFFFFFF80, v8  }
0x282: {  	v36 =	vand.u32 $0x7F, v12;
	v35 =	vand.u32 $0x7F, v11;
	v10 =	vand.u32 $0xFFFFFF80, v10  }
0x283: {  	v37 =	vand.u32 $0x7F, v13;
	v12 =	vand.u32 $0xFFFFFF80, v12;
	v11 =	vand.u32 $0xFFFFFF80, v11  }
0x284: {  	v13 =	vand.u32 $0xFFFFFF80, v13;
	v38 =	vand.u32 $0x7F, v14;
	v39 =	vand.u32 $0x7F, v15  }
0x285: {  	v40 =	vand.u32 $0x7F, v16;
	v14 =	vand.u32 $0xFFFFFF80, v14;
	v15 =	vand.u32 $0xFFFFFF80, v15  }
0x286: {  	v42 =	vand.u32 $0x7F, v18;
	v16 =	vand.u32 $0xFFFFFF80, v16;
	v41 =	vand.u32 $0x7F, v17  }
0x287: {  	v43 =	vand.u32 $0x7F, v19;
	v18 =	vand.u32 $0xFFFFFF80, v18;
	v17 =	vand.u32 $0xFFFFFF80, v17  }
0x288: {  	v19 =	vand.u32 $0xFFFFFF80, v19;
	v45 =	vand.u32 $0x7F, v21;
	v44 =	vand.u32 $0x7F, v20  }
0x289: {  	v21 =	vand.u32 $0xFFFFFF80, v21;
	v46 =	vand.u32 $0x7F, v22;
	v20 =	vand.u32 $0xFFFFFF80, v20  }
0x28a: {  	v47 =	vand.u32 $0x7F, v23;
	v22 =	vand.u32 $0xFFFFFF80, v22;
	v48 =	vand.u32 $0x7F, v24  }
0x28b: {  	v23 =	vand.u32 $0xFFFFFF80, v23;
	v24 =	vand.u32 $0xFFFFFF80, v24;
	v49 =	vand.u32 $0x7F, v25  }
0x28c: {  	v51 =	vand.u32 $0x7F, v28;
	v50 =	vand.u32 $0x7F, v27;
	v25 =	vand.u32 $0xFFFFFF80, v25  }
0x28d: {  	v52 =	vand.u32 $0x7F, v30;
	v27 =	vand.u32 $0xFFFFFF80, v27;
	v9 =	vadd.s32 v5, v9  }
0x28e: {  	v9 =	vor.u32 v26, v9;
	v26 =	vand.u32 $0xFFFFFF80, v28;
	v7 =	vadd.s32 v5, v7  }
0x28f: {  	v28 =	vand.u32 $0xFFFFFF80, v30;
	v8 =	vadd.s32 v5, v8;
	v7 =	vor.u32 v29, v7  }
0x290: {  	v10 =	vadd.s32 v5, v10;
	v8 =	vor.u32 v31, v8;
	v29 =	vand.u32 $0x7F, v32  }
0x291: {  	v11 =	vadd.s32 v5, v11;
	v10 =	vor.u32 v34, v10;
	v30 =	vand.u32 $0x7F, v33  }
0x292: {  	v12 =	vadd.s32 v5, v12;
	v11 =	vor.u32 v35, v11;
	v31 =	vand.u32 $0xFFFFFF80, v32  }
0x293: {  	v33 =	vand.u32 $0xFFFFFF80, v33;
	v32 =	vld.idx.msk [tilespmem:v9+s21+$0x0], $0xffff;
	v9 =	vor.u32 v36, v12;
	v12 =	vadd.s32 v5, v13  }
0x294: {  	v13 =	vadd.s32 v5, v15;
	v35 =	vld.idx.msk [tilespmem:v7+s17+$0x0], $0xffff;
	v7 =	vadd.s32 v5, v14;
	v12 =	vor.u32 v37, v12  }
0x295: {  	v15 =	vadd.s32 v5, v17;
	v14 =	vld.idx.msk [tilespmem:v8+s19+$0x0], $0xffff;
	v17 =	vor.u32 v38, v7;
	v8 =	vadd.s32 v5, v16  }
0x296: {  	v13 =	vor.u32 v39, v13;
	v16 =	vadd.s32 v5, v18;
	v18 =	vadd.s32 v5, v19;
	v7 =	vld.idx.msk [tilespmem:v10+s21+$0x0], $0xffff  }
0x297: {  	v19 =	vadd.s32 v5, v21;
	v10 =	vadd.s32 v5, v20;
	v20 =	vor.u32 v40, v8;
	v8 =	vld.idx.msk [tilespmem:v11+s21+$0x0], $0xffff  }
0x298: {  	v21 =	vadd.s32 v5, v22;
	v16 =	vor.u32 v42, v16;
	v11 =	vadd.s32 v5, v23;
	v36 =	vld.idx.msk [tilespmem:v9+s17+$0x0], $0xffff  }
0x299: {  	v23 =	vadd.s32 v5, v24;
	v24 =	vadd.s32 v5, v25;
	v25 =	vor.u32 v43, v18;
	v39 =	vld.idx.msk [tilespmem:v12+s19+$0x0], $0xffff  }
0x29a: {  	v27 =	vadd.s32 v5, v27;
	v26 =	vadd.s32 v5, v26;
	v37 =	vor.u32 v45, v19;
	v9 =	vld.idx.msk [tilespmem:v17+s21+$0x0], $0xffff  }
0x29b: {  	v19 =	vadd.s32 v5, v31;
	v31 =	vadd.s32 v5, v28;
	v38 =	vor.u32 v46, v21;
	v22 =	vld.idx.msk [tilespmem:v13+s17+$0x0], $0xffff  }
0x29c: {  	v33 =	vadd.s32 v5, v33;
	v40 =	vor.u32 v48, v23;
	v17 =	vor.u32 v41, v15;
	v21 =	vld.idx.msk [tilespmem:v20+s19+$0x0], $0xffff  }
0x29d: {  	v18 =	vor.u32 v44, v10;
	v12 =	vor.u32 v47, v11;
	v41 =	vor.u32 v49, v24;
	v28 =	vld.idx.msk [tilespmem:v16+s17+$0x0], $0xffff  }
0x29e: {  	v34 =	vor.u32 v52, v31;
	v13 =	vor.u32 v50, v27;
	v16 =	vor.u32 v51, v26;
	v27 =	vld.idx.msk [tilespmem:v25+s19+$0x0], $0xffff  }
.Ltmp4:
0x29f: {  	v10 =	vshll.u32 v32, $0x10;
	v26 =	vor.u32 v29, v19;
	v19 =	vor.u32 v30, v33;
	v31 =	vld.idx.msk [tilespmem:v37+s17+$0x0], $0xffff;
	(pc) =	sbr.rel @p0 .LBB2_11-.Ltmp4, $4  }
0x2a0: {  	v23 =	vshll.u32 v35, $0x10;
	v11 =	vand.u32 $0xFFFF0000, v32;
	v20 =	vand.u32 $0xFFFF0000, v35;
	v35 =	vld.idx.msk [tilespmem:v38+s19+$0x0], $0xffff  }
0x2a1: {  	v24 =	vand.u32 $0xFFFF0000, v14;
	v15 =	vshll.u32 v7, $0x10;
	v29 =	vshll.u32 v14, $0x10;
	v37 =	vld.idx.msk [tilespmem:v40+s17+$0x0], $0xffff  }
0x2a2: {  	v14 =	vshll.u32 v8, $0x10;
	v30 =	vshll.u32 v36, $0x10;
	v25 =	vand.u32 $0xFFFF0000, v36;
	v33 =	vld.idx.msk [tilespmem:v41+s19+$0x0], $0xffff  }
0x2a3: {  	s22 =	sadd.s32 $0x8, s22;
	v32 =	vand.u32 $0xFFFF0000, v39;
	v38 =	vshll.u32 v39, $0x10;
	v36 =	vld.idx.msk [tilespmem:v16+s17+$0x0], $0xffff;
	v16 =	vshll.u32 v9, $0x10  }
0x2a4: {  	v2 =	vshll.u32 v22, $0x10;
	v3 =	vand.u32 $0xFFFF0000, v22;
	v4 =	vshll.u32 v21, $0x10  }
0x2a5: {  	v5 =	vshll.u32 v28, $0x10;
	v52 =	vand.u32 $0xFFFF0000, v28;
	v53 =	vand.u32 $0xFFFF0000, v21  }
0x2a6: {  	v55 =	vshll.u32 v31, $0x10;
	v39 =	vshll.u32 v27, $0x10;
	v23 =	vadd.f32 v29, v23  }
0x2a7: {  	v56 =	vand.u32 $0xFFFF0000, v27;
	v20 =	vadd.f32 v24, v20;
	v30 =	vadd.f32 v38, v30  }
0x2a8: {  	v57 =	vand.u32 $0xFFFF0000, v31;
	v2 =	vadd.f32 v4, v2;
	v4 =	vadd.f32 v32, v25  }
0x2a9: {  	v40 =	vshll.u32 v35, $0x10;
	v5 =	vadd.f32 v39, v5;
	v3 =	vadd.f32 v53, v3  }
0x2aa: {  	v54 =	vld.idx.msk [tilespmem:v34+s19+$0x0], $0xffff;
	v58 =	vand.u32 $0xFFFF0000, v35;
	v22 =	vadd.f32 v56, v52;
	v44 =	vadd.f32 v40, v55  }
0x2ab: {  	v26 =	vld.idx.msk [tilespmem:v26+s17+$0x0], $0xffff;
	v41 =	vshll.u32 v37, $0x10;
	v31 =	vadd.f32 v58, v57;
	v10 =	vsub.f32 v23, v10  }
0x2ac: {  	v19 =	vld.idx.msk [tilespmem:v19+s19+$0x0], $0xffff;
	v59 =	vand.u32 $0xFFFF0000, v37;
	v11 =	vsub.f32 v20, v11;
	v15 =	vsub.f32 v30, v15  }
0x2ad: {  	v17 =	vld.idx.msk [tilespmem:v17+s21+$0x0], $0xffff;
	v42 =	vshll.u32 v33, $0x10;
	v61 =	vand.u32 $0xFFFF0000, v33;
	v5 =	vsub.f32 v5, v16  }
0x2ae: {  	v18 =	vld.idx.msk [tilespmem:v18+s21+$0x0], $0xffff;
	v2 =	vsub.f32 v2, v14;
	v60 =	vshll.u32 v36, $0x10;
	v62 =	vand.u32 $0xFFFF0000, v36  }
0x2af: {  	v13 =	vld.idx.msk [tilespmem:v13+s21+$0x0], $0xffff;
	v45 =	vadd.f32 v42, v41;
	v33 =	vadd.f32 v61, v59;
	v10 =	vand.u32 $0x7FFFFFFF, v10  }
0x2b0: {  	v11 =	vand.u32 $0x7FFFFFFF, v11;
	v63 =	vshll.u32 v54, $0x10;
	v38 =	vand.u32 $0xFFFF0000, v54  }
0x2b1: {  	v12 =	vld.idx.msk [tilespmem:v12+s21+$0x0], $0xffff;
	v43 =	vshll.u32 v26, $0x10;
	v26 =	vand.u32 $0xFFFF0000, v26;
	v46 =	vshll.u32 v19, $0x10  }
0x2b2: {  	v19 =	vand.u32 $0xFFFF0000, v19;
	v47 =	vshll.u32 v17, $0x10;
	v1 =	vadd.f32 v10, v1  }
0x2b3: {  	v48 =	vshll.u32 v18, $0x10;
	v6 =	vadd.f32 v11, v6;
	v29 =	vadd.f32 v63, v60  }
0x2b4: {  	v50 =	vshll.u32 v13, $0x10;
	v21 =	vadd.f32 v46, v43;
	v19 =	vadd.f32 v19, v26  }
0x2b5: {  	v13 =	vand.u32 $0xFFFF0000, v13;
	v24 =	vadd.f32 v38, v62;
	v51 =	vsub.f32 v45, v48  }
0x2b6: {  	v49 =	vshll.u32 v12, $0x10;
	v14 =	vsub.f32 v21, v50;
	v13 =	vsub.f32 v19, v13  }
0x2b7: {  	v54 =	vand.u32 $0xFFFF0000, v12;
	v52 =	vsub.f32 v44, v47;
	v53 =	vsub.f32 v29, v49  }
0x2b8: {  	v10 =	vsub.f32 v24, v54;
	v55 =	vand.u32 $0x7FFFFFFF, v14;
	v56 =	vand.u32 $0x7FFFFFFF, v13  }
0x2b9: {  	v57 =	vand.u32 $0xFFFF0000, v18;
	v1 =	vadd.f32 v55, v1;
	v6 =	vadd.f32 v56, v6  }
0x2ba: {  	v11 =	vsub.f32 v33, v57;
	v58 =	vand.u32 $0x7FFFFFFF, v53;
	v10 =	vand.u32 $0x7FFFFFFF, v10  }
0x2bb: {  	v59 =	vand.u32 $0xFFFF0000, v17;
	v1 =	vadd.f32 v58, v1;
	v6 =	vadd.f32 v10, v6  }
0x2bc: {  	v60 =	vand.u32 $0x7FFFFFFF, v51;
	v11 =	vand.u32 $0x7FFFFFFF, v11;
	v10 =	vsub.f32 v31, v59  }
0x2bd: {  	v9 =	vand.u32 $0xFFFF0000, v9;
	v1 =	vadd.f32 v60, v1;
	v6 =	vadd.f32 v11, v6  }
0x2be: {  	v9 =	vsub.f32 v22, v9;
	v61 =	vand.u32 $0x7FFFFFFF, v52;
	v10 =	vand.u32 $0x7FFFFFFF, v10  }
0x2bf: {  	v8 =	vand.u32 $0xFFFF0000, v8;
	v1 =	vadd.f32 v61, v1;
	v6 =	vadd.f32 v10, v6  }
0x2c0: {  	v3 =	vsub.f32 v3, v8;
	v5 =	vand.u32 $0x7FFFFFFF, v5;
	v9 =	vand.u32 $0x7FFFFFFF, v9  }
0x2c1: {  	v63 =	vand.u32 $0xFFFF0000, v7;
	v1 =	vadd.f32 v5, v1;
	v62 =	vadd.f32 v9, v6  }
0x2c2: {  	v2 =	vand.u32 $0x7FFFFFFF, v2;
	v3 =	vand.u32 $0x7FFFFFFF, v3;
	v4 =	vsub.f32 v4, v63  }
0x2c3: {  	s28 =	sadd.s32 $0x1, s28;
	v1 =	vadd.f32 v2, v1;
	v2 =	vadd.f32 v3, v62  }
0x2c4: {  	p0 =	sne.s32 s28, $0x8;
	v4 =	vand.u32 $0x7FFFFFFF, v4;
	v3 =	vand.u32 $0x7FFFFFFF, v15  }
.Ltmp5:
0x2c5: {  	v1 =	vadd.f32 v3, v1;
	v2 =	vadd.f32 v4, v2;
	(pc) =	sbr.rel @p0 .LBB2_10-.Ltmp5, $3  }
0x2c6: {  	_ = 	snop  }
0x2c7: {  	v1 =	vadd.f32 v2, v1;
	_ =	sdelay $0x1  }
0x2c8: {  	[tilespmem:s1+$0x18B00] =	vst v1  }
0x2c9: {  	s25 =	simm.s32 $0x0;
	s1 =	simm.s32 $0x18B00  }
0x2ca: {  	[hbm4b:s11+s25] =	stream.linear.scatter [tilespmem:s1], [sflag:$0x7], $0x80, $0x38;
	[tilespmem:$0x18C00] =	vst v63  }
0x2cb: {  	_ =	swait.ge [sflag:s14], $0x80  }
0x2cc: {  	[sflag:s14] =	ssyncset.done $0x0  }
0x2cd: {  	[sflag:s14] =	ssyncadd.s32 $0xFFFFFF80  }
0x2ce: {  	_ =	swait.ge [sflag:s16], $0x4000  }
0x2cf: {  	[sflag:s16] =	ssyncset.done $0x0  }
0x2d0: {  	[sflag:s16] =	ssyncadd.s32 $0xFFFFC000  }
0x2d1: {  	_ =	swait.ge [sflag:s18], $0x4000  }
0x2d2: {  	[sflag:s18] =	ssyncset.done $0x0  }
0x2d3: {  	[sflag:s18] =	ssyncadd.s32 $0xFFFFC000  }
0x2d4: {  	_ =	swait.ge [sflag:s20], $0x4000  }
0x2d5: {  	[sflag:s20] =	ssyncset.done $0x0  }
0x2d6: {  	s28 =	simm.s32 $0x0;
	[sflag:s20] =	ssyncadd.s32 $0xFFFFC000  }
.LBB2_14:
0x2d7: {  	s1 =	sshll.u32 s28, $0x4  }
0x2d8: {  	v2 =	vld [tilespmem:s1+$0x580]  }
0x2d9: {  	v3 =	vld [tilespmem:s1+$0x680]  }
0x2da: {  	v4 =	vld [tilespmem:s1+$0x600]  }
0x2db: {  	v1 =	vmov s1  }
0x2dc: {  	v1 =	vshll.u32 v1, $0x7  }
0x2dd: {  	v5 =	vor.u32 v0, v1  }
0x2de: {  	s5 =	simm.s32 $0x7;
	s6 =	simm.s32 $0x6;
	v1 =	vimm.f32 $0.0e+00;
	v6 =	vadd.s32 s25, v3;
	v7 =	vadd.s32 s25, v2  }
0x2df: {  	s7 =	simm.s32 $0x5;
	v8 =	vadd.s32 s25, v4;
	v9 =	vadd.s32 s5, v3;
	v10 =	vadd.s32 s6, v3  }
0x2e0: {  	s22 =	simm.s32 $0x4;
	v11 =	vadd.s32 s5, v2;
	v12 =	vadd.s32 s5, v4;
	v13 =	vadd.s32 s7, v3  }
0x2e1: {  	v14 =	vadd.s32 s6, v2;
	v15 =	vadd.s32 s6, v4;
	v16 =	vadd.s32 s22, v3  }
0x2e2: {  	s6 =	simm.s32 $0x3;
	v17 =	vadd.s32 s7, v2;
	v18 =	vadd.s32 s7, v4;
	s7 =	simm.s32 $0x2;
	v20 =	vadd.s32 s22, v2  }
0x2e3: {  	v21 =	vadd.s32 s22, v4;
	v19 =	vadd.s32 s6, v3;
	v22 =	vadd.s32 s7, v3  }
0x2e4: {  	s22 =	simm.s32 $0x1;
	v23 =	vadd.s32 s6, v2;
	v24 =	vadd.s32 s6, v4;
	v25 =	vand.u32 $0x7F, v6  }
0x2e5: {  	v26 =	vadd.s32 s22, v3;
	v27 =	vadd.s32 s7, v2;
	v28 =	vand.u32 $0x7F, v7  }
0x2e6: {  	v6 =	vand.u32 $0xFFFFFF80, v6;
	v29 =	vadd.s32 s7, v4;
	v30 =	vand.u32 $0x7F, v8  }
0x2e7: {  	v31 =	vadd.s32 s22, v2;
	v32 =	vadd.s32 s22, v4;
	v7 =	vand.u32 $0xFFFFFF80, v7  }
0x2e8: {  	v8 =	vand.u32 $0xFFFFFF80, v8;
	v33 =	vand.u32 $0x7F, v9;
	v34 =	vand.u32 $0x7F, v10  }
0x2e9: {  	v35 =	vand.u32 $0x7F, v11;
	v9 =	vand.u32 $0xFFFFFF80, v9;
	v10 =	vand.u32 $0xFFFFFF80, v10  }
0x2ea: {  	v11 =	vand.u32 $0xFFFFFF80, v11;
	v36 =	vand.u32 $0x7F, v12;
	v37 =	vand.u32 $0x7F, v13  }
0x2eb: {  	v38 =	vand.u32 $0x7F, v14;
	v12 =	vand.u32 $0xFFFFFF80, v12;
	v13 =	vand.u32 $0xFFFFFF80, v13  }
0x2ec: {  	v14 =	vand.u32 $0xFFFFFF80, v14;
	v39 =	vand.u32 $0x7F, v15;
	v40 =	vand.u32 $0x7F, v16  }
0x2ed: {  	v41 =	vand.u32 $0x7F, v17;
	v15 =	vand.u32 $0xFFFFFF80, v15;
	v16 =	vand.u32 $0xFFFFFF80, v16  }
0x2ee: {  	v17 =	vand.u32 $0xFFFFFF80, v17;
	v42 =	vand.u32 $0x7F, v18;
	v44 =	vand.u32 $0x7F, v20  }
0x2ef: {  	v18 =	vand.u32 $0xFFFFFF80, v18;
	v20 =	vand.u32 $0xFFFFFF80, v20;
	v45 =	vand.u32 $0x7F, v21  }
0x2f0: {  	v21 =	vand.u32 $0xFFFFFF80, v21;
	v43 =	vand.u32 $0x7F, v19;
	v19 =	vand.u32 $0xFFFFFF80, v19  }
0x2f1: {  	v46 =	vand.u32 $0x7F, v22;
	v47 =	vand.u32 $0x7F, v23;
	v22 =	vand.u32 $0xFFFFFF80, v22  }
0x2f2: {  	v23 =	vand.u32 $0xFFFFFF80, v23;
	v48 =	vand.u32 $0x7F, v24;
	v49 =	vand.u32 $0x7F, v26  }
0x2f3: {  	v50 =	vand.u32 $0x7F, v27;
	v24 =	vand.u32 $0xFFFFFF80, v24;
	v6 =	vadd.s32 v5, v6  }
0x2f4: {  	v26 =	vand.u32 $0xFFFFFF80, v26;
	v51 =	vand.u32 $0x7F, v29;
	v7 =	vadd.s32 v5, v7  }
0x2f5: {  	v8 =	vadd.s32 v5, v8;
	v9 =	vadd.s32 v5, v9;
	v6 =	vor.u32 v25, v6  }
0x2f6: {  	v10 =	vadd.s32 v5, v10;
	v11 =	vadd.s32 v5, v11;
	v7 =	vor.u32 v28, v7  }
0x2f7: {  	v12 =	vadd.s32 v5, v12;
	v13 =	vadd.s32 v5, v13;
	v8 =	vor.u32 v30, v8  }
0x2f8: {  	v21 =	vadd.s32 v5, v21;
	v25 =	vand.u32 $0xFFFFFF80, v27;
	v11 =	vor.u32 v35, v11  }
0x2f9: {  	v27 =	vand.u32 $0xFFFFFF80, v29;
	v29 =	vand.u32 $0x7F, v31;
	v12 =	vor.u32 v36, v12  }
0x2fa: {  	v30 =	vand.u32 $0x7F, v32;
	v9 =	vor.u32 v33, v9;
	v60 =	vor.u32 v45, v21;
	v6 =	vld.idx.msk [tilespmem:v6+s29+$0x0], $0xffff  }
0x2fb: {  	v28 =	vand.u32 $0xFFFFFF80, v31;
	v10 =	vor.u32 v34, v10;
	v31 =	vand.u32 $0xFFFFFF80, v32;
	v55 =	vld.idx.msk [tilespmem:v7+s24+$0x0], $0xffff  }
0x2fc: {  	v13 =	vor.u32 v37, v13;
	v7 =	vadd.s32 v5, v14;
	v14 =	vadd.s32 v5, v16;
	v16 =	vld.idx.msk [tilespmem:v8+s26+$0x0], $0xffff  }
0x2fd: {  	v19 =	vadd.s32 v5, v19;
	v26 =	vadd.s32 v5, v26;
	v25 =	vadd.s32 v5, v25;
	v56 =	vld.idx.msk [tilespmem:v11+s24+$0x0], $0xffff  }
0x2fe: {  	v59 =	vadd.s32 v5, v28;
	v63 =	vor.u32 v50, v25;
	v8 =	vadd.s32 v5, v15;
	v57 =	vld.idx.msk [tilespmem:v12+s26+$0x0], $0xffff  }
0x2ff: {  	v15 =	vadd.s32 v5, v17;
	v17 =	vadd.s32 v5, v18;
	v35 =	vld.idx.msk [tilespmem:v60+s26+$0x0], $0xffff;
	v18 =	vor.u32 v38, v7  }
0x300: {  	v27 =	vadd.s32 v5, v27;
	v7 =	vld.idx.msk [tilespmem:v9+s29+$0x0], $0xffff;
	v9 =	vadd.s32 v5, v20;
	v20 =	vor.u32 v39, v8  }
0x301: {  	v31 =	vadd.s32 v5, v31;
	v11 =	vadd.s32 v5, v23;
	v8 =	vld.idx.msk [tilespmem:v10+s29+$0x0], $0xffff;
	v15 =	vor.u32 v41, v15  }
0x302: {  	v23 =	vadd.s32 v5, v24;
	v24 =	vor.u32 v42, v17;
	v58 =	vor.u32 v44, v9;
	v9 =	vld.idx.msk [tilespmem:v13+s29+$0x0], $0xffff  }
0x303: {  	v34 =	vor.u32 v51, v27;
	v10 =	vadd.s32 v5, v22;
	v61 =	vor.u32 v47, v11;
	v36 =	vld.idx.msk [tilespmem:v63+s24+$0x0], $0xffff  }
0x304: {  	v17 =	vor.u32 v40, v14;
	v62 =	vor.u32 v48, v23;
	v12 =	vor.u32 v46, v10;
	v22 =	vld.idx.msk [tilespmem:v18+s24+$0x0], $0xffff  }
0x305: {  	v13 =	vor.u32 v49, v26;
	v26 =	vor.u32 v29, v59;
	v10 =	vshll.u32 v6, $0x10;
	v21 =	vld.idx.msk [tilespmem:v20+s26+$0x0], $0xffff  }
0x306: {  	v23 =	vshll.u32 v55, $0x10;
	v11 =	vand.u32 $0xFFFF0000, v6;
	v29 =	vshll.u32 v16, $0x10;
	v28 =	vld.idx.msk [tilespmem:v15+s24+$0x0], $0xffff  }
0x307: {  	v25 =	vand.u32 $0xFFFF0000, v56;
	v38 =	vshll.u32 v57, $0x10;
	v32 =	vand.u32 $0xFFFF0000, v57;
	v27 =	vld.idx.msk [tilespmem:v24+s26+$0x0], $0xffff  }
0x308: {  	v6 =	vimm.f32 $0.0e+00;
	v18 =	vor.u32 v43, v19;
	v19 =	vor.u32 v30, v31;
	v31 =	vld.idx.msk [tilespmem:v58+s24+$0x0], $0xffff  }
0x309: {  	v20 =	vand.u32 $0xFFFF0000, v55;
	v24 =	vand.u32 $0xFFFF0000, v16;
	v37 =	vld.idx.msk [tilespmem:v61+s24+$0x0], $0xffff;
	v15 =	vshll.u32 v7, $0x10  }
0x30a: {  	s22 =	simm.s32 $0x8;
	v14 =	vshll.u32 v8, $0x10;
	v33 =	vld.idx.msk [tilespmem:v62+s26+$0x0], $0xffff;
	v30 =	vshll.u32 v56, $0x10;
	v16 =	vshll.u32 v9, $0x10  }
.LBB2_15:
0x30b: {  	p0 =	slt.u32 s22, $0x18;
	v39 =	vshll.u32 v22, $0x10;
	v22 =	vand.u32 $0xFFFF0000, v22;
	v40 =	vshll.u32 v21, $0x10  }
0x30c: {  	v41 =	vshll.u32 v28, $0x10;
	v28 =	vand.u32 $0xFFFF0000, v28;
	v21 =	vand.u32 $0xFFFF0000, v21;
	v34 =	vld.idx.msk [tilespmem:v34+s26+$0x0], $0xffff  }
0x30d: {  	v42 =	vshll.u32 v31, $0x10;
	v43 =	vshll.u32 v27, $0x10;
	v27 =	vand.u32 $0xFFFF0000, v27  }
0x30e: {  	v31 =	vand.u32 $0xFFFF0000, v31;
	v44 =	vshll.u32 v35, $0x10;
	v35 =	vand.u32 $0xFFFF0000, v35;
	v26 =	vld.idx.msk [tilespmem:v26+s24+$0x0], $0xffff  }
0x30f: {  	v45 =	vshll.u32 v37, $0x10;
	v37 =	vand.u32 $0xFFFF0000, v37;
	v46 =	vshll.u32 v33, $0x10  }
0x310: {  	v23 =	vadd.f32 v29, v23;
	v33 =	vand.u32 $0xFFFF0000, v33;
	v29 =	vshll.u32 v36, $0x10;
	v19 =	vld.idx.msk [tilespmem:v19+s26+$0x0], $0xffff  }
0x311: {  	v20 =	vadd.f32 v24, v20;
	v30 =	vadd.f32 v38, v30;
	v24 =	vand.u32 $0xFFFF0000, v36  }
0x312: {  	v25 =	vadd.f32 v32, v25;
	v38 =	vadd.f32 v40, v39;
	v36 =	vshll.u32 v34, $0x10;
	v17 =	vld.idx.msk [tilespmem:v17+s29+$0x0], $0xffff  }
0x313: {  	v21 =	vadd.f32 v21, v22;
	v32 =	vand.u32 $0xFFFF0000, v34;
	v34 =	vadd.f32 v43, v41;
	v18 =	vld.idx.msk [tilespmem:v18+s29+$0x0], $0xffff  }
0x314: {  	v27 =	vadd.f32 v27, v28;
	v39 =	vadd.f32 v44, v42;
	v22 =	vshll.u32 v26, $0x10;
	v12 =	vld.idx.msk [tilespmem:v12+s29+$0x0], $0xffff  }
0x315: {  	v31 =	vadd.f32 v35, v31;
	v28 =	vadd.f32 v46, v45;
	v26 =	vand.u32 $0xFFFF0000, v26;
	v13 =	vld.idx.msk [tilespmem:v13+s29+$0x0], $0xffff  }
0x316: {  	v33 =	vadd.f32 v33, v37;
	v29 =	vadd.f32 v36, v29;
	v35 =	vshll.u32 v19, $0x10  }
0x317: {  	v24 =	vadd.f32 v32, v24;
	v19 =	vand.u32 $0xFFFF0000, v19;
	v22 =	vadd.f32 v35, v22  }
0x318: {  	v10 =	vsub.f32 v23, v10;
	v19 =	vadd.f32 v19, v26;
	v23 =	vshll.u32 v17, $0x10  }
0x319: {  	v11 =	vsub.f32 v20, v11;
	v15 =	vsub.f32 v30, v15;
	v20 =	vshll.u32 v18, $0x10  }
0x31a: {  	v14 =	vsub.f32 v38, v14;
	v16 =	vsub.f32 v34, v16;
	v26 =	vshll.u32 v12, $0x10  }
0x31b: {  	v23 =	vsub.f32 v39, v23;
	v20 =	vsub.f32 v28, v20;
	v30 =	vshll.u32 v13, $0x10  }
0x31c: {  	v13 =	vand.u32 $0xFFFF0000, v13;
	v26 =	vsub.f32 v29, v26;
	v22 =	vsub.f32 v22, v30  }
0x31d: {  	v10 =	vand.u32 $0x7FFFFFFF, v10;
	v11 =	vand.u32 $0x7FFFFFFF, v11;
	v13 =	vsub.f32 v19, v13  }
0x31e: {  	v1 =	vadd.f32 v10, v1;
	v6 =	vadd.f32 v11, v6;
	v10 =	vand.u32 $0xFFFF0000, v12  }
0x31f: {  	v10 =	vsub.f32 v24, v10;
	v11 =	vand.u32 $0x7FFFFFFF, v22;
	v12 =	vand.u32 $0x7FFFFFFF, v13  }
0x320: {  	v1 =	vadd.f32 v11, v1;
	v6 =	vadd.f32 v12, v6;
	v11 =	vand.u32 $0xFFFF0000, v18  }
0x321: {  	v10 =	vand.u32 $0x7FFFFFFF, v10;
	v12 =	vand.u32 $0x7FFFFFFF, v26;
	v11 =	vsub.f32 v33, v11  }
0x322: {  	v1 =	vadd.f32 v12, v1;
	v6 =	vadd.f32 v10, v6;
	v10 =	vand.u32 $0xFFFF0000, v17  }
0x323: {  	v12 =	vand.u32 $0x7FFFFFFF, v20;
	v11 =	vand.u32 $0x7FFFFFFF, v11;
	v10 =	vsub.f32 v31, v10  }
0x324: {  	v9 =	vand.u32 $0xFFFF0000, v9;
	v1 =	vadd.f32 v12, v1;
	v6 =	vadd.f32 v11, v6  }
0x325: {  	v9 =	vsub.f32 v27, v9;
	v11 =	vand.u32 $0x7FFFFFFF, v23;
	v10 =	vand.u32 $0x7FFFFFFF, v10  }
0x326: {  	v8 =	vand.u32 $0xFFFF0000, v8;
	v1 =	vadd.f32 v11, v1;
	v6 =	vadd.f32 v10, v6  }
0x327: {  	v8 =	vsub.f32 v21, v8;
	v9 =	vand.u32 $0x7FFFFFFF, v9;
	v10 =	vand.u32 $0x7FFFFFFF, v16  }
0x328: {  	v7 =	vand.u32 $0xFFFF0000, v7;
	v1 =	vadd.f32 v10, v1;
	v6 =	vadd.f32 v9, v6  }
0x329: {  	v7 =	vsub.f32 v25, v7;
	v8 =	vand.u32 $0x7FFFFFFF, v8;
	v9 =	vand.u32 $0x7FFFFFFF, v14  }
0x32a: {  	v1 =	vadd.f32 v9, v1;
	v6 =	vadd.f32 v8, v6  }
0x32b: {  	v7 =	vand.u32 $0x7FFFFFFF, v7;
	v8 =	vand.u32 $0x7FFFFFFF, v15  }
0x32c: {  	s5 =	sadd.s32 $0x7, s22;
	v9 =	vadd.s32 s22, v3;
	v1 =	vadd.f32 v8, v1;
	v6 =	vadd.f32 v7, v6  }
0x32d: {  	s6 =	sadd.s32 $0x6, s22;
	v10 =	vadd.s32 s5, v3;
	v7 =	vadd.s32 s22, v2;
	v8 =	vadd.s32 s22, v4  }
0x32e: {  	s7 =	sadd.s32 $0x5, s22;
	v13 =	vadd.s32 s5, v4;
	v12 =	vadd.s32 s5, v2;
	v11 =	vadd.s32 s6, v3  }
0x32f: {  	v16 =	vadd.s32 s6, v4;
	s5 =	sadd.s32 $0x4, s22;
	v14 =	vadd.s32 s7, v3;
	v15 =	vadd.s32 s6, v2  }
0x330: {  	v19 =	vadd.s32 s7, v4;
	v18 =	vadd.s32 s7, v2;
	v17 =	vadd.s32 s5, v3;
	s6 =	sadd.s32 $0x3, s22  }
0x331: {  	s7 =	sadd.s32 $0x2, s22;
	v21 =	vadd.s32 s5, v2;
	v22 =	vadd.s32 s5, v4;
	v20 =	vadd.s32 s6, v3  }
0x332: {  	s5 =	sadd.s32 $0x1, s22;
	v23 =	vadd.s32 s7, v3;
	v24 =	vadd.s32 s6, v2;
	v25 =	vadd.s32 s6, v4  }
0x333: {  	v28 =	vadd.s32 s7, v2;
	v27 =	vadd.s32 s5, v3;
	v26 =	vand.u32 $0x7F, v9  }
0x334: {  	v30 =	vadd.s32 s7, v4;
	v9 =	vand.u32 $0xFFFFFF80, v9;
	v29 =	vand.u32 $0x7F, v7  }
0x335: {  	v32 =	vadd.s32 s5, v2;
	v33 =	vadd.s32 s5, v4;
	v31 =	vand.u32 $0x7F, v8  }
0x336: {  	v34 =	vand.u32 $0x7F, v10;
	v7 =	vand.u32 $0xFFFFFF80, v7;
	v8 =	vand.u32 $0xFFFFFF80, v8  }
0x337: {  	v36 =	vand.u32 $0x7F, v12;
	v35 =	vand.u32 $0x7F, v11;
	v10 =	vand.u32 $0xFFFFFF80, v10  }
0x338: {  	v37 =	vand.u32 $0x7F, v13;
	v12 =	vand.u32 $0xFFFFFF80, v12;
	v11 =	vand.u32 $0xFFFFFF80, v11  }
0x339: {  	v13 =	vand.u32 $0xFFFFFF80, v13;
	v38 =	vand.u32 $0x7F, v14;
	v39 =	vand.u32 $0x7F, v15  }
0x33a: {  	v40 =	vand.u32 $0x7F, v16;
	v14 =	vand.u32 $0xFFFFFF80, v14;
	v15 =	vand.u32 $0xFFFFFF80, v15  }
0x33b: {  	v42 =	vand.u32 $0x7F, v18;
	v16 =	vand.u32 $0xFFFFFF80, v16;
	v41 =	vand.u32 $0x7F, v17  }
0x33c: {  	v43 =	vand.u32 $0x7F, v19;
	v18 =	vand.u32 $0xFFFFFF80, v18;
	v17 =	vand.u32 $0xFFFFFF80, v17  }
0x33d: {  	v19 =	vand.u32 $0xFFFFFF80, v19;
	v45 =	vand.u32 $0x7F, v21;
	v44 =	vand.u32 $0x7F, v20  }
0x33e: {  	v21 =	vand.u32 $0xFFFFFF80, v21;
	v46 =	vand.u32 $0x7F, v22;
	v20 =	vand.u32 $0xFFFFFF80, v20  }
0x33f: {  	v47 =	vand.u32 $0x7F, v23;
	v22 =	vand.u32 $0xFFFFFF80, v22;
	v48 =	vand.u32 $0x7F, v24  }
0x340: {  	v23 =	vand.u32 $0xFFFFFF80, v23;
	v24 =	vand.u32 $0xFFFFFF80, v24;
	v49 =	vand.u32 $0x7F, v25  }
0x341: {  	v51 =	vand.u32 $0x7F, v28;
	v50 =	vand.u32 $0x7F, v27;
	v25 =	vand.u32 $0xFFFFFF80, v25  }
0x342: {  	v52 =	vand.u32 $0x7F, v30;
	v27 =	vand.u32 $0xFFFFFF80, v27;
	v9 =	vadd.s32 v5, v9  }
0x343: {  	v9 =	vor.u32 v26, v9;
	v26 =	vand.u32 $0xFFFFFF80, v28;
	v7 =	vadd.s32 v5, v7  }
0x344: {  	v28 =	vand.u32 $0xFFFFFF80, v30;
	v8 =	vadd.s32 v5, v8;
	v7 =	vor.u32 v29, v7  }
0x345: {  	v10 =	vadd.s32 v5, v10;
	v8 =	vor.u32 v31, v8;
	v29 =	vand.u32 $0x7F, v32  }
0x346: {  	v11 =	vadd.s32 v5, v11;
	v10 =	vor.u32 v34, v10;
	v30 =	vand.u32 $0x7F, v33  }
0x347: {  	v12 =	vadd.s32 v5, v12;
	v11 =	vor.u32 v35, v11;
	v31 =	vand.u32 $0xFFFFFF80, v32  }
0x348: {  	v33 =	vand.u32 $0xFFFFFF80, v33;
	v32 =	vld.idx.msk [tilespmem:v9+s29+$0x0], $0xffff;
	v9 =	vor.u32 v36, v12;
	v12 =	vadd.s32 v5, v13  }
0x349: {  	v13 =	vadd.s32 v5, v15;
	v35 =	vld.idx.msk [tilespmem:v7+s24+$0x0], $0xffff;
	v7 =	vadd.s32 v5, v14;
	v12 =	vor.u32 v37, v12  }
0x34a: {  	v15 =	vadd.s32 v5, v17;
	v14 =	vld.idx.msk [tilespmem:v8+s26+$0x0], $0xffff;
	v17 =	vor.u32 v38, v7;
	v8 =	vadd.s32 v5, v16  }
0x34b: {  	v13 =	vor.u32 v39, v13;
	v16 =	vadd.s32 v5, v18;
	v18 =	vadd.s32 v5, v19;
	v7 =	vld.idx.msk [tilespmem:v10+s29+$0x0], $0xffff  }
0x34c: {  	v19 =	vadd.s32 v5, v21;
	v10 =	vadd.s32 v5, v20;
	v20 =	vor.u32 v40, v8;
	v8 =	vld.idx.msk [tilespmem:v11+s29+$0x0], $0xffff  }
0x34d: {  	v21 =	vadd.s32 v5, v22;
	v16 =	vor.u32 v42, v16;
	v11 =	vadd.s32 v5, v23;
	v36 =	vld.idx.msk [tilespmem:v9+s24+$0x0], $0xffff  }
0x34e: {  	v23 =	vadd.s32 v5, v24;
	v24 =	vadd.s32 v5, v25;
	v25 =	vor.u32 v43, v18;
	v39 =	vld.idx.msk [tilespmem:v12+s26+$0x0], $0xffff  }
0x34f: {  	v27 =	vadd.s32 v5, v27;
	v26 =	vadd.s32 v5, v26;
	v37 =	vor.u32 v45, v19;
	v9 =	vld.idx.msk [tilespmem:v17+s29+$0x0], $0xffff  }
0x350: {  	v19 =	vadd.s32 v5, v31;
	v31 =	vadd.s32 v5, v28;
	v38 =	vor.u32 v46, v21;
	v22 =	vld.idx.msk [tilespmem:v13+s24+$0x0], $0xffff  }
0x351: {  	v33 =	vadd.s32 v5, v33;
	v40 =	vor.u32 v48, v23;
	v17 =	vor.u32 v41, v15;
	v21 =	vld.idx.msk [tilespmem:v20+s26+$0x0], $0xffff  }
0x352: {  	v18 =	vor.u32 v44, v10;
	v12 =	vor.u32 v47, v11;
	v41 =	vor.u32 v49, v24;
	v28 =	vld.idx.msk [tilespmem:v16+s24+$0x0], $0xffff  }
0x353: {  	v34 =	vor.u32 v52, v31;
	v13 =	vor.u32 v50, v27;
	v16 =	vor.u32 v51, v26;
	v27 =	vld.idx.msk [tilespmem:v25+s26+$0x0], $0xffff  }
.Ltmp6:
0x354: {  	v10 =	vshll.u32 v32, $0x10;
	v26 =	vor.u32 v29, v19;
	v19 =	vor.u32 v30, v33;
	v31 =	vld.idx.msk [tilespmem:v37+s24+$0x0], $0xffff;
	(pc) =	sbr.rel @p0 .LBB2_15-.Ltmp6, $4  }
0x355: {  	v23 =	vshll.u32 v35, $0x10;
	v11 =	vand.u32 $0xFFFF0000, v32;
	v20 =	vand.u32 $0xFFFF0000, v35;
	v35 =	vld.idx.msk [tilespmem:v38+s26+$0x0], $0xffff  }
0x356: {  	v24 =	vand.u32 $0xFFFF0000, v14;
	v15 =	vshll.u32 v7, $0x10;
	v29 =	vshll.u32 v14, $0x10;
	v37 =	vld.idx.msk [tilespmem:v40+s24+$0x0], $0xffff  }
0x357: {  	v14 =	vshll.u32 v8, $0x10;
	v30 =	vshll.u32 v36, $0x10;
	v25 =	vand.u32 $0xFFFF0000, v36;
	v33 =	vld.idx.msk [tilespmem:v41+s26+$0x0], $0xffff  }
0x358: {  	s22 =	sadd.s32 $0x8, s22;
	v32 =	vand.u32 $0xFFFF0000, v39;
	v38 =	vshll.u32 v39, $0x10;
	v36 =	vld.idx.msk [tilespmem:v16+s24+$0x0], $0xffff;
	v16 =	vshll.u32 v9, $0x10  }
0x359: {  	v2 =	vshll.u32 v22, $0x10;
	v3 =	vand.u32 $0xFFFF0000, v22;
	v4 =	vshll.u32 v21, $0x10  }
0x35a: {  	v5 =	vshll.u32 v28, $0x10;
	v52 =	vand.u32 $0xFFFF0000, v28;
	v53 =	vand.u32 $0xFFFF0000, v21  }
0x35b: {  	v55 =	vshll.u32 v31, $0x10;
	v39 =	vshll.u32 v27, $0x10;
	v23 =	vadd.f32 v29, v23  }
0x35c: {  	v56 =	vand.u32 $0xFFFF0000, v27;
	v20 =	vadd.f32 v24, v20;
	v30 =	vadd.f32 v38, v30  }
0x35d: {  	v57 =	vand.u32 $0xFFFF0000, v31;
	v2 =	vadd.f32 v4, v2;
	v4 =	vadd.f32 v32, v25  }
0x35e: {  	v40 =	vshll.u32 v35, $0x10;
	v5 =	vadd.f32 v39, v5;
	v3 =	vadd.f32 v53, v3  }
0x35f: {  	v54 =	vld.idx.msk [tilespmem:v34+s26+$0x0], $0xffff;
	v58 =	vand.u32 $0xFFFF0000, v35;
	v22 =	vadd.f32 v56, v52;
	v44 =	vadd.f32 v40, v55  }
0x360: {  	v26 =	vld.idx.msk [tilespmem:v26+s24+$0x0], $0xffff;
	v41 =	vshll.u32 v37, $0x10;
	v31 =	vadd.f32 v58, v57;
	v10 =	vsub.f32 v23, v10  }
0x361: {  	v19 =	vld.idx.msk [tilespmem:v19+s26+$0x0], $0xffff;
	v59 =	vand.u32 $0xFFFF0000, v37;
	v11 =	vsub.f32 v20, v11;
	v15 =	vsub.f32 v30, v15  }
0x362: {  	v17 =	vld.idx.msk [tilespmem:v17+s29+$0x0], $0xffff;
	v42 =	vshll.u32 v33, $0x10;
	v61 =	vand.u32 $0xFFFF0000, v33;
	v5 =	vsub.f32 v5, v16  }
0x363: {  	v18 =	vld.idx.msk [tilespmem:v18+s29+$0x0], $0xffff;
	v2 =	vsub.f32 v2, v14;
	v60 =	vshll.u32 v36, $0x10;
	v62 =	vand.u32 $0xFFFF0000, v36  }
0x364: {  	v13 =	vld.idx.msk [tilespmem:v13+s29+$0x0], $0xffff;
	v45 =	vadd.f32 v42, v41;
	v33 =	vadd.f32 v61, v59;
	v10 =	vand.u32 $0x7FFFFFFF, v10  }
0x365: {  	v11 =	vand.u32 $0x7FFFFFFF, v11;
	v63 =	vshll.u32 v54, $0x10;
	v38 =	vand.u32 $0xFFFF0000, v54  }
0x366: {  	v12 =	vld.idx.msk [tilespmem:v12+s29+$0x0], $0xffff;
	v43 =	vshll.u32 v26, $0x10;
	v26 =	vand.u32 $0xFFFF0000, v26;
	v46 =	vshll.u32 v19, $0x10  }
0x367: {  	v19 =	vand.u32 $0xFFFF0000, v19;
	v47 =	vshll.u32 v17, $0x10;
	v1 =	vadd.f32 v10, v1  }
0x368: {  	v48 =	vshll.u32 v18, $0x10;
	v6 =	vadd.f32 v11, v6;
	v29 =	vadd.f32 v63, v60  }
0x369: {  	v50 =	vshll.u32 v13, $0x10;
	v21 =	vadd.f32 v46, v43;
	v19 =	vadd.f32 v19, v26  }
0x36a: {  	v13 =	vand.u32 $0xFFFF0000, v13;
	v24 =	vadd.f32 v38, v62;
	v51 =	vsub.f32 v45, v48  }
0x36b: {  	v49 =	vshll.u32 v12, $0x10;
	v14 =	vsub.f32 v21, v50;
	v13 =	vsub.f32 v19, v13  }
0x36c: {  	v54 =	vand.u32 $0xFFFF0000, v12;
	v52 =	vsub.f32 v44, v47;
	v53 =	vsub.f32 v29, v49  }
0x36d: {  	v10 =	vsub.f32 v24, v54;
	v55 =	vand.u32 $0x7FFFFFFF, v14;
	v56 =	vand.u32 $0x7FFFFFFF, v13  }
0x36e: {  	v57 =	vand.u32 $0xFFFF0000, v18;
	v1 =	vadd.f32 v55, v1;
	v6 =	vadd.f32 v56, v6  }
0x36f: {  	v11 =	vsub.f32 v33, v57;
	v58 =	vand.u32 $0x7FFFFFFF, v53;
	v10 =	vand.u32 $0x7FFFFFFF, v10  }
0x370: {  	v59 =	vand.u32 $0xFFFF0000, v17;
	v1 =	vadd.f32 v58, v1;
	v6 =	vadd.f32 v10, v6  }
0x371: {  	v60 =	vand.u32 $0x7FFFFFFF, v51;
	v11 =	vand.u32 $0x7FFFFFFF, v11;
	v10 =	vsub.f32 v31, v59  }
0x372: {  	v9 =	vand.u32 $0xFFFF0000, v9;
	v1 =	vadd.f32 v60, v1;
	v6 =	vadd.f32 v11, v6  }
0x373: {  	v9 =	vsub.f32 v22, v9;
	v61 =	vand.u32 $0x7FFFFFFF, v52;
	v10 =	vand.u32 $0x7FFFFFFF, v10  }
0x374: {  	v8 =	vand.u32 $0xFFFF0000, v8;
	v1 =	vadd.f32 v61, v1;
	v6 =	vadd.f32 v10, v6  }
0x375: {  	v3 =	vsub.f32 v3, v8;
	v5 =	vand.u32 $0x7FFFFFFF, v5;
	v9 =	vand.u32 $0x7FFFFFFF, v9  }
0x376: {  	v63 =	vand.u32 $0xFFFF0000, v7;
	v1 =	vadd.f32 v5, v1;
	v62 =	vadd.f32 v9, v6  }
0x377: {  	v2 =	vand.u32 $0x7FFFFFFF, v2;
	v3 =	vand.u32 $0x7FFFFFFF, v3;
	v4 =	vsub.f32 v4, v63  }
0x378: {  	s28 =	sadd.s32 $0x1, s28;
	v1 =	vadd.f32 v2, v1;
	v2 =	vadd.f32 v3, v62  }
0x379: {  	p0 =	sne.s32 s28, $0x8;
	v4 =	vand.u32 $0x7FFFFFFF, v4;
	v3 =	vand.u32 $0x7FFFFFFF, v15  }
.Ltmp7:
0x37a: {  	v1 =	vadd.f32 v3, v1;
	v2 =	vadd.f32 v4, v2;
	(pc) =	sbr.rel @p0 .LBB2_14-.Ltmp7, $3  }
0x37b: {  	_ = 	snop  }
0x37c: {  	v1 =	vadd.f32 v2, v1;
	_ =	sdelay $0x1  }
0x37d: {  	[tilespmem:s1+$0x18B80] =	vst v1  }
0x37e: {  	s23 =	sadd.s32 $0x1, s23  }
0x37f: {  	p0 =	sne.s32 s23, s13  }
.Ltmp8:
0x380: {  	s1 =	simm.s32 $0x18B80;
	(pc) =	sbr.rel @p0 .LBB2_1-.Ltmp8, $4  }
0x381: {  	[hbm4b:s12+s2] =	stream.linear.scatter [tilespmem:s1], [sflag:$0x7], $0x80, $0x38;
	[tilespmem:$0x18C00] =	vst v63  }
0x382: {  	_ =	swait.ge [sflag:s14], $0x80  }
0x383: {  	[sflag:s14] =	ssyncset.done $0x0  }
0x384: {  	s7 =	simm.s32 $0x800;
	[sflag:s14] =	ssyncadd.s32 $0xFFFFFF80  }
0x385: {  	_ =	sfence.sel $0x180000  }
0x386: {  	[bflag:$0x0] =	sbarrier.arrive $0xFFFF  }
0x387: {  	_ =	strace $0x90000047  }
0x388: {  	s0 =	stileid.u32;
	[bflag:$0x2] =	sbarrier.arrive $0xFFFF  }
0x389: {  	p0 =	sne.s32 s0, $0x0;
	s0 =	rddreg [dreg:$0x2]  }
0x38a: {  	s0 =	sadd.s32 @!p0 $0x100000, s0  }
0x38b: {  	[sflag:s0] =	ssyncadd.tile.s32 @!p0 $0x1;
	_ =	shalt  }
.Lfunc_end2:
_tile_overlayer_lowered:
.L_overlay_start_2:
0x38c: {  	(tag) =	ssettag $0x2  }
0x38d: {  	s0 =	rddreg [dreg:$0x0];
	s2 =	stileid.u32  }
0x38e: {  	s1 =	rddreg [dreg:$0x1];
	p0 =	sne.s32 s2, $0x0  }
0x38f: {  	s3 =	rddreg [dreg:$0x2];
	[bflag:$0x3] =	sbarrier.arrive $0xFFFF;
	s2 =	simm.s32 @!p0 $0x1C07  }
0x390: {  	[timem:s3], [sflag:s2] =	dma.local @!p0 [hbm:s0], s1  }
0x391: {  	s0 =	simm.s32 @!p0 $0x7  }
0x392: {  	_ =	swait.ge @!p0 [sflag:s0], s1  }
0x393: {  	s1 =	ssub.s32 @!p0 $0x0, s1;
	[sflag:s0] =	ssyncset.done @!p0 $0x0  }
0x394: {  	[sflag:s0] =	ssyncadd.s32 @!p0 s1  }
0x395: {  	[bflag:$0x3] =	sbarrier.arrive $0xFFFF  }
0x396: {  	_ =	shalt  }

</sc_bundles>
